<compile_context>
chip_gen: v7x
topology: tpu7x:2x2x1
jax: 0.10.2.dev20260603
libtpu: 0.0.44.dev20260713+nightly
codegen_flags: <defaults>
</compile_context>

<pallas_src>
import functools

import jax
import jax.numpy as jnp
from jax import lax
from jax.experimental import pallas as pl
from jax.experimental.pallas import tpu as pltpu
from jax.experimental.pallas import tpu_sc as plsc

D_MODEL = 64
NUM_CORES = 2
NUM_SUBCORES = 16
NUM_WORKERS = NUM_CORES * NUM_SUBCORES
BATCH = 4096
SEQ = 200
SG_IDX = 256
SG_PER_T = BATCH // SG_IDX
N_SG = SEQ * SG_PER_T
SG_PER_W = N_SG // NUM_WORKERS


@functools.cache
def _build_gather(vocab: int):
    mesh = plsc.VectorSubcoreMesh(core_axis_name="c", subcore_axis_name="s")
    idx_per_w = SG_PER_W * SG_IDX

    @functools.partial(
        pl.kernel,
        mesh=mesh,
        out_type=jax.ShapeDtypeStruct((SEQ, 8, BATCH // 128, 8, 128),
                                      jnp.float32),
        scratch_types=[
            pltpu.VMEM((idx_per_w,), jnp.int32),
            pltpu.VMEM((SG_IDX, D_MODEL), jnp.float32),
            pltpu.VMEM((SG_IDX, D_MODEL), jnp.float32),
            pltpu.VMEM((8, 2, 9, 129), jnp.float32),
            pltpu.VMEM((8, 2, 9, 129), jnp.float32),
            pltpu.SemaphoreType.DMA,
            pltpu.SemaphoreType.DMA,
            pltpu.SemaphoreType.DMA,
            pltpu.SemaphoreType.DMA,
        ],
        compiler_params=pltpu.CompilerParams(use_tc_tiling_on_sc=False,
                                             needs_layout_passes=False,
                                             disable_bounds_checks=True),
    )
    def gather_kernel(idx_hbm, table_hbm, out_hbm, idx_v, rows0, rows1,
                      obuf0, obuf1, gsem0, gsem1, osem0, osem1):
        wid = lax.axis_index("s") * NUM_CORES + lax.axis_index("c")
        sg0 = wid * SG_PER_W
        rows = (rows0, rows1)
        obuf = (obuf0, obuf1)
        gsem = (gsem0, gsem1)
        osem = (osem0, osem1)
        iota16 = lax.iota(jnp.int32, 16)

        pltpu.sync_copy(idx_hbm.at[pl.ds(sg0 * SG_IDX, idx_per_w)], idx_v)

        def start_gather(i, b):
            pltpu.async_copy(
                table_hbm.at[idx_v.at[pl.ds(i * SG_IDX, SG_IDX)]], rows[b],
                gsem[b])

        def wait_gather(b):
            pltpu.make_async_copy(
                table_hbm.at[idx_v.at[pl.ds(0, SG_IDX)]], rows[b],
                gsem[b]).wait()

        def out_slice(i):
            s = sg0 + i
            t = s // SG_PER_T
            b0 = (s % SG_PER_T) * 2
            return out_hbm.at[t, :, pl.ds(b0, 2)]

        def obuf_view(b):
            return obuf[b].at[:, :, pl.ds(0, 8), pl.ds(0, 128)]

        def start_out(i, b):
            pltpu.async_copy(obuf_view(b), out_slice(i), osem[b])

        def wait_out(b):
            pltpu.make_async_copy(obuf_view(b), out_slice(0), osem[b]).wait()

        ddvecs = [(16 * m + iota16) >> 3 for m in range(8)]
        subvecs = [(16 * m + iota16) & 7 for m in range(8)]

        def format_group(b):
            rv = rows[b]
            ov = obuf[b]

            def jj_body(jj_static):
                jvec = jnp.full((16,), jj_static, jnp.int32)

                @plsc.parallel_loop(0, 128)
                def _(l):
                    lvec = jnp.full((16,), l, jnp.int32)
                    row = jj_static * 128 + l
                    vs = [rv[row, pl.ds(16 * m, 16)] for m in range(4)]
                    for m in range(4):
                        plsc.store_scatter(
                            ov, [ddvecs[m], jvec, subvecs[m], lvec], vs[m])

            jj_body(0)
            jj_body(1)

        start_gather(0, 0)
        start_gather(1, 1)

        for b in range(2):
            wait_gather(b)
            format_group(b)
            start_out(b, b)
            start_gather(b + 2, b)

        def pair_body(p, _):
            for b in range(2):
                i = p * 2 + b
                wait_gather(b)
                wait_out(b)
                format_group(b)
                start_out(i, b)
                start_gather(i + 2, b)
            return 0

        lax.fori_loop(1, SG_PER_W // 2 - 1, pair_body, 0)

        for b in range(2):
            i = SG_PER_W - 2 + b
            wait_gather(b)
            wait_out(b)
            format_group(b)
            start_out(i, b)
        for b in range(2):
            wait_out(b)

    return gather_kernel


def kernel(x, table):
    xt = jnp.transpose(x).reshape(-1).astype(jnp.int32)
    out5 = _build_gather(table.shape[0])(xt, table)
    o = jnp.transpose(out5, (2, 4, 0, 1, 3))
    return o.reshape(BATCH, SEQ, D_MODEL)

# --- scband reference (transcript-rebuilt; emitter-appended) ---
"""Pipeline reference for scband-embedder-10385230922030 (READ-ONLY COPY).

The authoritative reference and input builder live on the scoring server;
editing this copy changes nothing except your own understanding.
"""

import jax, jax.numpy as jnp
import numpy as np

VOCAB = 1000000
D_MODEL = 64
PADDING_IDX = 0

def setup_inputs(seed: int = 0) -> dict:
    key = jax.random.key(seed)
    k_idx, k_tab = jax.random.split(key)
    x = jax.random.randint(k_idx, (4096, 200), 0, VOCAB, dtype=jnp.int64 if jax.config.jax_enable_x64 else jnp.int32)
    table = jax.random.normal(k_tab, (VOCAB, D_MODEL), dtype=jnp.float32)
    # nn.Embedding with padding_idx zeroes the padding row at init
    table = table.at[PADDING_IDX].set(0.0)
    return {"x": x, "table": table}

def reference(x, table):
    # nn.Embedding forward: plain row gather
    return jnp.take(table, x, axis=0)

if __name__ == "__main__":
    import jax
    _d = setup_inputs()
    print(jax.jit(kernel)(*tuple(_d.values())))

</pallas_src>

<mosaic_0001>
#map = affine_map<(d0, d1) -> (0)>
#map1 = affine_map<(d0, d1) -> (0, 0)>
#map2 = affine_map<(d0, d1) -> (0, 0, 0, 0, 0)>
module attributes {stable_mosaic.version = 14 : i64} {
  func.func @gather_kernel(%arg0: i32, %arg1: i32, %arg2: memref<819200xi32, #tpu.memory_space<hbm>>, %arg3: memref<1000000x64xf32, #tpu.memory_space<hbm>>, %arg4: memref<200x8x32x8x128xf32, #tpu.memory_space<hbm>>, %arg5: memref<25600xi32, #tpu.memory_space<vmem>>, %arg6: memref<256x64xf32, #tpu.memory_space<vmem>>, %arg7: memref<256x64xf32, #tpu.memory_space<vmem>>, %arg8: memref<8x2x9x129xf32, #tpu.memory_space<vmem>>, %arg9: memref<8x2x9x129xf32, #tpu.memory_space<vmem>>, %arg10: memref<!tpu.dma_semaphore, #tpu.memory_space<semaphore_mem>>, %arg11: memref<!tpu.dma_semaphore, #tpu.memory_space<semaphore_mem>>, %arg12: memref<!tpu.dma_semaphore, #tpu.memory_space<semaphore_mem>>, %arg13: memref<!tpu.dma_semaphore, #tpu.memory_space<semaphore_mem>>) attributes {dimension_semantics = [#tpu.dimension_semantics<core_parallel>, #tpu.dimension_semantics<subcore_parallel>], iteration_bounds = array<i64: 2, 16>, scalar_prefetch = 0 : i64, scratch_operands = 9 : i64, tpu.core_type = #tpu.core_type<sc_vector_subcore>, window_params = [{transform_indices = #map}, {transform_indices = #map1}, {transform_indices = #map2}]} {
    %mul3A = arith.constant 2 : i32
    %mul3A_0 = arith.muli %arg1, %mul3A : i32
    %add3A = arith.addi %mul3A_0, %arg0 : i32
    %mul3A_1 = arith.constant 100 : i32
    %mul3A_2 = arith.muli %add3A, %mul3A_1 : i32
    %iota3A = tpu.iota {dimensions = array<i32: 0>} : vector<16xi32>
    %mul3A_3 = arith.constant 256 : i32
    %mul3A_4 = arith.muli %mul3A_2, %mul3A_3 : i32
    "tpu.region"() ({
      %run_scoped3A = tpu.sem_alloc : memref<!tpu.dma_semaphore, #tpu.memory_space<semaphore_mem>>
      %dma_start3A_684 = tpu.memref_slice %arg2[%mul3A_4] : memref<819200xi32, #tpu.memory_space<hbm>> -> memref<25600xi32, #tpu.memory_space<hbm>>
      %dma_start3A_685 = tpu.memref_slice %arg2[%mul3A_4] : memref<819200xi32, #tpu.memory_space<hbm>> -> memref<25600xi32, #tpu.memory_space<hbm>>
      tpu.enqueue_dma source(%dma_start3A_685 : memref<25600xi32, #tpu.memory_space<hbm>>) target(%arg5 : memref<25600xi32, #tpu.memory_space<vmem>>) target_semaphore(%run_scoped3A : memref<!tpu.dma_semaphore, #tpu.memory_space<semaphore_mem>>)
      %dma_wait3A_686 = tpu.memref_slice %arg2[%mul3A_4] : memref<819200xi32, #tpu.memory_space<hbm>> -> memref<25600xi32, #tpu.memory_space<hbm>>
      %dma_wait3A_687 = tpu.memref_slice %arg2[%mul3A_4] : memref<819200xi32, #tpu.memory_space<hbm>> -> memref<25600xi32, #tpu.memory_space<hbm>>
      tpu.wait_dma2 semaphore(%run_scoped3A : memref<!tpu.dma_semaphore, #tpu.memory_space<semaphore_mem>>) src(%dma_wait3A_687 : memref<25600xi32, #tpu.memory_space<hbm>>) dst(%arg5 : memref<25600xi32, #tpu.memory_space<vmem>>)
      tpu.yield
    }) : () -> ()
    %add3A_5 = arith.constant 0 : i32
    %add3A_6 = vector.broadcast %add3A_5 : i32 to vector<16xi32>
    %add3A_7 = arith.addi %add3A_6, %iota3A : vector<16xi32>
    %shift_right_arithmetic3A = arith.constant 3 : i32
    %shift_right_arithmetic3A_8 = vector.broadcast %shift_right_arithmetic3A : i32 to vector<16xi32>
    %shift_right_arithmetic3A_9 = arith.shrsi %add3A_7, %shift_right_arithmetic3A_8 : vector<16xi32>
    %add3A_10 = arith.constant 16 : i32
    %add3A_11 = vector.broadcast %add3A_10 : i32 to vector<16xi32>
    %add3A_12 = arith.addi %add3A_11, %iota3A : vector<16xi32>
    %shift_right_arithmetic3A_13 = arith.constant 3 : i32
    %shift_right_arithmetic3A_14 = vector.broadcast %shift_right_arithmetic3A_13 : i32 to vector<16xi32>
    %shift_right_arithmetic3A_15 = arith.shrsi %add3A_12, %shift_right_arithmetic3A_14 : vector<16xi32>
    %add3A_16 = arith.constant 32 : i32
    %add3A_17 = vector.broadcast %add3A_16 : i32 to vector<16xi32>
    %add3A_18 = arith.addi %add3A_17, %iota3A : vector<16xi32>
    %shift_right_arithmetic3A_19 = arith.constant 3 : i32
    %shift_right_arithmetic3A_20 = vector.broadcast %shift_right_arithmetic3A_19 : i32 to vector<16xi32>
    %shift_right_arithmetic3A_21 = arith.shrsi %add3A_18, %shift_right_arithmetic3A_20 : vector<16xi32>
    %add3A_22 = arith.constant 48 : i32
    %add3A_23 = vector.broadcast %add3A_22 : i32 to vector<16xi32>
    %add3A_24 = arith.addi %add3A_23, %iota3A : vector<16xi32>
    %shift_right_arithmetic3A_25 = arith.constant 3 : i32
    %shift_right_arithmetic3A_26 = vector.broadcast %shift_right_arithmetic3A_25 : i32 to vector<16xi32>
    %shift_right_arithmetic3A_27 = arith.shrsi %add3A_24, %shift_right_arithmetic3A_26 : vector<16xi32>
    %add3A_28 = arith.constant 64 : i32
    %add3A_29 = vector.broadcast %add3A_28 : i32 to vector<16xi32>
    %add3A_30 = arith.addi %add3A_29, %iota3A : vector<16xi32>
    %shift_right_arithmetic3A_31 = arith.constant 3 : i32
    %shift_right_arithmetic3A_32 = vector.broadcast %shift_right_arithmetic3A_31 : i32 to vector<16xi32>
    %shift_right_arithmetic3A_33 = arith.shrsi %add3A_30, %shift_right_arithmetic3A_32 : vector<16xi32>
    %add3A_34 = arith.constant 80 : i32
    %add3A_35 = vector.broadcast %add3A_34 : i32 to vector<16xi32>
    %add3A_36 = arith.addi %add3A_35, %iota3A : vector<16xi32>
    %shift_right_arithmetic3A_37 = arith.constant 3 : i32
    %shift_right_arithmetic3A_38 = vector.broadcast %shift_right_arithmetic3A_37 : i32 to vector<16xi32>
    %shift_right_arithmetic3A_39 = arith.shrsi %add3A_36, %shift_right_arithmetic3A_38 : vector<16xi32>
    %add3A_40 = arith.constant 96 : i32
    %add3A_41 = vector.broadcast %add3A_40 : i32 to vector<16xi32>
    %add3A_42 = arith.addi %add3A_41, %iota3A : vector<16xi32>
    %shift_right_arithmetic3A_43 = arith.constant 3 : i32
    %shift_right_arithmetic3A_44 = vector.broadcast %shift_right_arithmetic3A_43 : i32 to vector<16xi32>
    %shift_right_arithmetic3A_45 = arith.shrsi %add3A_42, %shift_right_arithmetic3A_44 : vector<16xi32>
    %add3A_46 = arith.constant 112 : i32
    %add3A_47 = vector.broadcast %add3A_46 : i32 to vector<16xi32>
    %add3A_48 = arith.addi %add3A_47, %iota3A : vector<16xi32>
    %shift_right_arithmetic3A_49 = arith.constant 3 : i32
    %shift_right_arithmetic3A_50 = vector.broadcast %shift_right_arithmetic3A_49 : i32 to vector<16xi32>
    %shift_right_arithmetic3A_51 = arith.shrsi %add3A_48, %shift_right_arithmetic3A_50 : vector<16xi32>
    %add3A_52 = arith.constant 0 : i32
    %add3A_53 = vector.broadcast %add3A_52 : i32 to vector<16xi32>
    %add3A_54 = arith.addi %add3A_53, %iota3A : vector<16xi32>
    %and3A = arith.constant 7 : i32
    %and3A_55 = vector.broadcast %and3A : i32 to vector<16xi32>
    %and3A_56 = arith.andi %add3A_54, %and3A_55 : vector<16xi32>
    %add3A_57 = arith.constant 16 : i32
    %add3A_58 = vector.broadcast %add3A_57 : i32 to vector<16xi32>
    %add3A_59 = arith.addi %add3A_58, %iota3A : vector<16xi32>
    %and3A_60 = arith.constant 7 : i32
    %and3A_61 = vector.broadcast %and3A_60 : i32 to vector<16xi32>
    %and3A_62 = arith.andi %add3A_59, %and3A_61 : vector<16xi32>
    %add3A_63 = arith.constant 32 : i32
    %add3A_64 = vector.broadcast %add3A_63 : i32 to vector<16xi32>
    %add3A_65 = arith.addi %add3A_64, %iota3A : vector<16xi32>
    %and3A_66 = arith.constant 7 : i32
    %and3A_67 = vector.broadcast %and3A_66 : i32 to vector<16xi32>
    %and3A_68 = arith.andi %add3A_65, %and3A_67 : vector<16xi32>
    %add3A_69 = arith.constant 48 : i32
    %add3A_70 = vector.broadcast %add3A_69 : i32 to vector<16xi32>
    %add3A_71 = arith.addi %add3A_70, %iota3A : vector<16xi32>
    %and3A_72 = arith.constant 7 : i32
    %and3A_73 = vector.broadcast %and3A_72 : i32 to vector<16xi32>
    %and3A_74 = arith.andi %add3A_71, %and3A_73 : vector<16xi32>
    %add3A_75 = arith.constant 64 : i32
    %add3A_76 = vector.broadcast %add3A_75 : i32 to vector<16xi32>
    %add3A_77 = arith.addi %add3A_76, %iota3A : vector<16xi32>
    %and3A_78 = arith.constant 7 : i32
    %and3A_79 = vector.broadcast %and3A_78 : i32 to vector<16xi32>
    %and3A_80 = arith.andi %add3A_77, %and3A_79 : vector<16xi32>
    %add3A_81 = arith.constant 80 : i32
    %add3A_82 = vector.broadcast %add3A_81 : i32 to vector<16xi32>
    %add3A_83 = arith.addi %add3A_82, %iota3A : vector<16xi32>
    %and3A_84 = arith.constant 7 : i32
    %and3A_85 = vector.broadcast %and3A_84 : i32 to vector<16xi32>
    %and3A_86 = arith.andi %add3A_83, %and3A_85 : vector<16xi32>
    %add3A_87 = arith.constant 96 : i32
    %add3A_88 = vector.broadcast %add3A_87 : i32 to vector<16xi32>
    %add3A_89 = arith.addi %add3A_88, %iota3A : vector<16xi32>
    %and3A_90 = arith.constant 7 : i32
    %and3A_91 = vector.broadcast %and3A_90 : i32 to vector<16xi32>
    %and3A_92 = arith.andi %add3A_89, %and3A_91 : vector<16xi32>
    %add3A_93 = arith.constant 112 : i32
    %add3A_94 = vector.broadcast %add3A_93 : i32 to vector<16xi32>
    %add3A_95 = arith.addi %add3A_94, %iota3A : vector<16xi32>
    %and3A_96 = arith.constant 7 : i32
    %and3A_97 = vector.broadcast %and3A_96 : i32 to vector<16xi32>
    %and3A_98 = arith.andi %add3A_95, %and3A_97 : vector<16xi32>
    %dma_start3A = arith.constant 0 : i32
    %dma_start3A_99 = tpu.memref_slice %arg5[%dma_start3A] : memref<25600xi32, #tpu.memory_space<vmem>> -> memref<256xi32, #tpu.memory_space<vmem>>
    %dma_start3A_100 = arith.constant 0 : i32
    %dma_start3A_101 = arith.constant 0 : i32
    %dma_start3A_102 = tpu.memref_slice %arg3[%dma_start3A_100, %dma_start3A_101] : memref<1000000x64xf32, #tpu.memory_space<hbm>> -> memref<1000000x64xf32, #tpu.memory_space<hbm>>
    tpu.enqueue_indirect_dma source(%dma_start3A_102 : memref<1000000x64xf32, #tpu.memory_space<hbm>>) target(%arg6 : memref<256x64xf32, #tpu.memory_space<vmem>>) offsets(%dma_start3A_99 : memref<256xi32, #tpu.memory_space<vmem>>) semaphore(%arg10 : memref<!tpu.dma_semaphore, #tpu.memory_space<semaphore_mem>>)
    %dma_start3A_103 = arith.constant 256 : i32
    %dma_start3A_104 = tpu.memref_slice %arg5[%dma_start3A_103] : memref<25600xi32, #tpu.memory_space<vmem>> -> memref<256xi32, #tpu.memory_space<vmem>>
    %dma_start3A_105 = arith.constant 0 : i32
    %dma_start3A_106 = arith.constant 0 : i32
    %dma_start3A_107 = tpu.memref_slice %arg3[%dma_start3A_105, %dma_start3A_106] : memref<1000000x64xf32, #tpu.memory_space<hbm>> -> memref<1000000x64xf32, #tpu.memory_space<hbm>>
    tpu.enqueue_indirect_dma source(%dma_start3A_107 : memref<1000000x64xf32, #tpu.memory_space<hbm>>) target(%arg7 : memref<256x64xf32, #tpu.memory_space<vmem>>) offsets(%dma_start3A_104 : memref<256xi32, #tpu.memory_space<vmem>>) semaphore(%arg11 : memref<!tpu.dma_semaphore, #tpu.memory_space<semaphore_mem>>)
    %dma_wait3A = arith.constant 0 : i32
    %dma_wait3A_108 = tpu.memref_slice %arg5[%dma_wait3A] : memref<25600xi32, #tpu.memory_space<vmem>> -> memref<256xi32, #tpu.memory_space<vmem>>
    %dma_wait3A_109 = arith.constant 0 : i32
    %dma_wait3A_110 = arith.constant 0 : i32
    %dma_wait3A_111 = tpu.memref_slice %arg3[%dma_wait3A_109, %dma_wait3A_110] : memref<1000000x64xf32, #tpu.memory_space<hbm>> -> memref<1000000x64xf32, #tpu.memory_space<hbm>>
    tpu.wait_indirect_dma semaphore(%arg10 : memref<!tpu.dma_semaphore, #tpu.memory_space<semaphore_mem>>) src(%dma_wait3A_111 : memref<1000000x64xf32, #tpu.memory_space<hbm>>) dst(%arg6 : memref<256x64xf32, #tpu.memory_space<vmem>>)
    %broadcast_in_dim3A = arith.constant 0 : i32
    %broadcast_in_dim3A_112 = vector.broadcast %broadcast_in_dim3A : i32 to vector<16xi32>
    %parallel_loop3A = arith.constant 0 : i32
    %parallel_loop3A_113 = arith.constant 128 : i32
    %parallel_loop3A_114 = arith.constant 1 : i32
    scf.for %parallel_loop3A_684 = %parallel_loop3A to %parallel_loop3A_113 step %parallel_loop3A_114  : i32 {
      %parallel_loop3A_685 = vector.broadcast %parallel_loop3A_684 : i32 to vector<16xi32>
      %parallel_loop3A_686 = arith.constant 0 : i32
      %parallel_loop3A_687 = arith.addi %parallel_loop3A_686, %parallel_loop3A_684 : i32
      %parallel_loop3A_688 = arith.index_cast %parallel_loop3A_687 : i32 to index
      %parallel_loop3A_689 = arith.constant 0 : index
      %parallel_loop3A_690 = tpu.vector_load %arg6[%parallel_loop3A_688, %parallel_loop3A_689] {strides = array<i32>} : memref<256x64xf32, #tpu.memory_space<vmem>>, vector<16xf32>,
      %parallel_loop3A_691 = arith.index_cast %parallel_loop3A_687 : i32 to index
      %parallel_loop3A_692 = arith.constant 16 : index
      %parallel_loop3A_693 = tpu.vector_load %arg6[%parallel_loop3A_691, %parallel_loop3A_692] {strides = array<i32>} : memref<256x64xf32, #tpu.memory_space<vmem>>, vector<16xf32>,
      %parallel_loop3A_694 = arith.index_cast %parallel_loop3A_687 : i32 to index
      %parallel_loop3A_695 = arith.constant 32 : index
      %parallel_loop3A_696 = tpu.vector_load %arg6[%parallel_loop3A_694, %parallel_loop3A_695] {strides = array<i32>} : memref<256x64xf32, #tpu.memory_space<vmem>>, vector<16xf32>,
      %parallel_loop3A_697 = arith.index_cast %parallel_loop3A_687 : i32 to index
      %parallel_loop3A_698 = arith.constant 48 : index
      %parallel_loop3A_699 = tpu.vector_load %arg6[%parallel_loop3A_697, %parallel_loop3A_698] {strides = array<i32>} : memref<256x64xf32, #tpu.memory_space<vmem>>, vector<16xf32>,
      tpu.vector_store_idx %arg8[%shift_right_arithmetic3A_9, %broadcast_in_dim3A_112, %and3A_56, %parallel_loop3A_685], %parallel_loop3A_690 : memref<8x2x9x129xf32, #tpu.memory_space<vmem>>[vector<16xi32>, vector<16xi32>, vector<16xi32>, vector<16xi32>], vector<16xf32>,
      tpu.vector_store_idx %arg8[%shift_right_arithmetic3A_15, %broadcast_in_dim3A_112, %and3A_62, %parallel_loop3A_685], %parallel_loop3A_693 : memref<8x2x9x129xf32, #tpu.memory_space<vmem>>[vector<16xi32>, vector<16xi32>, vector<16xi32>, vector<16xi32>], vector<16xf32>,
      tpu.vector_store_idx %arg8[%shift_right_arithmetic3A_21, %broadcast_in_dim3A_112, %and3A_68, %parallel_loop3A_685], %parallel_loop3A_696 : memref<8x2x9x129xf32, #tpu.memory_space<vmem>>[vector<16xi32>, vector<16xi32>, vector<16xi32>, vector<16xi32>], vector<16xf32>,
      tpu.vector_store_idx %arg8[%shift_right_arithmetic3A_27, %broadcast_in_dim3A_112, %and3A_74, %parallel_loop3A_685], %parallel_loop3A_699 : memref<8x2x9x129xf32, #tpu.memory_space<vmem>>[vector<16xi32>, vector<16xi32>, vector<16xi32>, vector<16xi32>], vector<16xf32>,
    } {sc.loop_unroll_factor = 1 : i64, sc.parallel_access}
    %broadcast_in_dim3A_115 = arith.constant 1 : i32
    %broadcast_in_dim3A_116 = vector.broadcast %broadcast_in_dim3A_115 : i32 to vector<16xi32>
    %parallel_loop3A_117 = arith.constant 0 : i32
    %parallel_loop3A_118 = arith.constant 128 : i32
    %parallel_loop3A_119 = arith.constant 1 : i32
    scf.for %parallel_loop3A_684 = %parallel_loop3A_117 to %parallel_loop3A_118 step %parallel_loop3A_119  : i32 {
      %parallel_loop3A_685 = vector.broadcast %parallel_loop3A_684 : i32 to vector<16xi32>
      %parallel_loop3A_686 = arith.constant 128 : i32
      %parallel_loop3A_687 = arith.addi %parallel_loop3A_686, %parallel_loop3A_684 : i32
      %parallel_loop3A_688 = arith.index_cast %parallel_loop3A_687 : i32 to index
      %parallel_loop3A_689 = arith.constant 0 : index
      %parallel_loop3A_690 = tpu.vector_load %arg6[%parallel_loop3A_688, %parallel_loop3A_689] {strides = array<i32>} : memref<256x64xf32, #tpu.memory_space<vmem>>, vector<16xf32>,
      %parallel_loop3A_691 = arith.index_cast %parallel_loop3A_687 : i32 to index
      %parallel_loop3A_692 = arith.constant 16 : index
      %parallel_loop3A_693 = tpu.vector_load %arg6[%parallel_loop3A_691, %parallel_loop3A_692] {strides = array<i32>} : memref<256x64xf32, #tpu.memory_space<vmem>>, vector<16xf32>,
      %parallel_loop3A_694 = arith.index_cast %parallel_loop3A_687 : i32 to index
      %parallel_loop3A_695 = arith.constant 32 : index
      %parallel_loop3A_696 = tpu.vector_load %arg6[%parallel_loop3A_694, %parallel_loop3A_695] {strides = array<i32>} : memref<256x64xf32, #tpu.memory_space<vmem>>, vector<16xf32>,
      %parallel_loop3A_697 = arith.index_cast %parallel_loop3A_687 : i32 to index
      %parallel_loop3A_698 = arith.constant 48 : index
      %parallel_loop3A_699 = tpu.vector_load %arg6[%parallel_loop3A_697, %parallel_loop3A_698] {strides = array<i32>} : memref<256x64xf32, #tpu.memory_space<vmem>>, vector<16xf32>,
      tpu.vector_store_idx %arg8[%shift_right_arithmetic3A_9, %broadcast_in_dim3A_116, %and3A_56, %parallel_loop3A_685], %parallel_loop3A_690 : memref<8x2x9x129xf32, #tpu.memory_space<vmem>>[vector<16xi32>, vector<16xi32>, vector<16xi32>, vector<16xi32>], vector<16xf32>,
      tpu.vector_store_idx %arg8[%shift_right_arithmetic3A_15, %broadcast_in_dim3A_116, %and3A_62, %parallel_loop3A_685], %parallel_loop3A_693 : memref<8x2x9x129xf32, #tpu.memory_space<vmem>>[vector<16xi32>, vector<16xi32>, vector<16xi32>, vector<16xi32>], vector<16xf32>,
      tpu.vector_store_idx %arg8[%shift_right_arithmetic3A_21, %broadcast_in_dim3A_116, %and3A_68, %parallel_loop3A_685], %parallel_loop3A_696 : memref<8x2x9x129xf32, #tpu.memory_space<vmem>>[vector<16xi32>, vector<16xi32>, vector<16xi32>, vector<16xi32>], vector<16xf32>,
      tpu.vector_store_idx %arg8[%shift_right_arithmetic3A_27, %broadcast_in_dim3A_116, %and3A_74, %parallel_loop3A_685], %parallel_loop3A_699 : memref<8x2x9x129xf32, #tpu.memory_space<vmem>>[vector<16xi32>, vector<16xi32>, vector<16xi32>, vector<16xi32>], vector<16xf32>,
    } {sc.loop_unroll_factor = 1 : i64, sc.parallel_access}
    %add3A_120 = arith.constant 0 : i32
    %add3A_121 = arith.addi %mul3A_2, %add3A_120 : i32
    %jit3A = arith.constant 16 : i32
    %div3A = arith.divsi %add3A_121, %jit3A : i32
    %sign3A = arith.constant 0 : i32
    %sign3A_122 = arith.cmpi sgt, %add3A_121, %sign3A : i32
    %sign3A_123 = arith.extui %sign3A_122 : i1 to i32
    %sign3A_124 = arith.constant 0 : i32
    %sign3A_125 = arith.cmpi slt, %add3A_121, %sign3A_124 : i32
    %sign3A_126 = arith.extui %sign3A_125 : i1 to i32
    %sign3A_127 = arith.subi %sign3A_123, %sign3A_126 : i32
    %sign3A_128 = arith.constant 0 : i32
    %sign3A_129 = arith.cmpi sgt, %jit3A, %sign3A_128 : i32
    %sign3A_130 = arith.extui %sign3A_129 : i1 to i32
    %sign3A_131 = arith.constant 0 : i32
    %sign3A_132 = arith.cmpi slt, %jit3A, %sign3A_131 : i32
    %sign3A_133 = arith.extui %sign3A_132 : i1 to i32
    %sign3A_134 = arith.subi %sign3A_130, %sign3A_133 : i32
    %ne3A = arith.cmpi ne, %sign3A_127, %sign3A_134 : i32
    %rem3A = arith.remsi %add3A_121, %jit3A : i32
    %ne3A_135 = arith.constant 0 : i32
    %ne3A_136 = arith.cmpi ne, %rem3A, %ne3A_135 : i32
    %and3A_137 = arith.andi %ne3A, %ne3A_136 : i1
    %sub3A = arith.constant 1 : i32
    %sub3A_138 = arith.subi %div3A, %sub3A : i32
    %select_n3A = arith.select %and3A_137, %sub3A_138, %div3A : i32
    %jit3A_139 = arith.constant 16 : i32
    %eq3A = arith.constant 0 : i32
    %eq3A_140 = arith.cmpi eq, %jit3A_139, %eq3A : i32
    %jit3A_141 = arith.constant 1 : i32
    %select_n3A_142 = arith.select %eq3A_140, %jit3A_141, %jit3A_139 : i32
    %rem3A_143 = arith.remsi %add3A_121, %select_n3A_142 : i32
    %ne3A_144 = arith.constant 0 : i32
    %ne3A_145 = arith.cmpi ne, %rem3A_143, %ne3A_144 : i32
    %lt3A = arith.constant 0 : i32
    %lt3A_146 = arith.cmpi slt, %rem3A_143, %lt3A : i32
    %lt3A_147 = arith.constant 0 : i32
    %lt3A_148 = arith.cmpi slt, %select_n3A_142, %lt3A_147 : i32
    %ne3A_149 = arith.xori %lt3A_146, %lt3A_148 : i1
    %and3A_150 = arith.andi %ne3A_149, %ne3A_145 : i1
    %add3A_151 = arith.addi %rem3A_143, %select_n3A_142 : i32
    %select_n3A_152 = arith.select %and3A_150, %add3A_151, %rem3A_143 : i32
    %mul3A_153 = arith.constant 2 : i32
    %mul3A_154 = arith.muli %select_n3A_152, %mul3A_153 : i32
    %dma_start3A_155 = arith.constant 0 : i32
    %dma_start3A_156 = arith.constant 0 : i32
    %dma_start3A_157 = arith.constant 0 : i32
    %dma_start3A_158 = arith.constant 0 : i32
    %dma_start3A_159 = tpu.memref_slice %arg8[%dma_start3A_155, %dma_start3A_156, %dma_start3A_157, %dma_start3A_158] : memref<8x2x9x129xf32, #tpu.memory_space<vmem>> -> memref<8x2x8x128xf32, #tpu.memory_space<vmem>>
    %dma_start3A_160 = arith.constant 0 : i32
    %dma_start3A_161 = arith.constant 0 : i32
    %dma_start3A_162 = arith.constant 0 : i32
    %dma_start3A_163 = tpu.memref_slice %arg4[%select_n3A, %dma_start3A_160, %mul3A_154, %dma_start3A_161, %dma_start3A_162] : memref<200x8x32x8x128xf32, #tpu.memory_space<hbm>> -> memref<1x8x2x8x128xf32, #tpu.memory_space<hbm>>
    %dma_start3A_164 = tpu.memref_squeeze %dma_start3A_163 : memref<1x8x2x8x128xf32, #tpu.memory_space<hbm>> -> memref<8x2x8x128xf32, #tpu.memory_space<hbm>>
    %dma_start3A_165 = arith.constant 0 : i32
    %dma_start3A_166 = arith.constant 0 : i32
    %dma_start3A_167 = arith.constant 0 : i32
    %dma_start3A_168 = tpu.memref_slice %arg4[%select_n3A, %dma_start3A_165, %mul3A_154, %dma_start3A_166, %dma_start3A_167] : memref<200x8x32x8x128xf32, #tpu.memory_space<hbm>> -> memref<1x8x2x8x128xf32, #tpu.memory_space<hbm>>
    %dma_start3A_169 = tpu.memref_squeeze %dma_start3A_168 : memref<1x8x2x8x128xf32, #tpu.memory_space<hbm>> -> memref<8x2x8x128xf32, #tpu.memory_space<hbm>>
    %dma_start3A_170 = arith.constant 0 : i32
    %dma_start3A_171 = arith.constant 0 : i32
    %dma_start3A_172 = arith.constant 0 : i32
    %dma_start3A_173 = arith.constant 0 : i32
    %dma_start3A_174 = tpu.memref_slice %arg8[%dma_start3A_170, %dma_start3A_171, %dma_start3A_172, %dma_start3A_173] : memref<8x2x9x129xf32, #tpu.memory_space<vmem>> -> memref<8x2x8x128xf32, #tpu.memory_space<vmem>>
    tpu.enqueue_dma source(%dma_start3A_174 : memref<8x2x8x128xf32, #tpu.memory_space<vmem>>) target(%dma_start3A_169 : memref<8x2x8x128xf32, #tpu.memory_space<hbm>>) target_semaphore(%arg12 : memref<!tpu.dma_semaphore, #tpu.memory_space<semaphore_mem>>)
    %dma_start3A_175 = arith.constant 512 : i32
    %dma_start3A_176 = tpu.memref_slice %arg5[%dma_start3A_175] : memref<25600xi32, #tpu.memory_space<vmem>> -> memref<256xi32, #tpu.memory_space<vmem>>
    %dma_start3A_177 = arith.constant 0 : i32
    %dma_start3A_178 = arith.constant 0 : i32
    %dma_start3A_179 = tpu.memref_slice %arg3[%dma_start3A_177, %dma_start3A_178] : memref<1000000x64xf32, #tpu.memory_space<hbm>> -> memref<1000000x64xf32, #tpu.memory_space<hbm>>
    tpu.enqueue_indirect_dma source(%dma_start3A_179 : memref<1000000x64xf32, #tpu.memory_space<hbm>>) target(%arg6 : memref<256x64xf32, #tpu.memory_space<vmem>>) offsets(%dma_start3A_176 : memref<256xi32, #tpu.memory_space<vmem>>) semaphore(%arg10 : memref<!tpu.dma_semaphore, #tpu.memory_space<semaphore_mem>>)
    %dma_wait3A_180 = arith.constant 0 : i32
    %dma_wait3A_181 = tpu.memref_slice %arg5[%dma_wait3A_180] : memref<25600xi32, #tpu.memory_space<vmem>> -> memref<256xi32, #tpu.memory_space<vmem>>
    %dma_wait3A_182 = arith.constant 0 : i32
    %dma_wait3A_183 = arith.constant 0 : i32
    %dma_wait3A_184 = tpu.memref_slice %arg3[%dma_wait3A_182, %dma_wait3A_183] : memref<1000000x64xf32, #tpu.memory_space<hbm>> -> memref<1000000x64xf32, #tpu.memory_space<hbm>>
    tpu.wait_indirect_dma semaphore(%arg11 : memref<!tpu.dma_semaphore, #tpu.memory_space<semaphore_mem>>) src(%dma_wait3A_184 : memref<1000000x64xf32, #tpu.memory_space<hbm>>) dst(%arg7 : memref<256x64xf32, #tpu.memory_space<vmem>>)
    %broadcast_in_dim3A_185 = arith.constant 0 : i32
    %broadcast_in_dim3A_186 = vector.broadcast %broadcast_in_dim3A_185 : i32 to vector<16xi32>
    %parallel_loop3A_187 = arith.constant 0 : i32
    %parallel_loop3A_188 = arith.constant 128 : i32
    %parallel_loop3A_189 = arith.constant 1 : i32
    scf.for %parallel_loop3A_684 = %parallel_loop3A_187 to %parallel_loop3A_188 step %parallel_loop3A_189  : i32 {
      %parallel_loop3A_685 = vector.broadcast %parallel_loop3A_684 : i32 to vector<16xi32>
      %parallel_loop3A_686 = arith.constant 0 : i32
      %parallel_loop3A_687 = arith.addi %parallel_loop3A_686, %parallel_loop3A_684 : i32
      %parallel_loop3A_688 = arith.index_cast %parallel_loop3A_687 : i32 to index
      %parallel_loop3A_689 = arith.constant 0 : index
      %parallel_loop3A_690 = tpu.vector_load %arg7[%parallel_loop3A_688, %parallel_loop3A_689] {strides = array<i32>} : memref<256x64xf32, #tpu.memory_space<vmem>>, vector<16xf32>,
      %parallel_loop3A_691 = arith.index_cast %parallel_loop3A_687 : i32 to index
      %parallel_loop3A_692 = arith.constant 16 : index
      %parallel_loop3A_693 = tpu.vector_load %arg7[%parallel_loop3A_691, %parallel_loop3A_692] {strides = array<i32>} : memref<256x64xf32, #tpu.memory_space<vmem>>, vector<16xf32>,
      %parallel_loop3A_694 = arith.index_cast %parallel_loop3A_687 : i32 to index
      %parallel_loop3A_695 = arith.constant 32 : index
      %parallel_loop3A_696 = tpu.vector_load %arg7[%parallel_loop3A_694, %parallel_loop3A_695] {strides = array<i32>} : memref<256x64xf32, #tpu.memory_space<vmem>>, vector<16xf32>,
      %parallel_loop3A_697 = arith.index_cast %parallel_loop3A_687 : i32 to index
      %parallel_loop3A_698 = arith.constant 48 : index
      %parallel_loop3A_699 = tpu.vector_load %arg7[%parallel_loop3A_697, %parallel_loop3A_698] {strides = array<i32>} : memref<256x64xf32, #tpu.memory_space<vmem>>, vector<16xf32>,
      tpu.vector_store_idx %arg9[%shift_right_arithmetic3A_9, %broadcast_in_dim3A_186, %and3A_56, %parallel_loop3A_685], %parallel_loop3A_690 : memref<8x2x9x129xf32, #tpu.memory_space<vmem>>[vector<16xi32>, vector<16xi32>, vector<16xi32>, vector<16xi32>], vector<16xf32>,
      tpu.vector_store_idx %arg9[%shift_right_arithmetic3A_15, %broadcast_in_dim3A_186, %and3A_62, %parallel_loop3A_685], %parallel_loop3A_693 : memref<8x2x9x129xf32, #tpu.memory_space<vmem>>[vector<16xi32>, vector<16xi32>, vector<16xi32>, vector<16xi32>], vector<16xf32>,
      tpu.vector_store_idx %arg9[%shift_right_arithmetic3A_21, %broadcast_in_dim3A_186, %and3A_68, %parallel_loop3A_685], %parallel_loop3A_696 : memref<8x2x9x129xf32, #tpu.memory_space<vmem>>[vector<16xi32>, vector<16xi32>, vector<16xi32>, vector<16xi32>], vector<16xf32>,
      tpu.vector_store_idx %arg9[%shift_right_arithmetic3A_27, %broadcast_in_dim3A_186, %and3A_74, %parallel_loop3A_685], %parallel_loop3A_699 : memref<8x2x9x129xf32, #tpu.memory_space<vmem>>[vector<16xi32>, vector<16xi32>, vector<16xi32>, vector<16xi32>], vector<16xf32>,
    } {sc.loop_unroll_factor = 1 : i64, sc.parallel_access}
    %broadcast_in_dim3A_190 = arith.constant 1 : i32
    %broadcast_in_dim3A_191 = vector.broadcast %broadcast_in_dim3A_190 : i32 to vector<16xi32>
    %parallel_loop3A_192 = arith.constant 0 : i32
    %parallel_loop3A_193 = arith.constant 128 : i32
    %parallel_loop3A_194 = arith.constant 1 : i32
    scf.for %parallel_loop3A_684 = %parallel_loop3A_192 to %parallel_loop3A_193 step %parallel_loop3A_194  : i32 {
      %parallel_loop3A_685 = vector.broadcast %parallel_loop3A_684 : i32 to vector<16xi32>
      %parallel_loop3A_686 = arith.constant 128 : i32
      %parallel_loop3A_687 = arith.addi %parallel_loop3A_686, %parallel_loop3A_684 : i32
      %parallel_loop3A_688 = arith.index_cast %parallel_loop3A_687 : i32 to index
      %parallel_loop3A_689 = arith.constant 0 : index
      %parallel_loop3A_690 = tpu.vector_load %arg7[%parallel_loop3A_688, %parallel_loop3A_689] {strides = array<i32>} : memref<256x64xf32, #tpu.memory_space<vmem>>, vector<16xf32>,
      %parallel_loop3A_691 = arith.index_cast %parallel_loop3A_687 : i32 to index
      %parallel_loop3A_692 = arith.constant 16 : index
      %parallel_loop3A_693 = tpu.vector_load %arg7[%parallel_loop3A_691, %parallel_loop3A_692] {strides = array<i32>} : memref<256x64xf32, #tpu.memory_space<vmem>>, vector<16xf32>,
      %parallel_loop3A_694 = arith.index_cast %parallel_loop3A_687 : i32 to index
      %parallel_loop3A_695 = arith.constant 32 : index
      %parallel_loop3A_696 = tpu.vector_load %arg7[%parallel_loop3A_694, %parallel_loop3A_695] {strides = array<i32>} : memref<256x64xf32, #tpu.memory_space<vmem>>, vector<16xf32>,
      %parallel_loop3A_697 = arith.index_cast %parallel_loop3A_687 : i32 to index
      %parallel_loop3A_698 = arith.constant 48 : index
      %parallel_loop3A_699 = tpu.vector_load %arg7[%parallel_loop3A_697, %parallel_loop3A_698] {strides = array<i32>} : memref<256x64xf32, #tpu.memory_space<vmem>>, vector<16xf32>,
      tpu.vector_store_idx %arg9[%shift_right_arithmetic3A_9, %broadcast_in_dim3A_191, %and3A_56, %parallel_loop3A_685], %parallel_loop3A_690 : memref<8x2x9x129xf32, #tpu.memory_space<vmem>>[vector<16xi32>, vector<16xi32>, vector<16xi32>, vector<16xi32>], vector<16xf32>,
      tpu.vector_store_idx %arg9[%shift_right_arithmetic3A_15, %broadcast_in_dim3A_191, %and3A_62, %parallel_loop3A_685], %parallel_loop3A_693 : memref<8x2x9x129xf32, #tpu.memory_space<vmem>>[vector<16xi32>, vector<16xi32>, vector<16xi32>, vector<16xi32>], vector<16xf32>,
      tpu.vector_store_idx %arg9[%shift_right_arithmetic3A_21, %broadcast_in_dim3A_191, %and3A_68, %parallel_loop3A_685], %parallel_loop3A_696 : memref<8x2x9x129xf32, #tpu.memory_space<vmem>>[vector<16xi32>, vector<16xi32>, vector<16xi32>, vector<16xi32>], vector<16xf32>,
      tpu.vector_store_idx %arg9[%shift_right_arithmetic3A_27, %broadcast_in_dim3A_191, %and3A_74, %parallel_loop3A_685], %parallel_loop3A_699 : memref<8x2x9x129xf32, #tpu.memory_space<vmem>>[vector<16xi32>, vector<16xi32>, vector<16xi32>, vector<16xi32>], vector<16xf32>,
    } {sc.loop_unroll_factor = 1 : i64, sc.parallel_access}
    %add3A_195 = arith.constant 1 : i32
    %add3A_196 = arith.addi %mul3A_2, %add3A_195 : i32
    %jit3A_197 = arith.constant 16 : i32
    %div3A_198 = arith.divsi %add3A_196, %jit3A_197 : i32
    %sign3A_199 = arith.constant 0 : i32
    %sign3A_200 = arith.cmpi sgt, %add3A_196, %sign3A_199 : i32
    %sign3A_201 = arith.extui %sign3A_200 : i1 to i32
    %sign3A_202 = arith.constant 0 : i32
    %sign3A_203 = arith.cmpi slt, %add3A_196, %sign3A_202 : i32
    %sign3A_204 = arith.extui %sign3A_203 : i1 to i32
    %sign3A_205 = arith.subi %sign3A_201, %sign3A_204 : i32
    %sign3A_206 = arith.constant 0 : i32
    %sign3A_207 = arith.cmpi sgt, %jit3A_197, %sign3A_206 : i32
    %sign3A_208 = arith.extui %sign3A_207 : i1 to i32
    %sign3A_209 = arith.constant 0 : i32
    %sign3A_210 = arith.cmpi slt, %jit3A_197, %sign3A_209 : i32
    %sign3A_211 = arith.extui %sign3A_210 : i1 to i32
    %sign3A_212 = arith.subi %sign3A_208, %sign3A_211 : i32
    %ne3A_213 = arith.cmpi ne, %sign3A_205, %sign3A_212 : i32
    %rem3A_214 = arith.remsi %add3A_196, %jit3A_197 : i32
    %ne3A_215 = arith.constant 0 : i32
    %ne3A_216 = arith.cmpi ne, %rem3A_214, %ne3A_215 : i32
    %and3A_217 = arith.andi %ne3A_213, %ne3A_216 : i1
    %sub3A_218 = arith.constant 1 : i32
    %sub3A_219 = arith.subi %div3A_198, %sub3A_218 : i32
    %select_n3A_220 = arith.select %and3A_217, %sub3A_219, %div3A_198 : i32
    %jit3A_221 = arith.constant 16 : i32
    %eq3A_222 = arith.constant 0 : i32
    %eq3A_223 = arith.cmpi eq, %jit3A_221, %eq3A_222 : i32
    %jit3A_224 = arith.constant 1 : i32
    %select_n3A_225 = arith.select %eq3A_223, %jit3A_224, %jit3A_221 : i32
    %rem3A_226 = arith.remsi %add3A_196, %select_n3A_225 : i32
    %ne3A_227 = arith.constant 0 : i32
    %ne3A_228 = arith.cmpi ne, %rem3A_226, %ne3A_227 : i32
    %lt3A_229 = arith.constant 0 : i32
    %lt3A_230 = arith.cmpi slt, %rem3A_226, %lt3A_229 : i32
    %lt3A_231 = arith.constant 0 : i32
    %lt3A_232 = arith.cmpi slt, %select_n3A_225, %lt3A_231 : i32
    %ne3A_233 = arith.xori %lt3A_230, %lt3A_232 : i1
    %and3A_234 = arith.andi %ne3A_233, %ne3A_228 : i1
    %add3A_235 = arith.addi %rem3A_226, %select_n3A_225 : i32
    %select_n3A_236 = arith.select %and3A_234, %add3A_235, %rem3A_226 : i32
    %mul3A_237 = arith.constant 2 : i32
    %mul3A_238 = arith.muli %select_n3A_236, %mul3A_237 : i32
    %dma_start3A_239 = arith.constant 0 : i32
    %dma_start3A_240 = arith.constant 0 : i32
    %dma_start3A_241 = arith.constant 0 : i32
    %dma_start3A_242 = arith.constant 0 : i32
    %dma_start3A_243 = tpu.memref_slice %arg9[%dma_start3A_239, %dma_start3A_240, %dma_start3A_241, %dma_start3A_242] : memref<8x2x9x129xf32, #tpu.memory_space<vmem>> -> memref<8x2x8x128xf32, #tpu.memory_space<vmem>>
    %dma_start3A_244 = arith.constant 0 : i32
    %dma_start3A_245 = arith.constant 0 : i32
    %dma_start3A_246 = arith.constant 0 : i32
    %dma_start3A_247 = tpu.memref_slice %arg4[%select_n3A_220, %dma_start3A_244, %mul3A_238, %dma_start3A_245, %dma_start3A_246] : memref<200x8x32x8x128xf32, #tpu.memory_space<hbm>> -> memref<1x8x2x8x128xf32, #tpu.memory_space<hbm>>
    %dma_start3A_248 = tpu.memref_squeeze %dma_start3A_247 : memref<1x8x2x8x128xf32, #tpu.memory_space<hbm>> -> memref<8x2x8x128xf32, #tpu.memory_space<hbm>>
    %dma_start3A_249 = arith.constant 0 : i32
    %dma_start3A_250 = arith.constant 0 : i32
    %dma_start3A_251 = arith.constant 0 : i32
    %dma_start3A_252 = tpu.memref_slice %arg4[%select_n3A_220, %dma_start3A_249, %mul3A_238, %dma_start3A_250, %dma_start3A_251] : memref<200x8x32x8x128xf32, #tpu.memory_space<hbm>> -> memref<1x8x2x8x128xf32, #tpu.memory_space<hbm>>
    %dma_start3A_253 = tpu.memref_squeeze %dma_start3A_252 : memref<1x8x2x8x128xf32, #tpu.memory_space<hbm>> -> memref<8x2x8x128xf32, #tpu.memory_space<hbm>>
    %dma_start3A_254 = arith.constant 0 : i32
    %dma_start3A_255 = arith.constant 0 : i32
    %dma_start3A_256 = arith.constant 0 : i32
    %dma_start3A_257 = arith.constant 0 : i32
    %dma_start3A_258 = tpu.memref_slice %arg9[%dma_start3A_254, %dma_start3A_255, %dma_start3A_256, %dma_start3A_257] : memref<8x2x9x129xf32, #tpu.memory_space<vmem>> -> memref<8x2x8x128xf32, #tpu.memory_space<vmem>>
    tpu.enqueue_dma source(%dma_start3A_258 : memref<8x2x8x128xf32, #tpu.memory_space<vmem>>) target(%dma_start3A_253 : memref<8x2x8x128xf32, #tpu.memory_space<hbm>>) target_semaphore(%arg13 : memref<!tpu.dma_semaphore, #tpu.memory_space<semaphore_mem>>)
    %dma_start3A_259 = arith.constant 768 : i32
    %dma_start3A_260 = tpu.memref_slice %arg5[%dma_start3A_259] : memref<25600xi32, #tpu.memory_space<vmem>> -> memref<256xi32, #tpu.memory_space<vmem>>
    %dma_start3A_261 = arith.constant 0 : i32
    %dma_start3A_262 = arith.constant 0 : i32
    %dma_start3A_263 = tpu.memref_slice %arg3[%dma_start3A_261, %dma_start3A_262] : memref<1000000x64xf32, #tpu.memory_space<hbm>> -> memref<1000000x64xf32, #tpu.memory_space<hbm>>
    tpu.enqueue_indirect_dma source(%dma_start3A_263 : memref<1000000x64xf32, #tpu.memory_space<hbm>>) target(%arg7 : memref<256x64xf32, #tpu.memory_space<vmem>>) offsets(%dma_start3A_260 : memref<256xi32, #tpu.memory_space<vmem>>) semaphore(%arg11 : memref<!tpu.dma_semaphore, #tpu.memory_space<semaphore_mem>>)
    %scan3A = arith.constant 0 : i32
    %scan3A_264 = arith.constant 1 : i32
    %scan3A_265 = arith.constant 48 : i32
    %scan3A_266 = arith.addi %scan3A_264, %scan3A_265 : i32
    %scan3A_267 = arith.constant 1 : i32
    %scan3A_268 = scf.for %scan3A_684 = %scan3A_264 to %scan3A_266 step %scan3A_267 iter_args(%scan3A_685 = %scan3A) -> (i32)  : i32 {
      %mul3A_686 = arith.constant 2 : i32
      %mul3A_687 = arith.muli %scan3A_684, %mul3A_686 : i32
      %add3A_688 = arith.constant 0 : i32
      %add3A_689 = arith.addi %mul3A_687, %add3A_688 : i32
      %dma_wait3A_690 = arith.constant 0 : i32
      %dma_wait3A_691 = tpu.memref_slice %arg5[%dma_wait3A_690] : memref<25600xi32, #tpu.memory_space<vmem>> -> memref<256xi32, #tpu.memory_space<vmem>>
      %dma_wait3A_692 = arith.constant 0 : i32
      %dma_wait3A_693 = arith.constant 0 : i32
      %dma_wait3A_694 = tpu.memref_slice %arg3[%dma_wait3A_692, %dma_wait3A_693] : memref<1000000x64xf32, #tpu.memory_space<hbm>> -> memref<1000000x64xf32, #tpu.memory_space<hbm>>
      tpu.wait_indirect_dma semaphore(%arg10 : memref<!tpu.dma_semaphore, #tpu.memory_space<semaphore_mem>>) src(%dma_wait3A_694 : memref<1000000x64xf32, #tpu.memory_space<hbm>>) dst(%arg6 : memref<256x64xf32, #tpu.memory_space<vmem>>)
      %add3A_695 = arith.constant 0 : i32
      %add3A_696 = arith.addi %mul3A_2, %add3A_695 : i32
      %jit3A_697 = arith.constant 16 : i32
      %div3A_698 = arith.divsi %add3A_696, %jit3A_697 : i32
      %sign3A_699 = arith.constant 0 : i32
      %sign3A_700 = arith.cmpi sgt, %add3A_696, %sign3A_699 : i32
      %sign3A_701 = arith.extui %sign3A_700 : i1 to i32
      %sign3A_702 = arith.constant 0 : i32
      %sign3A_703 = arith.cmpi slt, %add3A_696, %sign3A_702 : i32
      %sign3A_704 = arith.extui %sign3A_703 : i1 to i32
      %sign3A_705 = arith.subi %sign3A_701, %sign3A_704 : i32
      %sign3A_706 = arith.constant 0 : i32
      %sign3A_707 = arith.cmpi sgt, %jit3A_697, %sign3A_706 : i32
      %sign3A_708 = arith.extui %sign3A_707 : i1 to i32
      %sign3A_709 = arith.constant 0 : i32
      %sign3A_710 = arith.cmpi slt, %jit3A_697, %sign3A_709 : i32
      %sign3A_711 = arith.extui %sign3A_710 : i1 to i32
      %sign3A_712 = arith.subi %sign3A_708, %sign3A_711 : i32
      %ne3A_713 = arith.cmpi ne, %sign3A_705, %sign3A_712 : i32
      %rem3A_714 = arith.remsi %add3A_696, %jit3A_697 : i32
      %ne3A_715 = arith.constant 0 : i32
      %ne3A_716 = arith.cmpi ne, %rem3A_714, %ne3A_715 : i32
      %and3A_717 = arith.andi %ne3A_713, %ne3A_716 : i1
      %sub3A_718 = arith.constant 1 : i32
      %sub3A_719 = arith.subi %div3A_698, %sub3A_718 : i32
      %select_n3A_720 = arith.select %and3A_717, %sub3A_719, %div3A_698 : i32
      %jit3A_721 = arith.constant 16 : i32
      %eq3A_722 = arith.constant 0 : i32
      %eq3A_723 = arith.cmpi eq, %jit3A_721, %eq3A_722 : i32
      %jit3A_724 = arith.constant 1 : i32
      %select_n3A_725 = arith.select %eq3A_723, %jit3A_724, %jit3A_721 : i32
      %rem3A_726 = arith.remsi %add3A_696, %select_n3A_725 : i32
      %ne3A_727 = arith.constant 0 : i32
      %ne3A_728 = arith.cmpi ne, %rem3A_726, %ne3A_727 : i32
      %lt3A_729 = arith.constant 0 : i32
      %lt3A_730 = arith.cmpi slt, %rem3A_726, %lt3A_729 : i32
      %lt3A_731 = arith.constant 0 : i32
      %lt3A_732 = arith.cmpi slt, %select_n3A_725, %lt3A_731 : i32
      %ne3A_733 = arith.xori %lt3A_730, %lt3A_732 : i1
      %and3A_734 = arith.andi %ne3A_733, %ne3A_728 : i1
      %add3A_735 = arith.addi %rem3A_726, %select_n3A_725 : i32
      %select_n3A_736 = arith.select %and3A_734, %add3A_735, %rem3A_726 : i32
      %mul3A_737 = arith.constant 2 : i32
      %mul3A_738 = arith.muli %select_n3A_736, %mul3A_737 : i32
      %dma_wait3A_739 = arith.constant 0 : i32
      %dma_wait3A_740 = arith.constant 0 : i32
      %dma_wait3A_741 = arith.constant 0 : i32
      %dma_wait3A_742 = arith.constant 0 : i32
      %dma_wait3A_743 = tpu.memref_slice %arg8[%dma_wait3A_739, %dma_wait3A_740, %dma_wait3A_741, %dma_wait3A_742] : memref<8x2x9x129xf32, #tpu.memory_space<vmem>> -> memref<8x2x8x128xf32, #tpu.memory_space<vmem>>
      %dma_wait3A_744 = arith.constant 0 : i32
      %dma_wait3A_745 = arith.constant 0 : i32
      %dma_wait3A_746 = arith.constant 0 : i32
      %dma_wait3A_747 = tpu.memref_slice %arg4[%select_n3A_720, %dma_wait3A_744, %mul3A_738, %dma_wait3A_745, %dma_wait3A_746] : memref<200x8x32x8x128xf32, #tpu.memory_space<hbm>> -> memref<1x8x2x8x128xf32, #tpu.memory_space<hbm>>
      %dma_wait3A_748 = tpu.memref_squeeze %dma_wait3A_747 : memref<1x8x2x8x128xf32, #tpu.memory_space<hbm>> -> memref<8x2x8x128xf32, #tpu.memory_space<hbm>>
      %dma_wait3A_749 = arith.constant 0 : i32
      %dma_wait3A_750 = arith.constant 0 : i32
      %dma_wait3A_751 = arith.constant 0 : i32
      %dma_wait3A_752 = tpu.memref_slice %arg4[%select_n3A_720, %dma_wait3A_749, %mul3A_738, %dma_wait3A_750, %dma_wait3A_751] : memref<200x8x32x8x128xf32, #tpu.memory_space<hbm>> -> memref<1x8x2x8x128xf32, #tpu.memory_space<hbm>>
      %dma_wait3A_753 = tpu.memref_squeeze %dma_wait3A_752 : memref<1x8x2x8x128xf32, #tpu.memory_space<hbm>> -> memref<8x2x8x128xf32, #tpu.memory_space<hbm>>
      %dma_wait3A_754 = arith.constant 0 : i32
      %dma_wait3A_755 = arith.constant 0 : i32
      %dma_wait3A_756 = arith.constant 0 : i32
      %dma_wait3A_757 = arith.constant 0 : i32
      %dma_wait3A_758 = tpu.memref_slice %arg8[%dma_wait3A_754, %dma_wait3A_755, %dma_wait3A_756, %dma_wait3A_757] : memref<8x2x9x129xf32, #tpu.memory_space<vmem>> -> memref<8x2x8x128xf32, #tpu.memory_space<vmem>>
      tpu.wait_dma2 semaphore(%arg12 : memref<!tpu.dma_semaphore, #tpu.memory_space<semaphore_mem>>) src(%dma_wait3A_758 : memref<8x2x8x128xf32, #tpu.memory_space<vmem>>) dst(%dma_wait3A_753 : memref<8x2x8x128xf32, #tpu.memory_space<hbm>>)
      %broadcast_in_dim3A_759 = arith.constant 0 : i32
      %broadcast_in_dim3A_760 = vector.broadcast %broadcast_in_dim3A_759 : i32 to vector<16xi32>
      %parallel_loop3A_761 = arith.constant 0 : i32
      %parallel_loop3A_762 = arith.constant 128 : i32
      %parallel_loop3A_763 = arith.constant 1 : i32
      scf.for %parallel_loop3A_995 = %parallel_loop3A_761 to %parallel_loop3A_762 step %parallel_loop3A_763  : i32 {
        %parallel_loop3A_996 = vector.broadcast %parallel_loop3A_995 : i32 to vector<16xi32>
        %parallel_loop3A_997 = arith.constant 0 : i32
        %parallel_loop3A_998 = arith.addi %parallel_loop3A_997, %parallel_loop3A_995 : i32
        %parallel_loop3A_999 = arith.index_cast %parallel_loop3A_998 : i32 to index
        %parallel_loop3A_1000 = arith.constant 0 : index
        %parallel_loop3A_1001 = tpu.vector_load %arg6[%parallel_loop3A_999, %parallel_loop3A_1000] {strides = array<i32>} : memref<256x64xf32, #tpu.memory_space<vmem>>, vector<16xf32>,
        %parallel_loop3A_1002 = arith.index_cast %parallel_loop3A_998 : i32 to index
        %parallel_loop3A_1003 = arith.constant 16 : index
        %parallel_loop3A_1004 = tpu.vector_load %arg6[%parallel_loop3A_1002, %parallel_loop3A_1003] {strides = array<i32>} : memref<256x64xf32, #tpu.memory_space<vmem>>, vector<16xf32>,
        %parallel_loop3A_1005 = arith.index_cast %parallel_loop3A_998 : i32 to index
        %parallel_loop3A_1006 = arith.constant 32 : index
        %parallel_loop3A_1007 = tpu.vector_load %arg6[%parallel_loop3A_1005, %parallel_loop3A_1006] {strides = array<i32>} : memref<256x64xf32, #tpu.memory_space<vmem>>, vector<16xf32>,
        %parallel_loop3A_1008 = arith.index_cast %parallel_loop3A_998 : i32 to index
        %parallel_loop3A_1009 = arith.constant 48 : index
        %parallel_loop3A_1010 = tpu.vector_load %arg6[%parallel_loop3A_1008, %parallel_loop3A_1009] {strides = array<i32>} : memref<256x64xf32, #tpu.memory_space<vmem>>, vector<16xf32>,
        tpu.vector_store_idx %arg8[%shift_right_arithmetic3A_9, %broadcast_in_dim3A_760, %and3A_56, %parallel_loop3A_996], %parallel_loop3A_1001 : memref<8x2x9x129xf32, #tpu.memory_space<vmem>>[vector<16xi32>, vector<16xi32>, vector<16xi32>, vector<16xi32>], vector<16xf32>,
        tpu.vector_store_idx %arg8[%shift_right_arithmetic3A_15, %broadcast_in_dim3A_760, %and3A_62, %parallel_loop3A_996], %parallel_loop3A_1004 : memref<8x2x9x129xf32, #tpu.memory_space<vmem>>[vector<16xi32>, vector<16xi32>, vector<16xi32>, vector<16xi32>], vector<16xf32>,
        tpu.vector_store_idx %arg8[%shift_right_arithmetic3A_21, %broadcast_in_dim3A_760, %and3A_68, %parallel_loop3A_996], %parallel_loop3A_1007 : memref<8x2x9x129xf32, #tpu.memory_space<vmem>>[vector<16xi32>, vector<16xi32>, vector<16xi32>, vector<16xi32>], vector<16xf32>,
        tpu.vector_store_idx %arg8[%shift_right_arithmetic3A_27, %broadcast_in_dim3A_760, %and3A_74, %parallel_loop3A_996], %parallel_loop3A_1010 : memref<8x2x9x129xf32, #tpu.memory_space<vmem>>[vector<16xi32>, vector<16xi32>, vector<16xi32>, vector<16xi32>], vector<16xf32>,
      } {sc.loop_unroll_factor = 1 : i64, sc.parallel_access}
      %broadcast_in_dim3A_764 = arith.constant 1 : i32
      %broadcast_in_dim3A_765 = vector.broadcast %broadcast_in_dim3A_764 : i32 to vector<16xi32>
      %parallel_loop3A_766 = arith.constant 0 : i32
      %parallel_loop3A_767 = arith.constant 128 : i32
      %parallel_loop3A_768 = arith.constant 1 : i32
      scf.for %parallel_loop3A_995 = %parallel_loop3A_766 to %parallel_loop3A_767 step %parallel_loop3A_768  : i32 {
        %parallel_loop3A_996 = vector.broadcast %parallel_loop3A_995 : i32 to vector<16xi32>
        %parallel_loop3A_997 = arith.constant 128 : i32
        %parallel_loop3A_998 = arith.addi %parallel_loop3A_997, %parallel_loop3A_995 : i32
        %parallel_loop3A_999 = arith.index_cast %parallel_loop3A_998 : i32 to index
        %parallel_loop3A_1000 = arith.constant 0 : index
        %parallel_loop3A_1001 = tpu.vector_load %arg6[%parallel_loop3A_999, %parallel_loop3A_1000] {strides = array<i32>} : memref<256x64xf32, #tpu.memory_space<vmem>>, vector<16xf32>,
        %parallel_loop3A_1002 = arith.index_cast %parallel_loop3A_998 : i32 to index
        %parallel_loop3A_1003 = arith.constant 16 : index
        %parallel_loop3A_1004 = tpu.vector_load %arg6[%parallel_loop3A_1002, %parallel_loop3A_1003] {strides = array<i32>} : memref<256x64xf32, #tpu.memory_space<vmem>>, vector<16xf32>,
        %parallel_loop3A_1005 = arith.index_cast %parallel_loop3A_998 : i32 to index
        %parallel_loop3A_1006 = arith.constant 32 : index
        %parallel_loop3A_1007 = tpu.vector_load %arg6[%parallel_loop3A_1005, %parallel_loop3A_1006] {strides = array<i32>} : memref<256x64xf32, #tpu.memory_space<vmem>>, vector<16xf32>,
        %parallel_loop3A_1008 = arith.index_cast %parallel_loop3A_998 : i32 to index
        %parallel_loop3A_1009 = arith.constant 48 : index
        %parallel_loop3A_1010 = tpu.vector_load %arg6[%parallel_loop3A_1008, %parallel_loop3A_1009] {strides = array<i32>} : memref<256x64xf32, #tpu.memory_space<vmem>>, vector<16xf32>,
        tpu.vector_store_idx %arg8[%shift_right_arithmetic3A_9, %broadcast_in_dim3A_765, %and3A_56, %parallel_loop3A_996], %parallel_loop3A_1001 : memref<8x2x9x129xf32, #tpu.memory_space<vmem>>[vector<16xi32>, vector<16xi32>, vector<16xi32>, vector<16xi32>], vector<16xf32>,
        tpu.vector_store_idx %arg8[%shift_right_arithmetic3A_15, %broadcast_in_dim3A_765, %and3A_62, %parallel_loop3A_996], %parallel_loop3A_1004 : memref<8x2x9x129xf32, #tpu.memory_space<vmem>>[vector<16xi32>, vector<16xi32>, vector<16xi32>, vector<16xi32>], vector<16xf32>,
        tpu.vector_store_idx %arg8[%shift_right_arithmetic3A_21, %broadcast_in_dim3A_765, %and3A_68, %parallel_loop3A_996], %parallel_loop3A_1007 : memref<8x2x9x129xf32, #tpu.memory_space<vmem>>[vector<16xi32>, vector<16xi32>, vector<16xi32>, vector<16xi32>], vector<16xf32>,
        tpu.vector_store_idx %arg8[%shift_right_arithmetic3A_27, %broadcast_in_dim3A_765, %and3A_74, %parallel_loop3A_996], %parallel_loop3A_1010 : memref<8x2x9x129xf32, #tpu.memory_space<vmem>>[vector<16xi32>, vector<16xi32>, vector<16xi32>, vector<16xi32>], vector<16xf32>,
      } {sc.loop_unroll_factor = 1 : i64, sc.parallel_access}
      %add3A_769 = arith.addi %mul3A_2, %add3A_689 : i32
      %jit3A_770 = arith.constant 16 : i32
      %div3A_771 = arith.divsi %add3A_769, %jit3A_770 : i32
      %sign3A_772 = arith.constant 0 : i32
      %sign3A_773 = arith.cmpi sgt, %add3A_769, %sign3A_772 : i32
      %sign3A_774 = arith.extui %sign3A_773 : i1 to i32
      %sign3A_775 = arith.constant 0 : i32
      %sign3A_776 = arith.cmpi slt, %add3A_769, %sign3A_775 : i32
      %sign3A_777 = arith.extui %sign3A_776 : i1 to i32
      %sign3A_778 = arith.subi %sign3A_774, %sign3A_777 : i32
      %sign3A_779 = arith.constant 0 : i32
      %sign3A_780 = arith.cmpi sgt, %jit3A_770, %sign3A_779 : i32
      %sign3A_781 = arith.extui %sign3A_780 : i1 to i32
      %sign3A_782 = arith.constant 0 : i32
      %sign3A_783 = arith.cmpi slt, %jit3A_770, %sign3A_782 : i32
      %sign3A_784 = arith.extui %sign3A_783 : i1 to i32
      %sign3A_785 = arith.subi %sign3A_781, %sign3A_784 : i32
      %ne3A_786 = arith.cmpi ne, %sign3A_778, %sign3A_785 : i32
      %rem3A_787 = arith.remsi %add3A_769, %jit3A_770 : i32
      %ne3A_788 = arith.constant 0 : i32
      %ne3A_789 = arith.cmpi ne, %rem3A_787, %ne3A_788 : i32
      %and3A_790 = arith.andi %ne3A_786, %ne3A_789 : i1
      %sub3A_791 = arith.constant 1 : i32
      %sub3A_792 = arith.subi %div3A_771, %sub3A_791 : i32
      %select_n3A_793 = arith.select %and3A_790, %sub3A_792, %div3A_771 : i32
      %jit3A_794 = arith.constant 16 : i32
      %eq3A_795 = arith.constant 0 : i32
      %eq3A_796 = arith.cmpi eq, %jit3A_794, %eq3A_795 : i32
      %jit3A_797 = arith.constant 1 : i32
      %select_n3A_798 = arith.select %eq3A_796, %jit3A_797, %jit3A_794 : i32
      %rem3A_799 = arith.remsi %add3A_769, %select_n3A_798 : i32
      %ne3A_800 = arith.constant 0 : i32
      %ne3A_801 = arith.cmpi ne, %rem3A_799, %ne3A_800 : i32
      %lt3A_802 = arith.constant 0 : i32
      %lt3A_803 = arith.cmpi slt, %rem3A_799, %lt3A_802 : i32
      %lt3A_804 = arith.constant 0 : i32
      %lt3A_805 = arith.cmpi slt, %select_n3A_798, %lt3A_804 : i32
      %ne3A_806 = arith.xori %lt3A_803, %lt3A_805 : i1
      %and3A_807 = arith.andi %ne3A_806, %ne3A_801 : i1
      %add3A_808 = arith.addi %rem3A_799, %select_n3A_798 : i32
      %select_n3A_809 = arith.select %and3A_807, %add3A_808, %rem3A_799 : i32
      %mul3A_810 = arith.constant 2 : i32
      %mul3A_811 = arith.muli %select_n3A_809, %mul3A_810 : i32
      %dma_start3A_812 = arith.constant 0 : i32
      %dma_start3A_813 = arith.constant 0 : i32
      %dma_start3A_814 = arith.constant 0 : i32
      %dma_start3A_815 = arith.constant 0 : i32
      %dma_start3A_816 = tpu.memref_slice %arg8[%dma_start3A_812, %dma_start3A_813, %dma_start3A_814, %dma_start3A_815] : memref<8x2x9x129xf32, #tpu.memory_space<vmem>> -> memref<8x2x8x128xf32, #tpu.memory_space<vmem>>
      %dma_start3A_817 = arith.constant 0 : i32
      %dma_start3A_818 = arith.constant 0 : i32
      %dma_start3A_819 = arith.constant 0 : i32
      %dma_start3A_820 = tpu.memref_slice %arg4[%select_n3A_793, %dma_start3A_817, %mul3A_811, %dma_start3A_818, %dma_start3A_819] : memref<200x8x32x8x128xf32, #tpu.memory_space<hbm>> -> memref<1x8x2x8x128xf32, #tpu.memory_space<hbm>>
      %dma_start3A_821 = tpu.memref_squeeze %dma_start3A_820 : memref<1x8x2x8x128xf32, #tpu.memory_space<hbm>> -> memref<8x2x8x128xf32, #tpu.memory_space<hbm>>
      %dma_start3A_822 = arith.constant 0 : i32
      %dma_start3A_823 = arith.constant 0 : i32
      %dma_start3A_824 = arith.constant 0 : i32
      %dma_start3A_825 = tpu.memref_slice %arg4[%select_n3A_793, %dma_start3A_822, %mul3A_811, %dma_start3A_823, %dma_start3A_824] : memref<200x8x32x8x128xf32, #tpu.memory_space<hbm>> -> memref<1x8x2x8x128xf32, #tpu.memory_space<hbm>>
      %dma_start3A_826 = tpu.memref_squeeze %dma_start3A_825 : memref<1x8x2x8x128xf32, #tpu.memory_space<hbm>> -> memref<8x2x8x128xf32, #tpu.memory_space<hbm>>
      %dma_start3A_827 = arith.constant 0 : i32
      %dma_start3A_828 = arith.constant 0 : i32
      %dma_start3A_829 = arith.constant 0 : i32
      %dma_start3A_830 = arith.constant 0 : i32
      %dma_start3A_831 = tpu.memref_slice %arg8[%dma_start3A_827, %dma_start3A_828, %dma_start3A_829, %dma_start3A_830] : memref<8x2x9x129xf32, #tpu.memory_space<vmem>> -> memref<8x2x8x128xf32, #tpu.memory_space<vmem>>
      tpu.enqueue_dma source(%dma_start3A_831 : memref<8x2x8x128xf32, #tpu.memory_space<vmem>>) target(%dma_start3A_826 : memref<8x2x8x128xf32, #tpu.memory_space<hbm>>) target_semaphore(%arg12 : memref<!tpu.dma_semaphore, #tpu.memory_space<semaphore_mem>>)
      %add3A_832 = arith.constant 2 : i32
      %add3A_833 = arith.addi %add3A_689, %add3A_832 : i32
      %mul3A_834 = arith.constant 256 : i32
      %mul3A_835 = arith.muli %add3A_833, %mul3A_834 : i32
      %dma_start3A_836 = tpu.memref_slice %arg5[%mul3A_835] : memref<25600xi32, #tpu.memory_space<vmem>> -> memref<256xi32, #tpu.memory_space<vmem>>
      %dma_start3A_837 = arith.constant 0 : i32
      %dma_start3A_838 = arith.constant 0 : i32
      %dma_start3A_839 = tpu.memref_slice %arg3[%dma_start3A_837, %dma_start3A_838] : memref<1000000x64xf32, #tpu.memory_space<hbm>> -> memref<1000000x64xf32, #tpu.memory_space<hbm>>
      tpu.enqueue_indirect_dma source(%dma_start3A_839 : memref<1000000x64xf32, #tpu.memory_space<hbm>>) target(%arg6 : memref<256x64xf32, #tpu.memory_space<vmem>>) offsets(%dma_start3A_836 : memref<256xi32, #tpu.memory_space<vmem>>) semaphore(%arg10 : memref<!tpu.dma_semaphore, #tpu.memory_space<semaphore_mem>>)
      %mul3A_840 = arith.constant 2 : i32
      %mul3A_841 = arith.muli %scan3A_684, %mul3A_840 : i32
      %add3A_842 = arith.constant 1 : i32
      %add3A_843 = arith.addi %mul3A_841, %add3A_842 : i32
      %dma_wait3A_844 = arith.constant 0 : i32
      %dma_wait3A_845 = tpu.memref_slice %arg5[%dma_wait3A_844] : memref<25600xi32, #tpu.memory_space<vmem>> -> memref<256xi32, #tpu.memory_space<vmem>>
      %dma_wait3A_846 = arith.constant 0 : i32
      %dma_wait3A_847 = arith.constant 0 : i32
      %dma_wait3A_848 = tpu.memref_slice %arg3[%dma_wait3A_846, %dma_wait3A_847] : memref<1000000x64xf32, #tpu.memory_space<hbm>> -> memref<1000000x64xf32, #tpu.memory_space<hbm>>
      tpu.wait_indirect_dma semaphore(%arg11 : memref<!tpu.dma_semaphore, #tpu.memory_space<semaphore_mem>>) src(%dma_wait3A_848 : memref<1000000x64xf32, #tpu.memory_space<hbm>>) dst(%arg7 : memref<256x64xf32, #tpu.memory_space<vmem>>)
      %add3A_849 = arith.constant 0 : i32
      %add3A_850 = arith.addi %mul3A_2, %add3A_849 : i32
      %jit3A_851 = arith.constant 16 : i32
      %div3A_852 = arith.divsi %add3A_850, %jit3A_851 : i32
      %sign3A_853 = arith.constant 0 : i32
      %sign3A_854 = arith.cmpi sgt, %add3A_850, %sign3A_853 : i32
      %sign3A_855 = arith.extui %sign3A_854 : i1 to i32
      %sign3A_856 = arith.constant 0 : i32
      %sign3A_857 = arith.cmpi slt, %add3A_850, %sign3A_856 : i32
      %sign3A_858 = arith.extui %sign3A_857 : i1 to i32
      %sign3A_859 = arith.subi %sign3A_855, %sign3A_858 : i32
      %sign3A_860 = arith.constant 0 : i32
      %sign3A_861 = arith.cmpi sgt, %jit3A_851, %sign3A_860 : i32
      %sign3A_862 = arith.extui %sign3A_861 : i1 to i32
      %sign3A_863 = arith.constant 0 : i32
      %sign3A_864 = arith.cmpi slt, %jit3A_851, %sign3A_863 : i32
      %sign3A_865 = arith.extui %sign3A_864 : i1 to i32
      %sign3A_866 = arith.subi %sign3A_862, %sign3A_865 : i32
      %ne3A_867 = arith.cmpi ne, %sign3A_859, %sign3A_866 : i32
      %rem3A_868 = arith.remsi %add3A_850, %jit3A_851 : i32
      %ne3A_869 = arith.constant 0 : i32
      %ne3A_870 = arith.cmpi ne, %rem3A_868, %ne3A_869 : i32
      %and3A_871 = arith.andi %ne3A_867, %ne3A_870 : i1
      %sub3A_872 = arith.constant 1 : i32
      %sub3A_873 = arith.subi %div3A_852, %sub3A_872 : i32
      %select_n3A_874 = arith.select %and3A_871, %sub3A_873, %div3A_852 : i32
      %jit3A_875 = arith.constant 16 : i32
      %eq3A_876 = arith.constant 0 : i32
      %eq3A_877 = arith.cmpi eq, %jit3A_875, %eq3A_876 : i32
      %jit3A_878 = arith.constant 1 : i32
      %select_n3A_879 = arith.select %eq3A_877, %jit3A_878, %jit3A_875 : i32
      %rem3A_880 = arith.remsi %add3A_850, %select_n3A_879 : i32
      %ne3A_881 = arith.constant 0 : i32
      %ne3A_882 = arith.cmpi ne, %rem3A_880, %ne3A_881 : i32
      %lt3A_883 = arith.constant 0 : i32
      %lt3A_884 = arith.cmpi slt, %rem3A_880, %lt3A_883 : i32
      %lt3A_885 = arith.constant 0 : i32
      %lt3A_886 = arith.cmpi slt, %select_n3A_879, %lt3A_885 : i32
      %ne3A_887 = arith.xori %lt3A_884, %lt3A_886 : i1
      %and3A_888 = arith.andi %ne3A_887, %ne3A_882 : i1
      %add3A_889 = arith.addi %rem3A_880, %select_n3A_879 : i32
      %select_n3A_890 = arith.select %and3A_888, %add3A_889, %rem3A_880 : i32
      %mul3A_891 = arith.constant 2 : i32
      %mul3A_892 = arith.muli %select_n3A_890, %mul3A_891 : i32
      %dma_wait3A_893 = arith.constant 0 : i32
      %dma_wait3A_894 = arith.constant 0 : i32
      %dma_wait3A_895 = arith.constant 0 : i32
      %dma_wait3A_896 = arith.constant 0 : i32
      %dma_wait3A_897 = tpu.memref_slice %arg9[%dma_wait3A_893, %dma_wait3A_894, %dma_wait3A_895, %dma_wait3A_896] : memref<8x2x9x129xf32, #tpu.memory_space<vmem>> -> memref<8x2x8x128xf32, #tpu.memory_space<vmem>>
      %dma_wait3A_898 = arith.constant 0 : i32
      %dma_wait3A_899 = arith.constant 0 : i32
      %dma_wait3A_900 = arith.constant 0 : i32
      %dma_wait3A_901 = tpu.memref_slice %arg4[%select_n3A_874, %dma_wait3A_898, %mul3A_892, %dma_wait3A_899, %dma_wait3A_900] : memref<200x8x32x8x128xf32, #tpu.memory_space<hbm>> -> memref<1x8x2x8x128xf32, #tpu.memory_space<hbm>>
      %dma_wait3A_902 = tpu.memref_squeeze %dma_wait3A_901 : memref<1x8x2x8x128xf32, #tpu.memory_space<hbm>> -> memref<8x2x8x128xf32, #tpu.memory_space<hbm>>
      %dma_wait3A_903 = arith.constant 0 : i32
      %dma_wait3A_904 = arith.constant 0 : i32
      %dma_wait3A_905 = arith.constant 0 : i32
      %dma_wait3A_906 = tpu.memref_slice %arg4[%select_n3A_874, %dma_wait3A_903, %mul3A_892, %dma_wait3A_904, %dma_wait3A_905] : memref<200x8x32x8x128xf32, #tpu.memory_space<hbm>> -> memref<1x8x2x8x128xf32, #tpu.memory_space<hbm>>
      %dma_wait3A_907 = tpu.memref_squeeze %dma_wait3A_906 : memref<1x8x2x8x128xf32, #tpu.memory_space<hbm>> -> memref<8x2x8x128xf32, #tpu.memory_space<hbm>>
      %dma_wait3A_908 = arith.constant 0 : i32
      %dma_wait3A_909 = arith.constant 0 : i32
      %dma_wait3A_910 = arith.constant 0 : i32
      %dma_wait3A_911 = arith.constant 0 : i32
      %dma_wait3A_912 = tpu.memref_slice %arg9[%dma_wait3A_908, %dma_wait3A_909, %dma_wait3A_910, %dma_wait3A_911] : memref<8x2x9x129xf32, #tpu.memory_space<vmem>> -> memref<8x2x8x128xf32, #tpu.memory_space<vmem>>
      tpu.wait_dma2 semaphore(%arg13 : memref<!tpu.dma_semaphore, #tpu.memory_space<semaphore_mem>>) src(%dma_wait3A_912 : memref<8x2x8x128xf32, #tpu.memory_space<vmem>>) dst(%dma_wait3A_907 : memref<8x2x8x128xf32, #tpu.memory_space<hbm>>)
      %broadcast_in_dim3A_913 = arith.constant 0 : i32
      %broadcast_in_dim3A_914 = vector.broadcast %broadcast_in_dim3A_913 : i32 to vector<16xi32>
      %parallel_loop3A_915 = arith.constant 0 : i32
      %parallel_loop3A_916 = arith.constant 128 : i32
      %parallel_loop3A_917 = arith.constant 1 : i32
      scf.for %parallel_loop3A_995 = %parallel_loop3A_915 to %parallel_loop3A_916 step %parallel_loop3A_917  : i32 {
        %parallel_loop3A_996 = vector.broadcast %parallel_loop3A_995 : i32 to vector<16xi32>
        %parallel_loop3A_997 = arith.constant 0 : i32
        %parallel_loop3A_998 = arith.addi %parallel_loop3A_997, %parallel_loop3A_995 : i32
        %parallel_loop3A_999 = arith.index_cast %parallel_loop3A_998 : i32 to index
        %parallel_loop3A_1000 = arith.constant 0 : index
        %parallel_loop3A_1001 = tpu.vector_load %arg7[%parallel_loop3A_999, %parallel_loop3A_1000] {strides = array<i32>} : memref<256x64xf32, #tpu.memory_space<vmem>>, vector<16xf32>,
        %parallel_loop3A_1002 = arith.index_cast %parallel_loop3A_998 : i32 to index
        %parallel_loop3A_1003 = arith.constant 16 : index
        %parallel_loop3A_1004 = tpu.vector_load %arg7[%parallel_loop3A_1002, %parallel_loop3A_1003] {strides = array<i32>} : memref<256x64xf32, #tpu.memory_space<vmem>>, vector<16xf32>,
        %parallel_loop3A_1005 = arith.index_cast %parallel_loop3A_998 : i32 to index
        %parallel_loop3A_1006 = arith.constant 32 : index
        %parallel_loop3A_1007 = tpu.vector_load %arg7[%parallel_loop3A_1005, %parallel_loop3A_1006] {strides = array<i32>} : memref<256x64xf32, #tpu.memory_space<vmem>>, vector<16xf32>,
        %parallel_loop3A_1008 = arith.index_cast %parallel_loop3A_998 : i32 to index
        %parallel_loop3A_1009 = arith.constant 48 : index
        %parallel_loop3A_1010 = tpu.vector_load %arg7[%parallel_loop3A_1008, %parallel_loop3A_1009] {strides = array<i32>} : memref<256x64xf32, #tpu.memory_space<vmem>>, vector<16xf32>,
        tpu.vector_store_idx %arg9[%shift_right_arithmetic3A_9, %broadcast_in_dim3A_914, %and3A_56, %parallel_loop3A_996], %parallel_loop3A_1001 : memref<8x2x9x129xf32, #tpu.memory_space<vmem>>[vector<16xi32>, vector<16xi32>, vector<16xi32>, vector<16xi32>], vector<16xf32>,
        tpu.vector_store_idx %arg9[%shift_right_arithmetic3A_15, %broadcast_in_dim3A_914, %and3A_62, %parallel_loop3A_996], %parallel_loop3A_1004 : memref<8x2x9x129xf32, #tpu.memory_space<vmem>>[vector<16xi32>, vector<16xi32>, vector<16xi32>, vector<16xi32>], vector<16xf32>,
        tpu.vector_store_idx %arg9[%shift_right_arithmetic3A_21, %broadcast_in_dim3A_914, %and3A_68, %parallel_loop3A_996], %parallel_loop3A_1007 : memref<8x2x9x129xf32, #tpu.memory_space<vmem>>[vector<16xi32>, vector<16xi32>, vector<16xi32>, vector<16xi32>], vector<16xf32>,
        tpu.vector_store_idx %arg9[%shift_right_arithmetic3A_27, %broadcast_in_dim3A_914, %and3A_74, %parallel_loop3A_996], %parallel_loop3A_1010 : memref<8x2x9x129xf32, #tpu.memory_space<vmem>>[vector<16xi32>, vector<16xi32>, vector<16xi32>, vector<16xi32>], vector<16xf32>,
      } {sc.loop_unroll_factor = 1 : i64, sc.parallel_access}
      %broadcast_in_dim3A_918 = arith.constant 1 : i32
      %broadcast_in_dim3A_919 = vector.broadcast %broadcast_in_dim3A_918 : i32 to vector<16xi32>
      %parallel_loop3A_920 = arith.constant 0 : i32
      %parallel_loop3A_921 = arith.constant 128 : i32
      %parallel_loop3A_922 = arith.constant 1 : i32
      scf.for %parallel_loop3A_995 = %parallel_loop3A_920 to %parallel_loop3A_921 step %parallel_loop3A_922  : i32 {
        %parallel_loop3A_996 = vector.broadcast %parallel_loop3A_995 : i32 to vector<16xi32>
        %parallel_loop3A_997 = arith.constant 128 : i32
        %parallel_loop3A_998 = arith.addi %parallel_loop3A_997, %parallel_loop3A_995 : i32
        %parallel_loop3A_999 = arith.index_cast %parallel_loop3A_998 : i32 to index
        %parallel_loop3A_1000 = arith.constant 0 : index
        %parallel_loop3A_1001 = tpu.vector_load %arg7[%parallel_loop3A_999, %parallel_loop3A_1000] {strides = array<i32>} : memref<256x64xf32, #tpu.memory_space<vmem>>, vector<16xf32>,
        %parallel_loop3A_1002 = arith.index_cast %parallel_loop3A_998 : i32 to index
        %parallel_loop3A_1003 = arith.constant 16 : index
        %parallel_loop3A_1004 = tpu.vector_load %arg7[%parallel_loop3A_1002, %parallel_loop3A_1003] {strides = array<i32>} : memref<256x64xf32, #tpu.memory_space<vmem>>, vector<16xf32>,
        %parallel_loop3A_1005 = arith.index_cast %parallel_loop3A_998 : i32 to index
        %parallel_loop3A_1006 = arith.constant 32 : index
        %parallel_loop3A_1007 = tpu.vector_load %arg7[%parallel_loop3A_1005, %parallel_loop3A_1006] {strides = array<i32>} : memref<256x64xf32, #tpu.memory_space<vmem>>, vector<16xf32>,
        %parallel_loop3A_1008 = arith.index_cast %parallel_loop3A_998 : i32 to index
        %parallel_loop3A_1009 = arith.constant 48 : index
        %parallel_loop3A_1010 = tpu.vector_load %arg7[%parallel_loop3A_1008, %parallel_loop3A_1009] {strides = array<i32>} : memref<256x64xf32, #tpu.memory_space<vmem>>, vector<16xf32>,
        tpu.vector_store_idx %arg9[%shift_right_arithmetic3A_9, %broadcast_in_dim3A_919, %and3A_56, %parallel_loop3A_996], %parallel_loop3A_1001 : memref<8x2x9x129xf32, #tpu.memory_space<vmem>>[vector<16xi32>, vector<16xi32>, vector<16xi32>, vector<16xi32>], vector<16xf32>,
        tpu.vector_store_idx %arg9[%shift_right_arithmetic3A_15, %broadcast_in_dim3A_919, %and3A_62, %parallel_loop3A_996], %parallel_loop3A_1004 : memref<8x2x9x129xf32, #tpu.memory_space<vmem>>[vector<16xi32>, vector<16xi32>, vector<16xi32>, vector<16xi32>], vector<16xf32>,
        tpu.vector_store_idx %arg9[%shift_right_arithmetic3A_21, %broadcast_in_dim3A_919, %and3A_68, %parallel_loop3A_996], %parallel_loop3A_1007 : memref<8x2x9x129xf32, #tpu.memory_space<vmem>>[vector<16xi32>, vector<16xi32>, vector<16xi32>, vector<16xi32>], vector<16xf32>,
        tpu.vector_store_idx %arg9[%shift_right_arithmetic3A_27, %broadcast_in_dim3A_919, %and3A_74, %parallel_loop3A_996], %parallel_loop3A_1010 : memref<8x2x9x129xf32, #tpu.memory_space<vmem>>[vector<16xi32>, vector<16xi32>, vector<16xi32>, vector<16xi32>], vector<16xf32>,
      } {sc.loop_unroll_factor = 1 : i64, sc.parallel_access}
      %add3A_923 = arith.addi %mul3A_2, %add3A_843 : i32
      %jit3A_924 = arith.constant 16 : i32
      %div3A_925 = arith.divsi %add3A_923, %jit3A_924 : i32
      %sign3A_926 = arith.constant 0 : i32
      %sign3A_927 = arith.cmpi sgt, %add3A_923, %sign3A_926 : i32
      %sign3A_928 = arith.extui %sign3A_927 : i1 to i32
      %sign3A_929 = arith.constant 0 : i32
      %sign3A_930 = arith.cmpi slt, %add3A_923, %sign3A_929 : i32
      %sign3A_931 = arith.extui %sign3A_930 : i1 to i32
      %sign3A_932 = arith.subi %sign3A_928, %sign3A_931 : i32
      %sign3A_933 = arith.constant 0 : i32
      %sign3A_934 = arith.cmpi sgt, %jit3A_924, %sign3A_933 : i32
      %sign3A_935 = arith.extui %sign3A_934 : i1 to i32
      %sign3A_936 = arith.constant 0 : i32
      %sign3A_937 = arith.cmpi slt, %jit3A_924, %sign3A_936 : i32
      %sign3A_938 = arith.extui %sign3A_937 : i1 to i32
      %sign3A_939 = arith.subi %sign3A_935, %sign3A_938 : i32
      %ne3A_940 = arith.cmpi ne, %sign3A_932, %sign3A_939 : i32
      %rem3A_941 = arith.remsi %add3A_923, %jit3A_924 : i32
      %ne3A_942 = arith.constant 0 : i32
      %ne3A_943 = arith.cmpi ne, %rem3A_941, %ne3A_942 : i32
      %and3A_944 = arith.andi %ne3A_940, %ne3A_943 : i1
      %sub3A_945 = arith.constant 1 : i32
      %sub3A_946 = arith.subi %div3A_925, %sub3A_945 : i32
      %select_n3A_947 = arith.select %and3A_944, %sub3A_946, %div3A_925 : i32
      %jit3A_948 = arith.constant 16 : i32
      %eq3A_949 = arith.constant 0 : i32
      %eq3A_950 = arith.cmpi eq, %jit3A_948, %eq3A_949 : i32
      %jit3A_951 = arith.constant 1 : i32
      %select_n3A_952 = arith.select %eq3A_950, %jit3A_951, %jit3A_948 : i32
      %rem3A_953 = arith.remsi %add3A_923, %select_n3A_952 : i32
      %ne3A_954 = arith.constant 0 : i32
      %ne3A_955 = arith.cmpi ne, %rem3A_953, %ne3A_954 : i32
      %lt3A_956 = arith.constant 0 : i32
      %lt3A_957 = arith.cmpi slt, %rem3A_953, %lt3A_956 : i32
      %lt3A_958 = arith.constant 0 : i32
      %lt3A_959 = arith.cmpi slt, %select_n3A_952, %lt3A_958 : i32
      %ne3A_960 = arith.xori %lt3A_957, %lt3A_959 : i1
      %and3A_961 = arith.andi %ne3A_960, %ne3A_955 : i1
      %add3A_962 = arith.addi %rem3A_953, %select_n3A_952 : i32
      %select_n3A_963 = arith.select %and3A_961, %add3A_962, %rem3A_953 : i32
      %mul3A_964 = arith.constant 2 : i32
      %mul3A_965 = arith.muli %select_n3A_963, %mul3A_964 : i32
      %dma_start3A_966 = arith.constant 0 : i32
      %dma_start3A_967 = arith.constant 0 : i32
      %dma_start3A_968 = arith.constant 0 : i32
      %dma_start3A_969 = arith.constant 0 : i32
      %dma_start3A_970 = tpu.memref_slice %arg9[%dma_start3A_966, %dma_start3A_967, %dma_start3A_968, %dma_start3A_969] : memref<8x2x9x129xf32, #tpu.memory_space<vmem>> -> memref<8x2x8x128xf32, #tpu.memory_space<vmem>>
      %dma_start3A_971 = arith.constant 0 : i32
      %dma_start3A_972 = arith.constant 0 : i32
      %dma_start3A_973 = arith.constant 0 : i32
      %dma_start3A_974 = tpu.memref_slice %arg4[%select_n3A_947, %dma_start3A_971, %mul3A_965, %dma_start3A_972, %dma_start3A_973] : memref<200x8x32x8x128xf32, #tpu.memory_space<hbm>> -> memref<1x8x2x8x128xf32, #tpu.memory_space<hbm>>
      %dma_start3A_975 = tpu.memref_squeeze %dma_start3A_974 : memref<1x8x2x8x128xf32, #tpu.memory_space<hbm>> -> memref<8x2x8x128xf32, #tpu.memory_space<hbm>>
      %dma_start3A_976 = arith.constant 0 : i32
      %dma_start3A_977 = arith.constant 0 : i32
      %dma_start3A_978 = arith.constant 0 : i32
      %dma_start3A_979 = tpu.memref_slice %arg4[%select_n3A_947, %dma_start3A_976, %mul3A_965, %dma_start3A_977, %dma_start3A_978] : memref<200x8x32x8x128xf32, #tpu.memory_space<hbm>> -> memref<1x8x2x8x128xf32, #tpu.memory_space<hbm>>
      %dma_start3A_980 = tpu.memref_squeeze %dma_start3A_979 : memref<1x8x2x8x128xf32, #tpu.memory_space<hbm>> -> memref<8x2x8x128xf32, #tpu.memory_space<hbm>>
      %dma_start3A_981 = arith.constant 0 : i32
      %dma_start3A_982 = arith.constant 0 : i32
      %dma_start3A_983 = arith.constant 0 : i32
      %dma_start3A_984 = arith.constant 0 : i32
      %dma_start3A_985 = tpu.memref_slice %arg9[%dma_start3A_981, %dma_start3A_982, %dma_start3A_983, %dma_start3A_984] : memref<8x2x9x129xf32, #tpu.memory_space<vmem>> -> memref<8x2x8x128xf32, #tpu.memory_space<vmem>>
      tpu.enqueue_dma source(%dma_start3A_985 : memref<8x2x8x128xf32, #tpu.memory_space<vmem>>) target(%dma_start3A_980 : memref<8x2x8x128xf32, #tpu.memory_space<hbm>>) target_semaphore(%arg13 : memref<!tpu.dma_semaphore, #tpu.memory_space<semaphore_mem>>)
      %add3A_986 = arith.constant 2 : i32
      %add3A_987 = arith.addi %add3A_843, %add3A_986 : i32
      %mul3A_988 = arith.constant 256 : i32
      %mul3A_989 = arith.muli %add3A_987, %mul3A_988 : i32
      %dma_start3A_990 = tpu.memref_slice %arg5[%mul3A_989] : memref<25600xi32, #tpu.memory_space<vmem>> -> memref<256xi32, #tpu.memory_space<vmem>>
      %dma_start3A_991 = arith.constant 0 : i32
      %dma_start3A_992 = arith.constant 0 : i32
      %dma_start3A_993 = tpu.memref_slice %arg3[%dma_start3A_991, %dma_start3A_992] : memref<1000000x64xf32, #tpu.memory_space<hbm>> -> memref<1000000x64xf32, #tpu.memory_space<hbm>>
      tpu.enqueue_indirect_dma source(%dma_start3A_993 : memref<1000000x64xf32, #tpu.memory_space<hbm>>) target(%arg7 : memref<256x64xf32, #tpu.memory_space<vmem>>) offsets(%dma_start3A_990 : memref<256xi32, #tpu.memory_space<vmem>>) semaphore(%arg11 : memref<!tpu.dma_semaphore, #tpu.memory_space<semaphore_mem>>)
      %scan3A_994 = arith.constant 0 : i32
      scf.yield %scan3A_994 : i32
    }
    %scan3A_269 = arith.constant 48 : i32
    %dma_wait3A_270 = arith.constant 0 : i32
    %dma_wait3A_271 = tpu.memref_slice %arg5[%dma_wait3A_270] : memref<25600xi32, #tpu.memory_space<vmem>> -> memref<256xi32, #tpu.memory_space<vmem>>
    %dma_wait3A_272 = arith.constant 0 : i32
    %dma_wait3A_273 = arith.constant 0 : i32
    %dma_wait3A_274 = tpu.memref_slice %arg3[%dma_wait3A_272, %dma_wait3A_273] : memref<1000000x64xf32, #tpu.memory_space<hbm>> -> memref<1000000x64xf32, #tpu.memory_space<hbm>>
    tpu.wait_indirect_dma semaphore(%arg10 : memref<!tpu.dma_semaphore, #tpu.memory_space<semaphore_mem>>) src(%dma_wait3A_274 : memref<1000000x64xf32, #tpu.memory_space<hbm>>) dst(%arg6 : memref<256x64xf32, #tpu.memory_space<vmem>>)
    %add3A_275 = arith.constant 0 : i32
    %add3A_276 = arith.addi %mul3A_2, %add3A_275 : i32
    %jit3A_277 = arith.constant 16 : i32
    %div3A_278 = arith.divsi %add3A_276, %jit3A_277 : i32
    %sign3A_279 = arith.constant 0 : i32
    %sign3A_280 = arith.cmpi sgt, %add3A_276, %sign3A_279 : i32
    %sign3A_281 = arith.extui %sign3A_280 : i1 to i32
    %sign3A_282 = arith.constant 0 : i32
    %sign3A_283 = arith.cmpi slt, %add3A_276, %sign3A_282 : i32
    %sign3A_284 = arith.extui %sign3A_283 : i1 to i32
    %sign3A_285 = arith.subi %sign3A_281, %sign3A_284 : i32
    %sign3A_286 = arith.constant 0 : i32
    %sign3A_287 = arith.cmpi sgt, %jit3A_277, %sign3A_286 : i32
    %sign3A_288 = arith.extui %sign3A_287 : i1 to i32
    %sign3A_289 = arith.constant 0 : i32
    %sign3A_290 = arith.cmpi slt, %jit3A_277, %sign3A_289 : i32
    %sign3A_291 = arith.extui %sign3A_290 : i1 to i32
    %sign3A_292 = arith.subi %sign3A_288, %sign3A_291 : i32
    %ne3A_293 = arith.cmpi ne, %sign3A_285, %sign3A_292 : i32
    %rem3A_294 = arith.remsi %add3A_276, %jit3A_277 : i32
    %ne3A_295 = arith.constant 0 : i32
    %ne3A_296 = arith.cmpi ne, %rem3A_294, %ne3A_295 : i32
    %and3A_297 = arith.andi %ne3A_293, %ne3A_296 : i1
    %sub3A_298 = arith.constant 1 : i32
    %sub3A_299 = arith.subi %div3A_278, %sub3A_298 : i32
    %select_n3A_300 = arith.select %and3A_297, %sub3A_299, %div3A_278 : i32
    %jit3A_301 = arith.constant 16 : i32
    %eq3A_302 = arith.constant 0 : i32
    %eq3A_303 = arith.cmpi eq, %jit3A_301, %eq3A_302 : i32
    %jit3A_304 = arith.constant 1 : i32
    %select_n3A_305 = arith.select %eq3A_303, %jit3A_304, %jit3A_301 : i32
    %rem3A_306 = arith.remsi %add3A_276, %select_n3A_305 : i32
    %ne3A_307 = arith.constant 0 : i32
    %ne3A_308 = arith.cmpi ne, %rem3A_306, %ne3A_307 : i32
    %lt3A_309 = arith.constant 0 : i32
    %lt3A_310 = arith.cmpi slt, %rem3A_306, %lt3A_309 : i32
    %lt3A_311 = arith.constant 0 : i32
    %lt3A_312 = arith.cmpi slt, %select_n3A_305, %lt3A_311 : i32
    %ne3A_313 = arith.xori %lt3A_310, %lt3A_312 : i1
    %and3A_314 = arith.andi %ne3A_313, %ne3A_308 : i1
    %add3A_315 = arith.addi %rem3A_306, %select_n3A_305 : i32
    %select_n3A_316 = arith.select %and3A_314, %add3A_315, %rem3A_306 : i32
    %mul3A_317 = arith.constant 2 : i32
    %mul3A_318 = arith.muli %select_n3A_316, %mul3A_317 : i32
    %dma_wait3A_319 = arith.constant 0 : i32
    %dma_wait3A_320 = arith.constant 0 : i32
    %dma_wait3A_321 = arith.constant 0 : i32
    %dma_wait3A_322 = arith.constant 0 : i32
    %dma_wait3A_323 = tpu.memref_slice %arg8[%dma_wait3A_319, %dma_wait3A_320, %dma_wait3A_321, %dma_wait3A_322] : memref<8x2x9x129xf32, #tpu.memory_space<vmem>> -> memref<8x2x8x128xf32, #tpu.memory_space<vmem>>
    %dma_wait3A_324 = arith.constant 0 : i32
    %dma_wait3A_325 = arith.constant 0 : i32
    %dma_wait3A_326 = arith.constant 0 : i32
    %dma_wait3A_327 = tpu.memref_slice %arg4[%select_n3A_300, %dma_wait3A_324, %mul3A_318, %dma_wait3A_325, %dma_wait3A_326] : memref<200x8x32x8x128xf32, #tpu.memory_space<hbm>> -> memref<1x8x2x8x128xf32, #tpu.memory_space<hbm>>
    %dma_wait3A_328 = tpu.memref_squeeze %dma_wait3A_327 : memref<1x8x2x8x128xf32, #tpu.memory_space<hbm>> -> memref<8x2x8x128xf32, #tpu.memory_space<hbm>>
    %dma_wait3A_329 = arith.constant 0 : i32
    %dma_wait3A_330 = arith.constant 0 : i32
    %dma_wait3A_331 = arith.constant 0 : i32
    %dma_wait3A_332 = tpu.memref_slice %arg4[%select_n3A_300, %dma_wait3A_329, %mul3A_318, %dma_wait3A_330, %dma_wait3A_331] : memref<200x8x32x8x128xf32, #tpu.memory_space<hbm>> -> memref<1x8x2x8x128xf32, #tpu.memory_space<hbm>>
    %dma_wait3A_333 = tpu.memref_squeeze %dma_wait3A_332 : memref<1x8x2x8x128xf32, #tpu.memory_space<hbm>> -> memref<8x2x8x128xf32, #tpu.memory_space<hbm>>
    %dma_wait3A_334 = arith.constant 0 : i32
    %dma_wait3A_335 = arith.constant 0 : i32
    %dma_wait3A_336 = arith.constant 0 : i32
    %dma_wait3A_337 = arith.constant 0 : i32
    %dma_wait3A_338 = tpu.memref_slice %arg8[%dma_wait3A_334, %dma_wait3A_335, %dma_wait3A_336, %dma_wait3A_337] : memref<8x2x9x129xf32, #tpu.memory_space<vmem>> -> memref<8x2x8x128xf32, #tpu.memory_space<vmem>>
    tpu.wait_dma2 semaphore(%arg12 : memref<!tpu.dma_semaphore, #tpu.memory_space<semaphore_mem>>) src(%dma_wait3A_338 : memref<8x2x8x128xf32, #tpu.memory_space<vmem>>) dst(%dma_wait3A_333 : memref<8x2x8x128xf32, #tpu.memory_space<hbm>>)
    %broadcast_in_dim3A_339 = arith.constant 0 : i32
    %broadcast_in_dim3A_340 = vector.broadcast %broadcast_in_dim3A_339 : i32 to vector<16xi32>
    %parallel_loop3A_341 = arith.constant 0 : i32
    %parallel_loop3A_342 = arith.constant 128 : i32
    %parallel_loop3A_343 = arith.constant 1 : i32
    scf.for %parallel_loop3A_684 = %parallel_loop3A_341 to %parallel_loop3A_342 step %parallel_loop3A_343  : i32 {
      %parallel_loop3A_685 = vector.broadcast %parallel_loop3A_684 : i32 to vector<16xi32>
      %parallel_loop3A_686 = arith.constant 0 : i32
      %parallel_loop3A_687 = arith.addi %parallel_loop3A_686, %parallel_loop3A_684 : i32
      %parallel_loop3A_688 = arith.index_cast %parallel_loop3A_687 : i32 to index
      %parallel_loop3A_689 = arith.constant 0 : index
      %parallel_loop3A_690 = tpu.vector_load %arg6[%parallel_loop3A_688, %parallel_loop3A_689] {strides = array<i32>} : memref<256x64xf32, #tpu.memory_space<vmem>>, vector<16xf32>,
      %parallel_loop3A_691 = arith.index_cast %parallel_loop3A_687 : i32 to index
      %parallel_loop3A_692 = arith.constant 16 : index
      %parallel_loop3A_693 = tpu.vector_load %arg6[%parallel_loop3A_691, %parallel_loop3A_692] {strides = array<i32>} : memref<256x64xf32, #tpu.memory_space<vmem>>, vector<16xf32>,
      %parallel_loop3A_694 = arith.index_cast %parallel_loop3A_687 : i32 to index
      %parallel_loop3A_695 = arith.constant 32 : index
      %parallel_loop3A_696 = tpu.vector_load %arg6[%parallel_loop3A_694, %parallel_loop3A_695] {strides = array<i32>} : memref<256x64xf32, #tpu.memory_space<vmem>>, vector<16xf32>,
      %parallel_loop3A_697 = arith.index_cast %parallel_loop3A_687 : i32 to index
      %parallel_loop3A_698 = arith.constant 48 : index
      %parallel_loop3A_699 = tpu.vector_load %arg6[%parallel_loop3A_697, %parallel_loop3A_698] {strides = array<i32>} : memref<256x64xf32, #tpu.memory_space<vmem>>, vector<16xf32>,
      tpu.vector_store_idx %arg8[%shift_right_arithmetic3A_9, %broadcast_in_dim3A_340, %and3A_56, %parallel_loop3A_685], %parallel_loop3A_690 : memref<8x2x9x129xf32, #tpu.memory_space<vmem>>[vector<16xi32>, vector<16xi32>, vector<16xi32>, vector<16xi32>], vector<16xf32>,
      tpu.vector_store_idx %arg8[%shift_right_arithmetic3A_15, %broadcast_in_dim3A_340, %and3A_62, %parallel_loop3A_685], %parallel_loop3A_693 : memref<8x2x9x129xf32, #tpu.memory_space<vmem>>[vector<16xi32>, vector<16xi32>, vector<16xi32>, vector<16xi32>], vector<16xf32>,
      tpu.vector_store_idx %arg8[%shift_right_arithmetic3A_21, %broadcast_in_dim3A_340, %and3A_68, %parallel_loop3A_685], %parallel_loop3A_696 : memref<8x2x9x129xf32, #tpu.memory_space<vmem>>[vector<16xi32>, vector<16xi32>, vector<16xi32>, vector<16xi32>], vector<16xf32>,
      tpu.vector_store_idx %arg8[%shift_right_arithmetic3A_27, %broadcast_in_dim3A_340, %and3A_74, %parallel_loop3A_685], %parallel_loop3A_699 : memref<8x2x9x129xf32, #tpu.memory_space<vmem>>[vector<16xi32>, vector<16xi32>, vector<16xi32>, vector<16xi32>], vector<16xf32>,
    } {sc.loop_unroll_factor = 1 : i64, sc.parallel_access}
    %broadcast_in_dim3A_344 = arith.constant 1 : i32
    %broadcast_in_dim3A_345 = vector.broadcast %broadcast_in_dim3A_344 : i32 to vector<16xi32>
    %parallel_loop3A_346 = arith.constant 0 : i32
    %parallel_loop3A_347 = arith.constant 128 : i32
    %parallel_loop3A_348 = arith.constant 1 : i32
    scf.for %parallel_loop3A_684 = %parallel_loop3A_346 to %parallel_loop3A_347 step %parallel_loop3A_348  : i32 {
      %parallel_loop3A_685 = vector.broadcast %parallel_loop3A_684 : i32 to vector<16xi32>
      %parallel_loop3A_686 = arith.constant 128 : i32
      %parallel_loop3A_687 = arith.addi %parallel_loop3A_686, %parallel_loop3A_684 : i32
      %parallel_loop3A_688 = arith.index_cast %parallel_loop3A_687 : i32 to index
      %parallel_loop3A_689 = arith.constant 0 : index
      %parallel_loop3A_690 = tpu.vector_load %arg6[%parallel_loop3A_688, %parallel_loop3A_689] {strides = array<i32>} : memref<256x64xf32, #tpu.memory_space<vmem>>, vector<16xf32>,
      %parallel_loop3A_691 = arith.index_cast %parallel_loop3A_687 : i32 to index
      %parallel_loop3A_692 = arith.constant 16 : index
      %parallel_loop3A_693 = tpu.vector_load %arg6[%parallel_loop3A_691, %parallel_loop3A_692] {strides = array<i32>} : memref<256x64xf32, #tpu.memory_space<vmem>>, vector<16xf32>,
      %parallel_loop3A_694 = arith.index_cast %parallel_loop3A_687 : i32 to index
      %parallel_loop3A_695 = arith.constant 32 : index
      %parallel_loop3A_696 = tpu.vector_load %arg6[%parallel_loop3A_694, %parallel_loop3A_695] {strides = array<i32>} : memref<256x64xf32, #tpu.memory_space<vmem>>, vector<16xf32>,
      %parallel_loop3A_697 = arith.index_cast %parallel_loop3A_687 : i32 to index
      %parallel_loop3A_698 = arith.constant 48 : index
      %parallel_loop3A_699 = tpu.vector_load %arg6[%parallel_loop3A_697, %parallel_loop3A_698] {strides = array<i32>} : memref<256x64xf32, #tpu.memory_space<vmem>>, vector<16xf32>,
      tpu.vector_store_idx %arg8[%shift_right_arithmetic3A_9, %broadcast_in_dim3A_345, %and3A_56, %parallel_loop3A_685], %parallel_loop3A_690 : memref<8x2x9x129xf32, #tpu.memory_space<vmem>>[vector<16xi32>, vector<16xi32>, vector<16xi32>, vector<16xi32>], vector<16xf32>,
      tpu.vector_store_idx %arg8[%shift_right_arithmetic3A_15, %broadcast_in_dim3A_345, %and3A_62, %parallel_loop3A_685], %parallel_loop3A_693 : memref<8x2x9x129xf32, #tpu.memory_space<vmem>>[vector<16xi32>, vector<16xi32>, vector<16xi32>, vector<16xi32>], vector<16xf32>,
      tpu.vector_store_idx %arg8[%shift_right_arithmetic3A_21, %broadcast_in_dim3A_345, %and3A_68, %parallel_loop3A_685], %parallel_loop3A_696 : memref<8x2x9x129xf32, #tpu.memory_space<vmem>>[vector<16xi32>, vector<16xi32>, vector<16xi32>, vector<16xi32>], vector<16xf32>,
      tpu.vector_store_idx %arg8[%shift_right_arithmetic3A_27, %broadcast_in_dim3A_345, %and3A_74, %parallel_loop3A_685], %parallel_loop3A_699 : memref<8x2x9x129xf32, #tpu.memory_space<vmem>>[vector<16xi32>, vector<16xi32>, vector<16xi32>, vector<16xi32>], vector<16xf32>,
    } {sc.loop_unroll_factor = 1 : i64, sc.parallel_access}
    %add3A_349 = arith.constant 98 : i32
    %add3A_350 = arith.addi %mul3A_2, %add3A_349 : i32
    %jit3A_351 = arith.constant 16 : i32
    %div3A_352 = arith.divsi %add3A_350, %jit3A_351 : i32
    %sign3A_353 = arith.constant 0 : i32
    %sign3A_354 = arith.cmpi sgt, %add3A_350, %sign3A_353 : i32
    %sign3A_355 = arith.extui %sign3A_354 : i1 to i32
    %sign3A_356 = arith.constant 0 : i32
    %sign3A_357 = arith.cmpi slt, %add3A_350, %sign3A_356 : i32
    %sign3A_358 = arith.extui %sign3A_357 : i1 to i32
    %sign3A_359 = arith.subi %sign3A_355, %sign3A_358 : i32
    %sign3A_360 = arith.constant 0 : i32
    %sign3A_361 = arith.cmpi sgt, %jit3A_351, %sign3A_360 : i32
    %sign3A_362 = arith.extui %sign3A_361 : i1 to i32
    %sign3A_363 = arith.constant 0 : i32
    %sign3A_364 = arith.cmpi slt, %jit3A_351, %sign3A_363 : i32
    %sign3A_365 = arith.extui %sign3A_364 : i1 to i32
    %sign3A_366 = arith.subi %sign3A_362, %sign3A_365 : i32
    %ne3A_367 = arith.cmpi ne, %sign3A_359, %sign3A_366 : i32
    %rem3A_368 = arith.remsi %add3A_350, %jit3A_351 : i32
    %ne3A_369 = arith.constant 0 : i32
    %ne3A_370 = arith.cmpi ne, %rem3A_368, %ne3A_369 : i32
    %and3A_371 = arith.andi %ne3A_367, %ne3A_370 : i1
    %sub3A_372 = arith.constant 1 : i32
    %sub3A_373 = arith.subi %div3A_352, %sub3A_372 : i32
    %select_n3A_374 = arith.select %and3A_371, %sub3A_373, %div3A_352 : i32
    %jit3A_375 = arith.constant 16 : i32
    %eq3A_376 = arith.constant 0 : i32
    %eq3A_377 = arith.cmpi eq, %jit3A_375, %eq3A_376 : i32
    %jit3A_378 = arith.constant 1 : i32
    %select_n3A_379 = arith.select %eq3A_377, %jit3A_378, %jit3A_375 : i32
    %rem3A_380 = arith.remsi %add3A_350, %select_n3A_379 : i32
    %ne3A_381 = arith.constant 0 : i32
    %ne3A_382 = arith.cmpi ne, %rem3A_380, %ne3A_381 : i32
    %lt3A_383 = arith.constant 0 : i32
    %lt3A_384 = arith.cmpi slt, %rem3A_380, %lt3A_383 : i32
    %lt3A_385 = arith.constant 0 : i32
    %lt3A_386 = arith.cmpi slt, %select_n3A_379, %lt3A_385 : i32
    %ne3A_387 = arith.xori %lt3A_384, %lt3A_386 : i1
    %and3A_388 = arith.andi %ne3A_387, %ne3A_382 : i1
    %add3A_389 = arith.addi %rem3A_380, %select_n3A_379 : i32
    %select_n3A_390 = arith.select %and3A_388, %add3A_389, %rem3A_380 : i32
    %mul3A_391 = arith.constant 2 : i32
    %mul3A_392 = arith.muli %select_n3A_390, %mul3A_391 : i32
    %dma_start3A_393 = arith.constant 0 : i32
    %dma_start3A_394 = arith.constant 0 : i32
    %dma_start3A_395 = arith.constant 0 : i32
    %dma_start3A_396 = arith.constant 0 : i32
    %dma_start3A_397 = tpu.memref_slice %arg8[%dma_start3A_393, %dma_start3A_394, %dma_start3A_395, %dma_start3A_396] : memref<8x2x9x129xf32, #tpu.memory_space<vmem>> -> memref<8x2x8x128xf32, #tpu.memory_space<vmem>>
    %dma_start3A_398 = arith.constant 0 : i32
    %dma_start3A_399 = arith.constant 0 : i32
    %dma_start3A_400 = arith.constant 0 : i32
    %dma_start3A_401 = tpu.memref_slice %arg4[%select_n3A_374, %dma_start3A_398, %mul3A_392, %dma_start3A_399, %dma_start3A_400] : memref<200x8x32x8x128xf32, #tpu.memory_space<hbm>> -> memref<1x8x2x8x128xf32, #tpu.memory_space<hbm>>
    %dma_start3A_402 = tpu.memref_squeeze %dma_start3A_401 : memref<1x8x2x8x128xf32, #tpu.memory_space<hbm>> -> memref<8x2x8x128xf32, #tpu.memory_space<hbm>>
    %dma_start3A_403 = arith.constant 0 : i32
    %dma_start3A_404 = arith.constant 0 : i32
    %dma_start3A_405 = arith.constant 0 : i32
    %dma_start3A_406 = tpu.memref_slice %arg4[%select_n3A_374, %dma_start3A_403, %mul3A_392, %dma_start3A_404, %dma_start3A_405] : memref<200x8x32x8x128xf32, #tpu.memory_space<hbm>> -> memref<1x8x2x8x128xf32, #tpu.memory_space<hbm>>
    %dma_start3A_407 = tpu.memref_squeeze %dma_start3A_406 : memref<1x8x2x8x128xf32, #tpu.memory_space<hbm>> -> memref<8x2x8x128xf32, #tpu.memory_space<hbm>>
    %dma_start3A_408 = arith.constant 0 : i32
    %dma_start3A_409 = arith.constant 0 : i32
    %dma_start3A_410 = arith.constant 0 : i32
    %dma_start3A_411 = arith.constant 0 : i32
    %dma_start3A_412 = tpu.memref_slice %arg8[%dma_start3A_408, %dma_start3A_409, %dma_start3A_410, %dma_start3A_411] : memref<8x2x9x129xf32, #tpu.memory_space<vmem>> -> memref<8x2x8x128xf32, #tpu.memory_space<vmem>>
    tpu.enqueue_dma source(%dma_start3A_412 : memref<8x2x8x128xf32, #tpu.memory_space<vmem>>) target(%dma_start3A_407 : memref<8x2x8x128xf32, #tpu.memory_space<hbm>>) target_semaphore(%arg12 : memref<!tpu.dma_semaphore, #tpu.memory_space<semaphore_mem>>)
    %dma_wait3A_413 = arith.constant 0 : i32
    %dma_wait3A_414 = tpu.memref_slice %arg5[%dma_wait3A_413] : memref<25600xi32, #tpu.memory_space<vmem>> -> memref<256xi32, #tpu.memory_space<vmem>>
    %dma_wait3A_415 = arith.constant 0 : i32
    %dma_wait3A_416 = arith.constant 0 : i32
    %dma_wait3A_417 = tpu.memref_slice %arg3[%dma_wait3A_415, %dma_wait3A_416] : memref<1000000x64xf32, #tpu.memory_space<hbm>> -> memref<1000000x64xf32, #tpu.memory_space<hbm>>
    tpu.wait_indirect_dma semaphore(%arg11 : memref<!tpu.dma_semaphore, #tpu.memory_space<semaphore_mem>>) src(%dma_wait3A_417 : memref<1000000x64xf32, #tpu.memory_space<hbm>>) dst(%arg7 : memref<256x64xf32, #tpu.memory_space<vmem>>)
    %add3A_418 = arith.constant 0 : i32
    %add3A_419 = arith.addi %mul3A_2, %add3A_418 : i32
    %jit3A_420 = arith.constant 16 : i32
    %div3A_421 = arith.divsi %add3A_419, %jit3A_420 : i32
    %sign3A_422 = arith.constant 0 : i32
    %sign3A_423 = arith.cmpi sgt, %add3A_419, %sign3A_422 : i32
    %sign3A_424 = arith.extui %sign3A_423 : i1 to i32
    %sign3A_425 = arith.constant 0 : i32
    %sign3A_426 = arith.cmpi slt, %add3A_419, %sign3A_425 : i32
    %sign3A_427 = arith.extui %sign3A_426 : i1 to i32
    %sign3A_428 = arith.subi %sign3A_424, %sign3A_427 : i32
    %sign3A_429 = arith.constant 0 : i32
    %sign3A_430 = arith.cmpi sgt, %jit3A_420, %sign3A_429 : i32
    %sign3A_431 = arith.extui %sign3A_430 : i1 to i32
    %sign3A_432 = arith.constant 0 : i32
    %sign3A_433 = arith.cmpi slt, %jit3A_420, %sign3A_432 : i32
    %sign3A_434 = arith.extui %sign3A_433 : i1 to i32
    %sign3A_435 = arith.subi %sign3A_431, %sign3A_434 : i32
    %ne3A_436 = arith.cmpi ne, %sign3A_428, %sign3A_435 : i32
    %rem3A_437 = arith.remsi %add3A_419, %jit3A_420 : i32
    %ne3A_438 = arith.constant 0 : i32
    %ne3A_439 = arith.cmpi ne, %rem3A_437, %ne3A_438 : i32
    %and3A_440 = arith.andi %ne3A_436, %ne3A_439 : i1
    %sub3A_441 = arith.constant 1 : i32
    %sub3A_442 = arith.subi %div3A_421, %sub3A_441 : i32
    %select_n3A_443 = arith.select %and3A_440, %sub3A_442, %div3A_421 : i32
    %jit3A_444 = arith.constant 16 : i32
    %eq3A_445 = arith.constant 0 : i32
    %eq3A_446 = arith.cmpi eq, %jit3A_444, %eq3A_445 : i32
    %jit3A_447 = arith.constant 1 : i32
    %select_n3A_448 = arith.select %eq3A_446, %jit3A_447, %jit3A_444 : i32
    %rem3A_449 = arith.remsi %add3A_419, %select_n3A_448 : i32
    %ne3A_450 = arith.constant 0 : i32
    %ne3A_451 = arith.cmpi ne, %rem3A_449, %ne3A_450 : i32
    %lt3A_452 = arith.constant 0 : i32
    %lt3A_453 = arith.cmpi slt, %rem3A_449, %lt3A_452 : i32
    %lt3A_454 = arith.constant 0 : i32
    %lt3A_455 = arith.cmpi slt, %select_n3A_448, %lt3A_454 : i32
    %ne3A_456 = arith.xori %lt3A_453, %lt3A_455 : i1
    %and3A_457 = arith.andi %ne3A_456, %ne3A_451 : i1
    %add3A_458 = arith.addi %rem3A_449, %select_n3A_448 : i32
    %select_n3A_459 = arith.select %and3A_457, %add3A_458, %rem3A_449 : i32
    %mul3A_460 = arith.constant 2 : i32
    %mul3A_461 = arith.muli %select_n3A_459, %mul3A_460 : i32
    %dma_wait3A_462 = arith.constant 0 : i32
    %dma_wait3A_463 = arith.constant 0 : i32
    %dma_wait3A_464 = arith.constant 0 : i32
    %dma_wait3A_465 = arith.constant 0 : i32
    %dma_wait3A_466 = tpu.memref_slice %arg9[%dma_wait3A_462, %dma_wait3A_463, %dma_wait3A_464, %dma_wait3A_465] : memref<8x2x9x129xf32, #tpu.memory_space<vmem>> -> memref<8x2x8x128xf32, #tpu.memory_space<vmem>>
    %dma_wait3A_467 = arith.constant 0 : i32
    %dma_wait3A_468 = arith.constant 0 : i32
    %dma_wait3A_469 = arith.constant 0 : i32
    %dma_wait3A_470 = tpu.memref_slice %arg4[%select_n3A_443, %dma_wait3A_467, %mul3A_461, %dma_wait3A_468, %dma_wait3A_469] : memref<200x8x32x8x128xf32, #tpu.memory_space<hbm>> -> memref<1x8x2x8x128xf32, #tpu.memory_space<hbm>>
    %dma_wait3A_471 = tpu.memref_squeeze %dma_wait3A_470 : memref<1x8x2x8x128xf32, #tpu.memory_space<hbm>> -> memref<8x2x8x128xf32, #tpu.memory_space<hbm>>
    %dma_wait3A_472 = arith.constant 0 : i32
    %dma_wait3A_473 = arith.constant 0 : i32
    %dma_wait3A_474 = arith.constant 0 : i32
    %dma_wait3A_475 = tpu.memref_slice %arg4[%select_n3A_443, %dma_wait3A_472, %mul3A_461, %dma_wait3A_473, %dma_wait3A_474] : memref<200x8x32x8x128xf32, #tpu.memory_space<hbm>> -> memref<1x8x2x8x128xf32, #tpu.memory_space<hbm>>
    %dma_wait3A_476 = tpu.memref_squeeze %dma_wait3A_475 : memref<1x8x2x8x128xf32, #tpu.memory_space<hbm>> -> memref<8x2x8x128xf32, #tpu.memory_space<hbm>>
    %dma_wait3A_477 = arith.constant 0 : i32
    %dma_wait3A_478 = arith.constant 0 : i32
    %dma_wait3A_479 = arith.constant 0 : i32
    %dma_wait3A_480 = arith.constant 0 : i32
    %dma_wait3A_481 = tpu.memref_slice %arg9[%dma_wait3A_477, %dma_wait3A_478, %dma_wait3A_479, %dma_wait3A_480] : memref<8x2x9x129xf32, #tpu.memory_space<vmem>> -> memref<8x2x8x128xf32, #tpu.memory_space<vmem>>
    tpu.wait_dma2 semaphore(%arg13 : memref<!tpu.dma_semaphore, #tpu.memory_space<semaphore_mem>>) src(%dma_wait3A_481 : memref<8x2x8x128xf32, #tpu.memory_space<vmem>>) dst(%dma_wait3A_476 : memref<8x2x8x128xf32, #tpu.memory_space<hbm>>)
    %broadcast_in_dim3A_482 = arith.constant 0 : i32
    %broadcast_in_dim3A_483 = vector.broadcast %broadcast_in_dim3A_482 : i32 to vector<16xi32>
    %parallel_loop3A_484 = arith.constant 0 : i32
    %parallel_loop3A_485 = arith.constant 128 : i32
    %parallel_loop3A_486 = arith.constant 1 : i32
    scf.for %parallel_loop3A_684 = %parallel_loop3A_484 to %parallel_loop3A_485 step %parallel_loop3A_486  : i32 {
      %parallel_loop3A_685 = vector.broadcast %parallel_loop3A_684 : i32 to vector<16xi32>
      %parallel_loop3A_686 = arith.constant 0 : i32
      %parallel_loop3A_687 = arith.addi %parallel_loop3A_686, %parallel_loop3A_684 : i32
      %parallel_loop3A_688 = arith.index_cast %parallel_loop3A_687 : i32 to index
      %parallel_loop3A_689 = arith.constant 0 : index
      %parallel_loop3A_690 = tpu.vector_load %arg7[%parallel_loop3A_688, %parallel_loop3A_689] {strides = array<i32>} : memref<256x64xf32, #tpu.memory_space<vmem>>, vector<16xf32>,
      %parallel_loop3A_691 = arith.index_cast %parallel_loop3A_687 : i32 to index
      %parallel_loop3A_692 = arith.constant 16 : index
      %parallel_loop3A_693 = tpu.vector_load %arg7[%parallel_loop3A_691, %parallel_loop3A_692] {strides = array<i32>} : memref<256x64xf32, #tpu.memory_space<vmem>>, vector<16xf32>,
      %parallel_loop3A_694 = arith.index_cast %parallel_loop3A_687 : i32 to index
      %parallel_loop3A_695 = arith.constant 32 : index
      %parallel_loop3A_696 = tpu.vector_load %arg7[%parallel_loop3A_694, %parallel_loop3A_695] {strides = array<i32>} : memref<256x64xf32, #tpu.memory_space<vmem>>, vector<16xf32>,
      %parallel_loop3A_697 = arith.index_cast %parallel_loop3A_687 : i32 to index
      %parallel_loop3A_698 = arith.constant 48 : index
      %parallel_loop3A_699 = tpu.vector_load %arg7[%parallel_loop3A_697, %parallel_loop3A_698] {strides = array<i32>} : memref<256x64xf32, #tpu.memory_space<vmem>>, vector<16xf32>,
      tpu.vector_store_idx %arg9[%shift_right_arithmetic3A_9, %broadcast_in_dim3A_483, %and3A_56, %parallel_loop3A_685], %parallel_loop3A_690 : memref<8x2x9x129xf32, #tpu.memory_space<vmem>>[vector<16xi32>, vector<16xi32>, vector<16xi32>, vector<16xi32>], vector<16xf32>,
      tpu.vector_store_idx %arg9[%shift_right_arithmetic3A_15, %broadcast_in_dim3A_483, %and3A_62, %parallel_loop3A_685], %parallel_loop3A_693 : memref<8x2x9x129xf32, #tpu.memory_space<vmem>>[vector<16xi32>, vector<16xi32>, vector<16xi32>, vector<16xi32>], vector<16xf32>,
      tpu.vector_store_idx %arg9[%shift_right_arithmetic3A_21, %broadcast_in_dim3A_483, %and3A_68, %parallel_loop3A_685], %parallel_loop3A_696 : memref<8x2x9x129xf32, #tpu.memory_space<vmem>>[vector<16xi32>, vector<16xi32>, vector<16xi32>, vector<16xi32>], vector<16xf32>,
      tpu.vector_store_idx %arg9[%shift_right_arithmetic3A_27, %broadcast_in_dim3A_483, %and3A_74, %parallel_loop3A_685], %parallel_loop3A_699 : memref<8x2x9x129xf32, #tpu.memory_space<vmem>>[vector<16xi32>, vector<16xi32>, vector<16xi32>, vector<16xi32>], vector<16xf32>,
    } {sc.loop_unroll_factor = 1 : i64, sc.parallel_access}
    %broadcast_in_dim3A_487 = arith.constant 1 : i32
    %broadcast_in_dim3A_488 = vector.broadcast %broadcast_in_dim3A_487 : i32 to vector<16xi32>
    %parallel_loop3A_489 = arith.constant 0 : i32
    %parallel_loop3A_490 = arith.constant 128 : i32
    %parallel_loop3A_491 = arith.constant 1 : i32
    scf.for %parallel_loop3A_684 = %parallel_loop3A_489 to %parallel_loop3A_490 step %parallel_loop3A_491  : i32 {
      %parallel_loop3A_685 = vector.broadcast %parallel_loop3A_684 : i32 to vector<16xi32>
      %parallel_loop3A_686 = arith.constant 128 : i32
      %parallel_loop3A_687 = arith.addi %parallel_loop3A_686, %parallel_loop3A_684 : i32
      %parallel_loop3A_688 = arith.index_cast %parallel_loop3A_687 : i32 to index
      %parallel_loop3A_689 = arith.constant 0 : index
      %parallel_loop3A_690 = tpu.vector_load %arg7[%parallel_loop3A_688, %parallel_loop3A_689] {strides = array<i32>} : memref<256x64xf32, #tpu.memory_space<vmem>>, vector<16xf32>,
      %parallel_loop3A_691 = arith.index_cast %parallel_loop3A_687 : i32 to index
      %parallel_loop3A_692 = arith.constant 16 : index
      %parallel_loop3A_693 = tpu.vector_load %arg7[%parallel_loop3A_691, %parallel_loop3A_692] {strides = array<i32>} : memref<256x64xf32, #tpu.memory_space<vmem>>, vector<16xf32>,
      %parallel_loop3A_694 = arith.index_cast %parallel_loop3A_687 : i32 to index
      %parallel_loop3A_695 = arith.constant 32 : index
      %parallel_loop3A_696 = tpu.vector_load %arg7[%parallel_loop3A_694, %parallel_loop3A_695] {strides = array<i32>} : memref<256x64xf32, #tpu.memory_space<vmem>>, vector<16xf32>,
      %parallel_loop3A_697 = arith.index_cast %parallel_loop3A_687 : i32 to index
      %parallel_loop3A_698 = arith.constant 48 : index
      %parallel_loop3A_699 = tpu.vector_load %arg7[%parallel_loop3A_697, %parallel_loop3A_698] {strides = array<i32>} : memref<256x64xf32, #tpu.memory_space<vmem>>, vector<16xf32>,
      tpu.vector_store_idx %arg9[%shift_right_arithmetic3A_9, %broadcast_in_dim3A_488, %and3A_56, %parallel_loop3A_685], %parallel_loop3A_690 : memref<8x2x9x129xf32, #tpu.memory_space<vmem>>[vector<16xi32>, vector<16xi32>, vector<16xi32>, vector<16xi32>], vector<16xf32>,
      tpu.vector_store_idx %arg9[%shift_right_arithmetic3A_15, %broadcast_in_dim3A_488, %and3A_62, %parallel_loop3A_685], %parallel_loop3A_693 : memref<8x2x9x129xf32, #tpu.memory_space<vmem>>[vector<16xi32>, vector<16xi32>, vector<16xi32>, vector<16xi32>], vector<16xf32>,
      tpu.vector_store_idx %arg9[%shift_right_arithmetic3A_21, %broadcast_in_dim3A_488, %and3A_68, %parallel_loop3A_685], %parallel_loop3A_696 : memref<8x2x9x129xf32, #tpu.memory_space<vmem>>[vector<16xi32>, vector<16xi32>, vector<16xi32>, vector<16xi32>], vector<16xf32>,
      tpu.vector_store_idx %arg9[%shift_right_arithmetic3A_27, %broadcast_in_dim3A_488, %and3A_74, %parallel_loop3A_685], %parallel_loop3A_699 : memref<8x2x9x129xf32, #tpu.memory_space<vmem>>[vector<16xi32>, vector<16xi32>, vector<16xi32>, vector<16xi32>], vector<16xf32>,
    } {sc.loop_unroll_factor = 1 : i64, sc.parallel_access}
    %add3A_492 = arith.constant 99 : i32
    %add3A_493 = arith.addi %mul3A_2, %add3A_492 : i32
    %jit3A_494 = arith.constant 16 : i32
    %div3A_495 = arith.divsi %add3A_493, %jit3A_494 : i32
    %sign3A_496 = arith.constant 0 : i32
    %sign3A_497 = arith.cmpi sgt, %add3A_493, %sign3A_496 : i32
    %sign3A_498 = arith.extui %sign3A_497 : i1 to i32
    %sign3A_499 = arith.constant 0 : i32
    %sign3A_500 = arith.cmpi slt, %add3A_493, %sign3A_499 : i32
    %sign3A_501 = arith.extui %sign3A_500 : i1 to i32
    %sign3A_502 = arith.subi %sign3A_498, %sign3A_501 : i32
    %sign3A_503 = arith.constant 0 : i32
    %sign3A_504 = arith.cmpi sgt, %jit3A_494, %sign3A_503 : i32
    %sign3A_505 = arith.extui %sign3A_504 : i1 to i32
    %sign3A_506 = arith.constant 0 : i32
    %sign3A_507 = arith.cmpi slt, %jit3A_494, %sign3A_506 : i32
    %sign3A_508 = arith.extui %sign3A_507 : i1 to i32
    %sign3A_509 = arith.subi %sign3A_505, %sign3A_508 : i32
    %ne3A_510 = arith.cmpi ne, %sign3A_502, %sign3A_509 : i32
    %rem3A_511 = arith.remsi %add3A_493, %jit3A_494 : i32
    %ne3A_512 = arith.constant 0 : i32
    %ne3A_513 = arith.cmpi ne, %rem3A_511, %ne3A_512 : i32
    %and3A_514 = arith.andi %ne3A_510, %ne3A_513 : i1
    %sub3A_515 = arith.constant 1 : i32
    %sub3A_516 = arith.subi %div3A_495, %sub3A_515 : i32
    %select_n3A_517 = arith.select %and3A_514, %sub3A_516, %div3A_495 : i32
    %jit3A_518 = arith.constant 16 : i32
    %eq3A_519 = arith.constant 0 : i32
    %eq3A_520 = arith.cmpi eq, %jit3A_518, %eq3A_519 : i32
    %jit3A_521 = arith.constant 1 : i32
    %select_n3A_522 = arith.select %eq3A_520, %jit3A_521, %jit3A_518 : i32
    %rem3A_523 = arith.remsi %add3A_493, %select_n3A_522 : i32
    %ne3A_524 = arith.constant 0 : i32
    %ne3A_525 = arith.cmpi ne, %rem3A_523, %ne3A_524 : i32
    %lt3A_526 = arith.constant 0 : i32
    %lt3A_527 = arith.cmpi slt, %rem3A_523, %lt3A_526 : i32
    %lt3A_528 = arith.constant 0 : i32
    %lt3A_529 = arith.cmpi slt, %select_n3A_522, %lt3A_528 : i32
    %ne3A_530 = arith.xori %lt3A_527, %lt3A_529 : i1
    %and3A_531 = arith.andi %ne3A_530, %ne3A_525 : i1
    %add3A_532 = arith.addi %rem3A_523, %select_n3A_522 : i32
    %select_n3A_533 = arith.select %and3A_531, %add3A_532, %rem3A_523 : i32
    %mul3A_534 = arith.constant 2 : i32
    %mul3A_535 = arith.muli %select_n3A_533, %mul3A_534 : i32
    %dma_start3A_536 = arith.constant 0 : i32
    %dma_start3A_537 = arith.constant 0 : i32
    %dma_start3A_538 = arith.constant 0 : i32
    %dma_start3A_539 = arith.constant 0 : i32
    %dma_start3A_540 = tpu.memref_slice %arg9[%dma_start3A_536, %dma_start3A_537, %dma_start3A_538, %dma_start3A_539] : memref<8x2x9x129xf32, #tpu.memory_space<vmem>> -> memref<8x2x8x128xf32, #tpu.memory_space<vmem>>
    %dma_start3A_541 = arith.constant 0 : i32
    %dma_start3A_542 = arith.constant 0 : i32
    %dma_start3A_543 = arith.constant 0 : i32
    %dma_start3A_544 = tpu.memref_slice %arg4[%select_n3A_517, %dma_start3A_541, %mul3A_535, %dma_start3A_542, %dma_start3A_543] : memref<200x8x32x8x128xf32, #tpu.memory_space<hbm>> -> memref<1x8x2x8x128xf32, #tpu.memory_space<hbm>>
    %dma_start3A_545 = tpu.memref_squeeze %dma_start3A_544 : memref<1x8x2x8x128xf32, #tpu.memory_space<hbm>> -> memref<8x2x8x128xf32, #tpu.memory_space<hbm>>
    %dma_start3A_546 = arith.constant 0 : i32
    %dma_start3A_547 = arith.constant 0 : i32
    %dma_start3A_548 = arith.constant 0 : i32
    %dma_start3A_549 = tpu.memref_slice %arg4[%select_n3A_517, %dma_start3A_546, %mul3A_535, %dma_start3A_547, %dma_start3A_548] : memref<200x8x32x8x128xf32, #tpu.memory_space<hbm>> -> memref<1x8x2x8x128xf32, #tpu.memory_space<hbm>>
    %dma_start3A_550 = tpu.memref_squeeze %dma_start3A_549 : memref<1x8x2x8x128xf32, #tpu.memory_space<hbm>> -> memref<8x2x8x128xf32, #tpu.memory_space<hbm>>
    %dma_start3A_551 = arith.constant 0 : i32
    %dma_start3A_552 = arith.constant 0 : i32
    %dma_start3A_553 = arith.constant 0 : i32
    %dma_start3A_554 = arith.constant 0 : i32
    %dma_start3A_555 = tpu.memref_slice %arg9[%dma_start3A_551, %dma_start3A_552, %dma_start3A_553, %dma_start3A_554] : memref<8x2x9x129xf32, #tpu.memory_space<vmem>> -> memref<8x2x8x128xf32, #tpu.memory_space<vmem>>
    tpu.enqueue_dma source(%dma_start3A_555 : memref<8x2x8x128xf32, #tpu.memory_space<vmem>>) target(%dma_start3A_550 : memref<8x2x8x128xf32, #tpu.memory_space<hbm>>) target_semaphore(%arg13 : memref<!tpu.dma_semaphore, #tpu.memory_space<semaphore_mem>>)
    %add3A_556 = arith.constant 0 : i32
    %add3A_557 = arith.addi %mul3A_2, %add3A_556 : i32
    %jit3A_558 = arith.constant 16 : i32
    %div3A_559 = arith.divsi %add3A_557, %jit3A_558 : i32
    %sign3A_560 = arith.constant 0 : i32
    %sign3A_561 = arith.cmpi sgt, %add3A_557, %sign3A_560 : i32
    %sign3A_562 = arith.extui %sign3A_561 : i1 to i32
    %sign3A_563 = arith.constant 0 : i32
    %sign3A_564 = arith.cmpi slt, %add3A_557, %sign3A_563 : i32
    %sign3A_565 = arith.extui %sign3A_564 : i1 to i32
    %sign3A_566 = arith.subi %sign3A_562, %sign3A_565 : i32
    %sign3A_567 = arith.constant 0 : i32
    %sign3A_568 = arith.cmpi sgt, %jit3A_558, %sign3A_567 : i32
    %sign3A_569 = arith.extui %sign3A_568 : i1 to i32
    %sign3A_570 = arith.constant 0 : i32
    %sign3A_571 = arith.cmpi slt, %jit3A_558, %sign3A_570 : i32
    %sign3A_572 = arith.extui %sign3A_571 : i1 to i32
    %sign3A_573 = arith.subi %sign3A_569, %sign3A_572 : i32
    %ne3A_574 = arith.cmpi ne, %sign3A_566, %sign3A_573 : i32
    %rem3A_575 = arith.remsi %add3A_557, %jit3A_558 : i32
    %ne3A_576 = arith.constant 0 : i32
    %ne3A_577 = arith.cmpi ne, %rem3A_575, %ne3A_576 : i32
    %and3A_578 = arith.andi %ne3A_574, %ne3A_577 : i1
    %sub3A_579 = arith.constant 1 : i32
    %sub3A_580 = arith.subi %div3A_559, %sub3A_579 : i32
    %select_n3A_581 = arith.select %and3A_578, %sub3A_580, %div3A_559 : i32
    %jit3A_582 = arith.constant 16 : i32
    %eq3A_583 = arith.constant 0 : i32
    %eq3A_584 = arith.cmpi eq, %jit3A_582, %eq3A_583 : i32
    %jit3A_585 = arith.constant 1 : i32
    %select_n3A_586 = arith.select %eq3A_584, %jit3A_585, %jit3A_582 : i32
    %rem3A_587 = arith.remsi %add3A_557, %select_n3A_586 : i32
    %ne3A_588 = arith.constant 0 : i32
    %ne3A_589 = arith.cmpi ne, %rem3A_587, %ne3A_588 : i32
    %lt3A_590 = arith.constant 0 : i32
    %lt3A_591 = arith.cmpi slt, %rem3A_587, %lt3A_590 : i32
    %lt3A_592 = arith.constant 0 : i32
    %lt3A_593 = arith.cmpi slt, %select_n3A_586, %lt3A_592 : i32
    %ne3A_594 = arith.xori %lt3A_591, %lt3A_593 : i1
    %and3A_595 = arith.andi %ne3A_594, %ne3A_589 : i1
    %add3A_596 = arith.addi %rem3A_587, %select_n3A_586 : i32
    %select_n3A_597 = arith.select %and3A_595, %add3A_596, %rem3A_587 : i32
    %mul3A_598 = arith.constant 2 : i32
    %mul3A_599 = arith.muli %select_n3A_597, %mul3A_598 : i32
    %dma_wait3A_600 = arith.constant 0 : i32
    %dma_wait3A_601 = arith.constant 0 : i32
    %dma_wait3A_602 = arith.constant 0 : i32
    %dma_wait3A_603 = arith.constant 0 : i32
    %dma_wait3A_604 = tpu.memref_slice %arg8[%dma_wait3A_600, %dma_wait3A_601, %dma_wait3A_602, %dma_wait3A_603] : memref<8x2x9x129xf32, #tpu.memory_space<vmem>> -> memref<8x2x8x128xf32, #tpu.memory_space<vmem>>
    %dma_wait3A_605 = arith.constant 0 : i32
    %dma_wait3A_606 = arith.constant 0 : i32
    %dma_wait3A_607 = arith.constant 0 : i32
    %dma_wait3A_608 = tpu.memref_slice %arg4[%select_n3A_581, %dma_wait3A_605, %mul3A_599, %dma_wait3A_606, %dma_wait3A_607] : memref<200x8x32x8x128xf32, #tpu.memory_space<hbm>> -> memref<1x8x2x8x128xf32, #tpu.memory_space<hbm>>
    %dma_wait3A_609 = tpu.memref_squeeze %dma_wait3A_608 : memref<1x8x2x8x128xf32, #tpu.memory_space<hbm>> -> memref<8x2x8x128xf32, #tpu.memory_space<hbm>>
    %dma_wait3A_610 = arith.constant 0 : i32
    %dma_wait3A_611 = arith.constant 0 : i32
    %dma_wait3A_612 = arith.constant 0 : i32
    %dma_wait3A_613 = tpu.memref_slice %arg4[%select_n3A_581, %dma_wait3A_610, %mul3A_599, %dma_wait3A_611, %dma_wait3A_612] : memref<200x8x32x8x128xf32, #tpu.memory_space<hbm>> -> memref<1x8x2x8x128xf32, #tpu.memory_space<hbm>>
    %dma_wait3A_614 = tpu.memref_squeeze %dma_wait3A_613 : memref<1x8x2x8x128xf32, #tpu.memory_space<hbm>> -> memref<8x2x8x128xf32, #tpu.memory_space<hbm>>
    %dma_wait3A_615 = arith.constant 0 : i32
    %dma_wait3A_616 = arith.constant 0 : i32
    %dma_wait3A_617 = arith.constant 0 : i32
    %dma_wait3A_618 = arith.constant 0 : i32
    %dma_wait3A_619 = tpu.memref_slice %arg8[%dma_wait3A_615, %dma_wait3A_616, %dma_wait3A_617, %dma_wait3A_618] : memref<8x2x9x129xf32, #tpu.memory_space<vmem>> -> memref<8x2x8x128xf32, #tpu.memory_space<vmem>>
    tpu.wait_dma2 semaphore(%arg12 : memref<!tpu.dma_semaphore, #tpu.memory_space<semaphore_mem>>) src(%dma_wait3A_619 : memref<8x2x8x128xf32, #tpu.memory_space<vmem>>) dst(%dma_wait3A_614 : memref<8x2x8x128xf32, #tpu.memory_space<hbm>>)
    %add3A_620 = arith.constant 0 : i32
    %add3A_621 = arith.addi %mul3A_2, %add3A_620 : i32
    %jit3A_622 = arith.constant 16 : i32
    %div3A_623 = arith.divsi %add3A_621, %jit3A_622 : i32
    %sign3A_624 = arith.constant 0 : i32
    %sign3A_625 = arith.cmpi sgt, %add3A_621, %sign3A_624 : i32
    %sign3A_626 = arith.extui %sign3A_625 : i1 to i32
    %sign3A_627 = arith.constant 0 : i32
    %sign3A_628 = arith.cmpi slt, %add3A_621, %sign3A_627 : i32
    %sign3A_629 = arith.extui %sign3A_628 : i1 to i32
    %sign3A_630 = arith.subi %sign3A_626, %sign3A_629 : i32
    %sign3A_631 = arith.constant 0 : i32
    %sign3A_632 = arith.cmpi sgt, %jit3A_622, %sign3A_631 : i32
    %sign3A_633 = arith.extui %sign3A_632 : i1 to i32
    %sign3A_634 = arith.constant 0 : i32
    %sign3A_635 = arith.cmpi slt, %jit3A_622, %sign3A_634 : i32
    %sign3A_636 = arith.extui %sign3A_635 : i1 to i32
    %sign3A_637 = arith.subi %sign3A_633, %sign3A_636 : i32
    %ne3A_638 = arith.cmpi ne, %sign3A_630, %sign3A_637 : i32
    %rem3A_639 = arith.remsi %add3A_621, %jit3A_622 : i32
    %ne3A_640 = arith.constant 0 : i32
    %ne3A_641 = arith.cmpi ne, %rem3A_639, %ne3A_640 : i32
    %and3A_642 = arith.andi %ne3A_638, %ne3A_641 : i1
    %sub3A_643 = arith.constant 1 : i32
    %sub3A_644 = arith.subi %div3A_623, %sub3A_643 : i32
    %select_n3A_645 = arith.select %and3A_642, %sub3A_644, %div3A_623 : i32
    %jit3A_646 = arith.constant 16 : i32
    %eq3A_647 = arith.constant 0 : i32
    %eq3A_648 = arith.cmpi eq, %jit3A_646, %eq3A_647 : i32
    %jit3A_649 = arith.constant 1 : i32
    %select_n3A_650 = arith.select %eq3A_648, %jit3A_649, %jit3A_646 : i32
    %rem3A_651 = arith.remsi %add3A_621, %select_n3A_650 : i32
    %ne3A_652 = arith.constant 0 : i32
    %ne3A_653 = arith.cmpi ne, %rem3A_651, %ne3A_652 : i32
    %lt3A_654 = arith.constant 0 : i32
    %lt3A_655 = arith.cmpi slt, %rem3A_651, %lt3A_654 : i32
    %lt3A_656 = arith.constant 0 : i32
    %lt3A_657 = arith.cmpi slt, %select_n3A_650, %lt3A_656 : i32
    %ne3A_658 = arith.xori %lt3A_655, %lt3A_657 : i1
    %and3A_659 = arith.andi %ne3A_658, %ne3A_653 : i1
    %add3A_660 = arith.addi %rem3A_651, %select_n3A_650 : i32
    %select_n3A_661 = arith.select %and3A_659, %add3A_660, %rem3A_651 : i32
    %mul3A_662 = arith.constant 2 : i32
    %mul3A_663 = arith.muli %select_n3A_661, %mul3A_662 : i32
    %dma_wait3A_664 = arith.constant 0 : i32
    %dma_wait3A_665 = arith.constant 0 : i32
    %dma_wait3A_666 = arith.constant 0 : i32
    %dma_wait3A_667 = arith.constant 0 : i32
    %dma_wait3A_668 = tpu.memref_slice %arg9[%dma_wait3A_664, %dma_wait3A_665, %dma_wait3A_666, %dma_wait3A_667] : memref<8x2x9x129xf32, #tpu.memory_space<vmem>> -> memref<8x2x8x128xf32, #tpu.memory_space<vmem>>
    %dma_wait3A_669 = arith.constant 0 : i32
    %dma_wait3A_670 = arith.constant 0 : i32
    %dma_wait3A_671 = arith.constant 0 : i32
    %dma_wait3A_672 = tpu.memref_slice %arg4[%select_n3A_645, %dma_wait3A_669, %mul3A_663, %dma_wait3A_670, %dma_wait3A_671] : memref<200x8x32x8x128xf32, #tpu.memory_space<hbm>> -> memref<1x8x2x8x128xf32, #tpu.memory_space<hbm>>
    %dma_wait3A_673 = tpu.memref_squeeze %dma_wait3A_672 : memref<1x8x2x8x128xf32, #tpu.memory_space<hbm>> -> memref<8x2x8x128xf32, #tpu.memory_space<hbm>>
    %dma_wait3A_674 = arith.constant 0 : i32
    %dma_wait3A_675 = arith.constant 0 : i32
    %dma_wait3A_676 = arith.constant 0 : i32
    %dma_wait3A_677 = tpu.memref_slice %arg4[%select_n3A_645, %dma_wait3A_674, %mul3A_663, %dma_wait3A_675, %dma_wait3A_676] : memref<200x8x32x8x128xf32, #tpu.memory_space<hbm>> -> memref<1x8x2x8x128xf32, #tpu.memory_space<hbm>>
    %dma_wait3A_678 = tpu.memref_squeeze %dma_wait3A_677 : memref<1x8x2x8x128xf32, #tpu.memory_space<hbm>> -> memref<8x2x8x128xf32, #tpu.memory_space<hbm>>
    %dma_wait3A_679 = arith.constant 0 : i32
    %dma_wait3A_680 = arith.constant 0 : i32
    %dma_wait3A_681 = arith.constant 0 : i32
    %dma_wait3A_682 = arith.constant 0 : i32
    %dma_wait3A_683 = tpu.memref_slice %arg9[%dma_wait3A_679, %dma_wait3A_680, %dma_wait3A_681, %dma_wait3A_682] : memref<8x2x9x129xf32, #tpu.memory_space<vmem>> -> memref<8x2x8x128xf32, #tpu.memory_space<vmem>>
    tpu.wait_dma2 semaphore(%arg13 : memref<!tpu.dma_semaphore, #tpu.memory_space<semaphore_mem>>) src(%dma_wait3A_683 : memref<8x2x8x128xf32, #tpu.memory_space<vmem>>) dst(%dma_wait3A_678 : memref<8x2x8x128xf32, #tpu.memory_space<hbm>>)
    return
  }
}

</mosaic_0001>

<sc_bundles>
// kernel: kernel.3.cloned.1.call-start
scs
__scs_entry_jumppad:
0x0: {  	(pc) =	sbr.rel $0x88, $3  }
0x1: {  	(tag) =	ssettag $0x0;
	lr =	simm.s32 $0x1  }
0x2: {  	[smem:$0x3F9F] =	sst lr;
	_ =	strace $0xD0000000  }
0x3: {  	_ = 	snop  }
0x4: {  	_ = 	snop  }
0x5: {  	_ = 	snop  }
0x6: {  	_ = 	snop  }
0x7: {  	_ = 	snop  }
__scs_overlays_trampoline_lowered:
0x8: {  	[smem:$0x3FAE] =	sst s0  }
0x9: {  	[smem:$0x3FAF] =	sst s1  }
0xa: {  	[smem:$0x3FB0] =	sst s2  }
0xb: {  	[smem:$0x3FB1] =	sst s3  }
0xc: {  	[smem:$0x3FB2] =	sst s4  }
0xd: {  	[smem:$0x3FB3] =	sst s5  }
0xe: {  	[smem:$0x3FB4] =	sst s6  }
0xf: {  	[smem:$0x3FB5] =	sst s7  }
0x10: {  	[smem:$0x3FB6] =	sst s8  }
0x11: {  	[smem:$0x3FB7] =	sst s9;
	s0 =	simm.s32 @!p0 $0x0  }
0x12: {  	s1 =	sld [smem:$0x3F9D];
	s0 =	simm.s32 @p0 $0x1  }
0x13: {  	[smem:$0x3FB8] =	sst s0;
	s0 =	simm.s32 @!p1 $0x0  }
0x14: {  	s2 =	sld [smem:$0x3F9C];
	s0 =	simm.s32 @p1 $0x1  }
0x15: {  	[smem:$0x3FB9] =	sst s0;
	s0 =	simm.s32 @!p2 $0x0  }
0x16: {  	s3 =	sld [smem:$0x3FDB];
	s0 =	simm.s32 @p2 $0x1  }
0x17: {  	s4 =	simm.s32 $0x1BF5;
	[smem:$0x3FBB] =	sst s0  }
0x18: {  	s0 =	sld [smem:$0x3F9E];
	_ =	swait.ge [sflag:s4], $0x0  }
0x19: {  	s7 =	sld [smem:$0x3F9F]  }
0x1a: {  	s8 =	sadd.s32 $0xFFFFE003, lr  }
0x1b: {  	s9 =	sadd.s32 $0xFFFFFEF7, lr;
	s5 =	simm.s32 $0xFFFFFFFF;
	p2 =	slt.u32 s8, $0xFFFFF086  }
0x1c: {  	p1 =	slt.u32 s9, $0xF7A;
	s5 =	simm.s32 @!p2 $0x0  }
0x1d: {  	s5 =	simm.s32 @p1 $0x1;
	p0 =	seq.s32 s7, s2  }
0x1e: {  	s7 =	smul.u32 @!p0 $0xF7A, s2;
	p2 =	seq.s32 @!p0 s5, $0x0  }
0x1f: {  	s9 =	smul.u32 $0xF7A, s1;
	s8 =	simm.s32 @!p0 $0x1BF5;
	p2 =	por !p2, p0  }
0x20: {  	[sflag:s8] =	ssyncset.s32 @!p0 $0xFFFFF086;
	s6 =	sadd.s32 @!p0 s3, s7;
	s7 =	simm.s32 @!p0 $0x108  }
0x21: {  	s3 =	sadd.s32 s3, s9;
	s6 =	sadd.s32 @!p0 $0x88, s6;
	s7 =	simm.s32 @p2 $0x1082  }
0x22: {  	[simem:s7], [sflag:s8] =	dma.local @!p0 [hbm:s6], $0xF7A  }
0x23: {  	s9 =	sor.u32 $0xD0000000, s2;
	s6 =	simm.s32 $0x108;
	_ =	swait.ge @!p0 [sflag:s8], $0x0  }
0x24: {  	s3 =	sadd.s32 $0x88, s3;
	s6 =	simm.s32 @!p1 $0x1082;
	[sflag:s4] =	ssyncset.s32 $0xFFFFF086  }
0x25: {  	[simem:s6], [sflag:s4] =	dma.local [hbm:s3], $0xF7A  }
0x26: {  	[smem:$0x3F9F] =	sst s1;
	(tag) =	ssettag s2;
	_ =	strace s9  }
0x27: {  	s1 =	sld [smem:$0x3FAF]  }
0x28: {  	s2 =	sld [smem:$0x3FB0]  }
0x29: {  	s4 =	sld [smem:$0x3FB2]  }
0x2a: {  	p0 =	seq.s32 s5, $0x0;
	s5 =	sld [smem:$0x3FB3]  }
0x2b: {  	s6 =	sld [smem:$0x3FB4]  }
0x2c: {  	s7 =	sld [smem:$0x3FB5]  }
0x2d: {  	s3 =	simm.s32 $0x108;
	s8 =	sld [smem:$0x3FB6]  }
0x2e: {  	s3 =	simm.s32 @!p0 $0x1082;
	s9 =	sld [smem:$0x3FB7]  }
0x2f: {  	lr =	sadd.s32 s0, s3;
	s0 =	sld [smem:$0x3FAE]  }
0x30: {  	s3 =	sld [smem:$0x3FB1]  }
0x31: {  	[smem:$0x3FBA] =	sst s10  }
0x32: {  	s10 =	sld [smem:$0x3FB8];
	_ =	sdelay $0x3  }
0x33: {  	p0 =	seq.s32 s10, $0x1;
	s10 =	sld [smem:$0x3FBA];
	_ =	sdelay $0x3  }
0x34: {  	[smem:$0x3FBA] =	sst s10  }
0x35: {  	s10 =	sld [smem:$0x3FB9];
	_ =	sdelay $0x3  }
0x36: {  	p1 =	seq.s32 s10, $0x1;
	s10 =	sld [smem:$0x3FBA];
	_ =	sdelay $0x3  }
0x37: {  	[smem:$0x3FBA] =	sst s10  }
0x38: {  	s10 =	sld [smem:$0x3FBB]  }
0x39: {  	_ = 	snop;
	(pc) =	sbr.ind lr, $3  }
0x3a: {  	_ = 	snop  }
0x3b: {  	_ = 	snop  }
0x3c: {  	p2 =	seq.s32 s10, $0x1;
	s10 =	sld [smem:$0x3FBA]  }
0x3d: {  	_ =	shalt  }
0x3e: {  	_ =	shalt  }
0x3f: {  	_ =	shalt  }
0x40: {  	_ =	shalt  }
0x41: {  	_ =	shalt  }
0x42: {  	_ =	shalt  }
0x43: {  	_ =	shalt  }
0x44: {  	_ =	shalt  }
0x45: {  	_ =	shalt  }
0x46: {  	_ =	shalt  }
0x47: {  	_ =	shalt  }
0x48: {  	_ =	shalt  }
0x49: {  	_ =	shalt  }
0x4a: {  	_ =	shalt  }
0x4b: {  	_ =	shalt  }
0x4c: {  	_ =	shalt  }
0x4d: {  	_ =	shalt  }
0x4e: {  	_ =	shalt  }
0x4f: {  	_ =	shalt  }
0x50: {  	_ =	shalt  }
0x51: {  	_ =	shalt  }
0x52: {  	_ =	shalt  }
0x53: {  	_ =	shalt  }
0x54: {  	_ =	shalt  }
0x55: {  	_ =	shalt  }
0x56: {  	_ =	shalt  }
0x57: {  	_ =	shalt  }
0x58: {  	_ =	shalt  }
0x59: {  	_ =	shalt  }
0x5a: {  	_ =	shalt  }
0x5b: {  	_ =	shalt  }
0x5c: {  	_ =	shalt  }
0x5d: {  	_ =	shalt  }
0x5e: {  	_ =	shalt  }
0x5f: {  	_ =	shalt  }
0x60: {  	_ =	shalt  }
0x61: {  	_ =	shalt  }
0x62: {  	_ =	shalt  }
0x63: {  	_ =	shalt  }
0x64: {  	_ =	shalt  }
0x65: {  	_ =	shalt  }
0x66: {  	_ =	shalt  }
0x67: {  	_ =	shalt  }
0x68: {  	_ =	shalt  }
0x69: {  	_ =	shalt  }
0x6a: {  	_ =	shalt  }
0x6b: {  	_ =	shalt  }
0x6c: {  	_ =	shalt  }
0x6d: {  	_ =	shalt  }
0x6e: {  	_ =	shalt  }
0x6f: {  	_ =	shalt  }
0x70: {  	_ =	shalt  }
0x71: {  	_ =	shalt  }
0x72: {  	_ =	shalt  }
0x73: {  	_ =	shalt  }
0x74: {  	_ =	shalt  }
0x75: {  	_ =	shalt  }
0x76: {  	_ =	shalt  }
0x77: {  	_ =	shalt  }
0x78: {  	_ =	shalt  }
0x79: {  	_ =	shalt  }
0x7a: {  	_ =	shalt  }
0x7b: {  	_ =	shalt  }
0x7c: {  	_ =	shalt  }
0x7d: {  	_ =	shalt  }
0x7e: {  	_ =	shalt  }
0x7f: {  	_ =	shalt  }
0x80: {  	_ =	shalt  }
0x81: {  	_ =	shalt  }
0x82: {  	_ =	shalt  }
0x83: {  	_ =	shalt  }
0x84: {  	_ =	shalt  }
0x85: {  	_ =	shalt  }
0x86: {  	_ =	shalt  }
0x87: {  	_ =	shalt  }
.Lfunc_end0:
.L_simem_size_0:
called_computation_lowered:
.L_overlay_start_0:
0x88: {  	s2 =	sld [smem:$0x3FD9]  }
0x89: {  	s3 =	sld [smem:$0x3FFE];
	_ =	sdelay $0x1  }
0x8a: {  	s1 =	srdreg.scid  }
0x8b: {  	s0 =	sand.u32 $0x1, s1  }
0x8c: {  	s17 =	sshll.u32 s0, $0xA;
	s2 =	sadd.s32 s3, s2  }
0x8d: {  	s2 =	sadd.s32 s2, s17  }
0x8e: {  	[smem:$0x3FC6] =	sst s2  }
0x8f: {  	_ = 	snop  }
0x90: {  	s2 =	sld [smem:$0x3FD0];
	(tm) =	ssettm $0x1  }
0x91: {  	s18 =	sld [smem:$0x3FFB];
	_ =	sdelay $0x3  }
0x92: {  	_ =	strace s18  }
0x93: {  	s3 =	sld [smem:$0x3FFC];
	_ =	sdelay $0x3  }
0x94: {  	_ =	strace s3  }
0x95: {  	s3 =	sld [smem:$0x3FFD];
	_ =	sdelay $0x3  }
0x96: {  	_ =	strace s3  }
0x97: {  	_ =	strace $0x8FFFFFFF  }
0x98: {  	s19 =	sld [smem:$0x3FDB];
	_ =	sdelay $0x1  }
0x99: {  	s4 =	simm.s32 $_scs_section_size  }
0x9a: {  	s5 =	simm.s32 $_size__tile_overlayer_lowered;
	s6 =	simm.s32 $_tile_overlayer_lowered  }
0x9b: {  	s22 =	simm.s32 $0x1BFF;
	s21 =	sshll.u32 s6, $0x1;
	s3 =	sadd.s32 s4, s19  }
0x9c: {  	s7 =	simm.s32 $0x0;
	s20 =	sshll.u32 s5, $0x1;
	s5 =	sadd.s32 s21, s3  }
0x9d: {  	[timem:s7], [sflag:s22] =	dma.local [hbm:s5], s20  }
0x9e: {  	_ =	swait.ge [sflag:s22], s20  }
0x9f: {  	s4 =	ssub.s32 $0x0, s20;
	[sflag:s22] =	ssyncset.done $0x0  }
0xa0: {  	[sflag:s22] =	ssyncadd.s32 s4;
	_ =	sdelay $0x1  }
0xa1: {  	s23 =	simm.s32 $0x1B8B  }
0xa2: {  	_ =	swait.ge [sflag:s23], $0x1  }
0xa3: {  	[sflag:s23] =	ssyncset.done $0x0  }
0xa4: {  	s25 =	simm.s32 $0x1B8E;
	s24 =	sld [smem:$0x3FFE];
	[sflag:s23] =	ssyncadd.s32 $0xFFFFFFFF  }
0xa5: {  	s26 =	simm.s32 $execute0_lowered;
	[smem:$0x3FD2] =	sst s25  }
0xa6: {  	s5 =	sshll.u32 s26, $0x1;
	_ =	strace $0x80000046;
	[dreg:$0x1] =	wrdreg $0xFFFFFFFF  }
0xa7: {  	s28 =	simm.s32 $_size_execute0_lowered;
	s3 =	sadd.s32 s3, s5;
	[dreg:$0x0] =	wrdreg $0x0  }
0xa8: {  	s5 =	sshll.u32 s28, $0x1;
	[dreg:$0x2] =	wrdreg s3  }
0xa9: {  	[dreg:$0x3] =	wrdreg s5  }
0xaa: {  	[dreg:$0x4] =	wrdreg $0xC0  }
0xab: {  	_ =	task [dreg:s7], $0x5FFFF  }
0xac: {  	[dreg:$0x1] =	wrdreg $0xFFFFFFFF  }
0xad: {  	[dreg:$0x0] =	wrdreg $0x60  }
0xae: {  	[dreg:$0x2] =	wrdreg s24  }
0xaf: {  	[dreg:$0x3] =	wrdreg s2  }
0xb0: {  	[dreg:$0x4] =	wrdreg $0x9  }
0xb1: {  	_ =	task.clear_ibuf [dreg:s7], $0x5FFFF;
	_ =	strace $0x90000046  }
0xb2: {  	s29 =	simm.s32 $0x9;
	_ =	strace $0x80000048  }
0xb3: {  	_ =	swait.ge [sflag:s29], $0x1  }
0xb4: {  	[sflag:s29] =	ssyncadd.s32 $0xFFFFFFFF  }
0xb5: {  	_ =	strace $0x90000048  }
0xb6: {  	_ =	sfence  }
0xb7: {  	s30 =	sld [smem:$0x0];
	_ =	sdelay $0x2  }
0xb8: {  	s31 =	sshll.u32 s1, $0xD;
	s1 =	sshrl.u32 s1, $0x2  }
0xb9: {  	s3 =	sand.u32 $0x4000, s31;
	s1 =	sadd.s32 s1, s30  }
0xba: {  	s0 =	sor.u32 s3, s0;
	s1 =	sshll.u32 s1, $0x11  }
0xbb: {  	s0 =	sor.u32 s1, s0  }
0xbc: {  	s0 =	sadd.s32 $0x8F2B, s0  }
0xbd: {  	[sflag:s0] =	ssyncadd.remote.s32 $0x1  }
0xbe: {  	_ =	sfence.sel $0xFFFF  }
0xbf: {  	[dreg:$0x0] =	wrdreg $0xFFFFFFFF;
	(pc) =	sbr.abs _section_cstart, $3  }
0xc0: {  	[dreg:$0x1] =	wrdreg $0xFFFFFFFF  }
0xc1: {  	_ =	task.clear_ibuf [dreg:s7], $0x2FFFF;
	_ =	strace $0x9FFFFFFF  }
0xc2: {  	(tm) =	ssettm $0x7FFFFFFF  }
0xc3: {  	_ =	shalt  }
tec
execute0_lowered:
.L_overlay_start_1:
0x0: {  	(tag) =	ssettag $0x1  }
0x1: {  	v0 =	vimm.s32 $0xD48;
	vm14 =	vcmask $0x300  }
0x2: {  	v1 =	vimm.s32 $0x2068;
	vm13 =	vcmask $0x704;
	vm12 =	vcmask $0xB08  }
0x3: {  	vm11 =	vcmask $0xF0C;
	vm10 =	vcmask $0x1310;
	vm9 =	vcmask $0x1714  }
0x4: {  	vm8 =	vcmask $0x1B18;
	vm7 =	vcmask $0x1F1C;
	vm6 =	vcmask $0x2320  }
0x5: {  	vm5 =	vcmask $0x2724;
	vm4 =	vcmask $0x2B28;
	vm3 =	vcmask $0x2F2C  }
0x6: {  	vm2 =	vcmask $0x3330;
	vm1 =	vcmask $0x3734;
	vm0 =	vcmask $0x3B38  }
0x7: {  	v2 =	vimm.s32 $0x3388;
	v3 =	vimm.s32 $0x46A8;
	v4 =	vimm.s32 $0x1210  }
0x8: {  	v5 =	vimm.s32 $0x2530;
	v6 =	vimm.s32 $0x3850;
	v7 =	vimm.s32 $0x4B70  }
0x9: {  	v0 =	vsel vm14, $0x0, v0;
	v1 =	vsel vm14, $0x1320, v1;
	v2 =	vsel vm14, $0x2640, v2  }
0xa: {  	v3 =	vsel vm14, $0x3960, v3;
	v4 =	vsel vm14, $0x4C8, v4;
	v5 =	vsel vm14, $0x17E8, v5  }
0xb: {  	v6 =	vsel vm14, $0x2B08, v6;
	v7 =	vsel vm14, $0x3E28, v7;
	v0 =	vsel vm13, $0x88, v0  }
0xc: {  	v1 =	vsel vm13, $0x13A8, v1;
	v2 =	vsel vm13, $0x26C8, v2;
	v3 =	vsel vm13, $0x39E8, v3  }
0xd: {  	v4 =	vsel vm13, $0x550, v4;
	v5 =	vsel vm13, $0x1870, v5;
	v6 =	vsel vm13, $0x2B90, v6  }
0xe: {  	v7 =	vsel vm13, $0x3EB0, v7;
	v0 =	vsel vm12, $0x110, v0;
	v1 =	vsel vm12, $0x1430, v1  }
0xf: {  	v2 =	vsel vm12, $0x2750, v2;
	v3 =	vsel vm12, $0x3A70, v3;
	v4 =	vsel vm12, $0x5D8, v4  }
0x10: {  	v5 =	vsel vm12, $0x18F8, v5;
	v6 =	vsel vm12, $0x2C18, v6;
	v7 =	vsel vm12, $0x3F38, v7  }
0x11: {  	v0 =	vsel vm11, $0x198, v0;
	v1 =	vsel vm11, $0x14B8, v1;
	v2 =	vsel vm11, $0x27D8, v2  }
0x12: {  	v3 =	vsel vm11, $0x3AF8, v3;
	v4 =	vsel vm11, $0x660, v4;
	v5 =	vsel vm11, $0x1980, v5  }
0x13: {  	v6 =	vsel vm11, $0x2CA0, v6;
	v7 =	vsel vm11, $0x3FC0, v7;
	v0 =	vsel vm10, $0x220, v0  }
0x14: {  	v1 =	vsel vm10, $0x1540, v1;
	v2 =	vsel vm10, $0x2860, v2;
	v3 =	vsel vm10, $0x3B80, v3  }
0x15: {  	v4 =	vsel vm10, $0x6E8, v4;
	v5 =	vsel vm10, $0x1A08, v5;
	v6 =	vsel vm10, $0x2D28, v6  }
0x16: {  	v7 =	vsel vm10, $0x4048, v7;
	v0 =	vsel vm9, $0x2A8, v0;
	v1 =	vsel vm9, $0x15C8, v1  }
0x17: {  	v2 =	vsel vm9, $0x28E8, v2;
	v3 =	vsel vm9, $0x3C08, v3;
	v4 =	vsel vm9, $0x770, v4  }
0x18: {  	v5 =	vsel vm9, $0x1A90, v5;
	v6 =	vsel vm9, $0x2DB0, v6;
	v7 =	vsel vm9, $0x40D0, v7  }
0x19: {  	v0 =	vsel vm8, $0x330, v0;
	v1 =	vsel vm8, $0x1650, v1;
	v2 =	vsel vm8, $0x2970, v2  }
0x1a: {  	v3 =	vsel vm8, $0x3C90, v3;
	v4 =	vsel vm8, $0x7F8, v4;
	v5 =	vsel vm8, $0x1B18, v5  }
0x1b: {  	v6 =	vsel vm8, $0x2E38, v6;
	v7 =	vsel vm8, $0x4158, v7;
	v0 =	vsel vm7, $0x3B8, v0  }
0x1c: {  	v1 =	vsel vm7, $0x16D8, v1;
	v2 =	vsel vm7, $0x29F8, v2;
	v3 =	vsel vm7, $0x3D18, v3  }
0x1d: {  	v4 =	vsel vm7, $0x880, v4;
	v5 =	vsel vm7, $0x1BA0, v5;
	v6 =	vsel vm7, $0x2EC0, v6  }
0x1e: {  	v7 =	vsel vm7, $0x41E0, v7;
	v0 =	vsel vm6, $0x990, v0;
	v1 =	vsel vm6, $0x1CB0, v1  }
0x1f: {  	s0 =	srdreg.scid;
	s2 =	stileid.u32;
	v2 =	vsel vm6, $0x2FD0, v2;
	v3 =	vsel vm6, $0x42F0, v3;
	v4 =	vsel vm6, $0xE58, v4  }
0x20: {  	s1 =	rddreg [dreg:$0x0];
	s12 =	simm.s32 $0x5;
	s13 =	simm.s32 $0x100;
	v5 =	vsel vm6, $0x2178, v5;
	v6 =	vsel vm6, $0x3498, v6;
	v7 =	vsel vm6, $0x47B8, v7  }
0x21: {  	s14 =	simm.s32 $0x6400;
	s15 =	simm.s32 $0xA400;
	s16 =	simm.s32 $0x1;
	v0 =	vsel vm5, $0xA18, v0;
	v1 =	vsel vm5, $0x1D38, v1;
	v2 =	vsel vm5, $0x3058, v2  }
0x22: {  	s17 =	simm.s32 $0xE400;
	s18 =	simm.s32 $0x200;
	s19 =	simm.s32 $0x2;
	v3 =	vsel vm5, $0x4378, v3;
	v4 =	vsel vm5, $0xEE0, v4;
	v5 =	vsel vm5, $0x2200, v5  }
0x23: {  	s20 =	simm.s32 $0x13080;
	s21 =	simm.s32 $0x300;
	s22 =	simm.s32 $0x3;
	v6 =	vsel vm5, $0x3520, v6;
	v7 =	vsel vm5, $0x4840, v7;
	v0 =	vsel vm4, $0xAA0, v0  }
0x24: {  	s23 =	simm.s32 $0x4;
	s0 =	sand.u32 $0x1, s0;
	s3 =	sshll.u32 s2, $0x1;
	v1 =	vsel vm4, $0x1DC0, v1;
	v2 =	vsel vm4, $0x30E0, v2;
	v3 =	vsel vm4, $0x4400, v3  }
0x25: {  	s24 =	simm.s32 $0x0;
	s2 =	rddreg [dreg:$0x1];
	s4 =	sor.u32 s0, s3;
	v4 =	vsel vm4, $0xF68, v4;
	v5 =	vsel vm4, $0x2288, v5;
	v6 =	vsel vm4, $0x35A8, v6  }
0x26: {  	s3 =	simm.s32 $0x0;
	s0 =	ssub.s32 $0x2, s0;
	s5 =	smul.u32 $0x190000, s4;
	v7 =	vsel vm4, $0x48C8, v7;
	v0 =	vsel vm3, $0xB28, v0;
	v1 =	vsel vm3, $0x1E48, v1  }
0x27: {  	[smem:$0x7FF] =	sst s3;
	s6 =	smul.u32 $0xC80, s4;
	s7 =	sshll.u32 s4, $0xD;
	v2 =	vsel vm3, $0x3168, v2;
	v3 =	vsel vm3, $0x4488, v3;
	v4 =	vsel vm3, $0xFF0, v4  }
0x28: {  	s28 =	sshrl.u32 s0, $0x1;
	s4 =	smul.u32 $0x64, s4;
	_ =	strace $0x80000047;
	v5 =	vsel vm3, $0x2310, v5;
	v6 =	vsel vm3, $0x3630, v6;
	v7 =	vsel vm3, $0x4950, v7  }
0x29: {  	s0 =	ssub.s32 s0, s28;
	s5 =	sor.u32 s7, s5;
	s26 =	sadd.s32 s6, s1;
	v0 =	vsel vm2, $0xBB0, v0;
	v1 =	vsel vm2, $0x1ED0, v1;
	v2 =	vsel vm2, $0x31F0, v2  }
0x2a: {  	s29 =	sadd.s32 $0x62, s4;
	s10 =	sadd.s32 $0x63, s4;
	s5 =	sand.u32 $0x3FC6000, s5;
	v3 =	vsel vm2, $0x4510, v3;
	v4 =	vsel vm2, $0x1078, v4;
	v5 =	vsel vm2, $0x2398, v5  }
0x2b: {  	s7 =	sadd.s32 $0x600, s26;
	s9 =	sshll.u32 s29, $0xB;
	s11 =	sshll.u32 s10, $0x8;
	v6 =	vsel vm2, $0x36B8, v6;
	v7 =	vsel vm2, $0x49D8, v7;
	v0 =	vsel vm1, $0xC38, v0  }
0x2c: {  	s10 =	sshll.u32 s10, $0xB;
	s8 =	sshrl.u32 s5, $0x3;
	s5 =	sadd.s32 $0xF42A00, s1;
	v1 =	vsel vm1, $0x1F58, v1;
	v2 =	vsel vm1, $0x3278, v2;
	v3 =	vsel vm1, $0x4598, v3  }
0x2d: {  	s1 =	sshll.u32 s29, $0x8;
	s9 =	sand.u32 $0xFF8000, s9;
	s11 =	sand.u32 $0xF00, s11;
	v4 =	vsel vm1, $0x1100, v4;
	v5 =	vsel vm1, $0x2420, v5;
	v6 =	vsel vm1, $0x3740, v6  }
0x2e: {  	s30 =	sand.u32 $0xFF8000, s10;
	s6 =	sadd.s32 s2, s8;
	s1 =	sand.u32 $0xE00, s1;
	v7 =	vsel vm1, $0x4A60, v7;
	v0 =	vsel vm0, $0xCC0, v0;
	v1 =	vsel vm0, $0x1FE0, v1  }
0x2f: {  	s31 =	sadd.s32 s2, s11;
	s11 =	smax.u32 s0, $0x1;
	s1 =	sadd.s32 s2, s1;
	v2 =	vsel vm0, $0x3300, v2;
	v3 =	vsel vm0, $0x4620, v3;
	v4 =	vsel vm0, $0x1188, v4  }
0x30: {  	s8 =	sadd.s32 $0x100, s6;
	s10 =	sadd.s32 s30, s31;
	s9 =	sadd.s32 s9, s1;
	v5 =	vsel vm0, $0x24A8, v5;
	v6 =	vsel vm0, $0x37C8, v6;
	v7 =	vsel vm0, $0x4AE8, v7  }
.LBB2_1:
0x31: {  	[tilespmem:s3], [sflag:$0x5] =	stream.linear.gather [hbm4b:s7+s3], $0x6400, $0x38;
	[tilespmem:$0x17D00] =	vst v63  }
0x32: {  	_ =	swait.ge [sflag:s12], $0x6400  }
0x33: {  	[sflag:s12] =	ssyncset.done $0x0  }
0x34: {  	[sflag:s12] =	ssyncadd.s32 $0xFFFF9C00  }
0x35: {  	[tilespmem:s14], [sflag:$0x1] =	stream.indirect.gather [hbm4b:s5+s13], $0x40, s3, s13, $0xb8;
	[tilespmem:$0x17D00] =	vst v63  }
0x36: {  	_ = 	snop  }
0x37: {  	[tilespmem:s15], [sflag:$0x2] =	stream.indirect.gather [hbm4b:s5+s13], $0x40, s13, s13, $0xb8;
	[tilespmem:$0x17D00] =	vst v63  }
0x38: {  	_ =	swait.ge [sflag:s16], $0x4000  }
0x39: {  	v9 =	vmov s3;
	[sflag:s16] =	ssyncset.done $0x0  }
0x3a: {  	s25 =	simm.s32 $0x6420;
	v15 =	vand.u32 $0x7F, v9;
	[sflag:s16] =	ssyncadd.s32 $0xFFFFC000  }
0x3b: {  	v11 =	vadd.s32 v0, v15;
	v8 =	vld [tilespmem:s25+$0xFFFFFFE0]  }
0x3c: {  	v12 =	vadd.s32 v1, v15;
	v9 =	vld [tilespmem:s25+$0xFFFFFFF0]  }
0x3d: {  	v14 =	vadd.s32 v2, v15;
	v10 =	vld [tilespmem:s25+$0x0]  }
0x3e: {  	s26 =	simm.s32 $0x1;
	v15 =	vadd.s32 v3, v15;
	v13 =	vld [tilespmem:s25+$0x10]  }
.LBB2_2:
0x3f: {  	v16 =	vmov s26;
	p0 =	sne.s32 s26, $0x7F  }
.Ltmp0:
0x40: {  	s25 =	sadd.s32 $0x40, s25;
	v16 =	vand.u32 $0x7F, v16;
	[tilespmem:v11+s17+$0x0] =	vst.idx.msk $0xffff, v8;
	(pc) =	sbr.rel @p0 .LBB2_2-.Ltmp0, $4  }
0x41: {  	v8 =	vld [tilespmem:s25+$0xFFFFFFE0];
	v11 =	vadd.s32 v0, v16;
	[tilespmem:v12+s17+$0x0] =	vst.idx.msk $0xffff, v9  }
0x42: {  	s26 =	sadd.s32 $0x1, s26;
	v12 =	vadd.s32 v1, v16;
	v9 =	vld [tilespmem:s25+$0xFFFFFFF0];
	[tilespmem:v14+s17+$0x0] =	vst.idx.msk $0xffff, v10  }
0x43: {  	v14 =	vadd.s32 v2, v16;
	v10 =	vld [tilespmem:s25+$0x0];
	[tilespmem:v15+s17+$0x0] =	vst.idx.msk $0xffff, v13  }
0x44: {  	v15 =	vadd.s32 v3, v16;
	v13 =	vld [tilespmem:s25+$0x10]  }
0x45: {  	_ =	sdelay $0x3  }
0x46: {  	[tilespmem:v11+s17+$0x0] =	vst.idx.msk $0xffff, v8  }
0x47: {  	s0 =	simm.s32 $0x0;
	[tilespmem:v12+s17+$0x0] =	vst.idx.msk $0xffff, v9  }
0x48: {  	v9 =	vmov s0;
	[tilespmem:v14+s17+$0x0] =	vst.idx.msk $0xffff, v10  }
0x49: {  	s25 =	simm.s32 $0x8430;
	[tilespmem:v15+s17+$0x0] =	vst.idx.msk $0xffff, v13;
	v15 =	vand.u32 $0x7F, v9  }
0x4a: {  	v8 =	vld [tilespmem:s25+$0xFFFFFFD0];
	v11 =	vadd.s32 v4, v15  }
0x4b: {  	v9 =	vld [tilespmem:s25+$0xFFFFFFE0];
	v12 =	vadd.s32 v5, v15  }
0x4c: {  	v10 =	vld [tilespmem:s25+$0xFFFFFFF0];
	v14 =	vadd.s32 v6, v15  }
0x4d: {  	s26 =	simm.s32 $0x1;
	v13 =	vld [tilespmem:s25+$0x0];
	v15 =	vadd.s32 v7, v15  }
.LBB2_4:
0x4e: {  	v16 =	vmov s26;
	p0 =	sne.s32 s26, $0x7F  }
.Ltmp1:
0x4f: {  	s25 =	sadd.s32 $0x40, s25;
	v16 =	vand.u32 $0x7F, v16;
	[tilespmem:v11+s17+$0x0] =	vst.idx.msk $0xffff, v8;
	(pc) =	sbr.rel @p0 .LBB2_4-.Ltmp1, $4  }
0x50: {  	v8 =	vld [tilespmem:s25+$0xFFFFFFD0];
	v11 =	vadd.s32 v4, v16;
	[tilespmem:v12+s17+$0x0] =	vst.idx.msk $0xffff, v9  }
0x51: {  	s26 =	sadd.s32 $0x1, s26;
	v12 =	vadd.s32 v5, v16;
	v9 =	vld [tilespmem:s25+$0xFFFFFFE0];
	[tilespmem:v14+s17+$0x0] =	vst.idx.msk $0xffff, v10  }
0x52: {  	v14 =	vadd.s32 v6, v16;
	v10 =	vld [tilespmem:s25+$0xFFFFFFF0];
	[tilespmem:v15+s17+$0x0] =	vst.idx.msk $0xffff, v13  }
0x53: {  	v15 =	vadd.s32 v7, v16;
	v13 =	vld [tilespmem:s25+$0x0]  }
0x54: {  	_ =	sdelay $0x3  }
0x55: {  	[tilespmem:v11+s17+$0x0] =	vst.idx.msk $0xffff, v8  }
0x56: {  	[tilespmem:v12+s17+$0x0] =	vst.idx.msk $0xffff, v9  }
0x57: {  	[tilespmem:v14+s17+$0x0] =	vst.idx.msk $0xffff, v10  }
0x58: {  	s0 =	simm.s32 $0xE400;
	[tilespmem:v15+s17+$0x0] =	vst.idx.msk $0xffff, v13  }
0x59: {  	[hbm4b:s6+s3] =	stream.linear.scatter [tilespmem:s0], [sflag:$0x3], $0x80, $0x38;
	[tilespmem:$0x17D00] =	vst v63  }
0x5a: {  	s26 =	simm.s32 $0xE488;
	s1 =	sadd.s32 $0x10, s6  }
0x5b: {  	[hbm4b:s1+s3] =	stream.linear.scatter [tilespmem:s26], [sflag:$0x3], $0x80, $0x38;
	[tilespmem:$0x17D00] =	vst v63  }
0x5c: {  	s29 =	simm.s32 $0xE510;
	s31 =	sadd.s32 $0x20, s6  }
0x5d: {  	[hbm4b:s31+s3] =	stream.linear.scatter [tilespmem:s29], [sflag:$0x3], $0x80, $0x38;
	[tilespmem:$0x17D00] =	vst v63  }
0x5e: {  	s25 =	simm.s32 $0xE598;
	s26 =	sadd.s32 $0x30, s6  }
0x5f: {  	[hbm4b:s26+s3] =	stream.linear.scatter [tilespmem:s25], [sflag:$0x3], $0x80, $0x38;
	[tilespmem:$0x17D00] =	vst v63  }
0x60: {  	s29 =	simm.s32 $0xE620;
	s31 =	sadd.s32 $0x40, s6  }
0x61: {  	[hbm4b:s31+s3] =	stream.linear.scatter [tilespmem:s29], [sflag:$0x3], $0x80, $0x38;
	[tilespmem:$0x17D00] =	vst v63  }
0x62: {  	s25 =	simm.s32 $0xE6A8;
	s26 =	sadd.s32 $0x50, s6  }
0x63: {  	[hbm4b:s26+s3] =	stream.linear.scatter [tilespmem:s25], [sflag:$0x3], $0x80, $0x38;
	[tilespmem:$0x17D00] =	vst v63  }
0x64: {  	s29 =	simm.s32 $0xE730;
	s31 =	sadd.s32 $0x60, s6  }
0x65: {  	[hbm4b:s31+s3] =	stream.linear.scatter [tilespmem:s29], [sflag:$0x3], $0x80, $0x38;
	[tilespmem:$0x17D00] =	vst v63  }
0x66: {  	s25 =	simm.s32 $0xE7B8;
	s26 =	sadd.s32 $0x70, s6  }
0x67: {  	[hbm4b:s26+s3] =	stream.linear.scatter [tilespmem:s25], [sflag:$0x3], $0x80, $0x38;
	[tilespmem:$0x17D00] =	vst v63  }
0x68: {  	s29 =	simm.s32 $0xE8C8;
	s31 =	sadd.s32 $0x80, s6  }
0x69: {  	[hbm4b:s31+s3] =	stream.linear.scatter [tilespmem:s29], [sflag:$0x3], $0x80, $0x38;
	[tilespmem:$0x17D00] =	vst v63  }
0x6a: {  	s25 =	simm.s32 $0xE950;
	s26 =	sadd.s32 $0x90, s6  }
0x6b: {  	[hbm4b:s26+s3] =	stream.linear.scatter [tilespmem:s25], [sflag:$0x3], $0x80, $0x38;
	[tilespmem:$0x17D00] =	vst v63  }
0x6c: {  	s30 =	simm.s32 $0x4C80;
	s29 =	simm.s32 $0xE9D8;
	s31 =	sadd.s32 $0xA0, s6  }
0x6d: {  	[hbm4b:s31+s3] =	stream.linear.scatter [tilespmem:s29], [sflag:$0x3], $0x80, $0x38;
	[tilespmem:$0x17D00] =	vst v63  }
0x6e: {  	s28 =	sadd.s32 $0xF0, s6;
	s25 =	simm.s32 $0xEA60;
	s26 =	sadd.s32 $0xB0, s6  }
0x6f: {  	[hbm4b:s26+s3] =	stream.linear.scatter [tilespmem:s25], [sflag:$0x3], $0x80, $0x38;
	[tilespmem:$0x17D00] =	vst v63  }
0x70: {  	s1 =	simm.s32 $0xEC80;
	s29 =	simm.s32 $0xEAE8;
	s31 =	sadd.s32 $0xC0, s6  }
0x71: {  	[hbm4b:s31+s3] =	stream.linear.scatter [tilespmem:s29], [sflag:$0x3], $0x80, $0x38;
	[tilespmem:$0x17D00] =	vst v63  }
0x72: {  	s25 =	simm.s32 $0xEB70;
	s26 =	sadd.s32 $0xD0, s6;
	s29 =	simm.s32 $0xEBF8  }
0x73: {  	[hbm4b:s26+s3] =	stream.linear.scatter [tilespmem:s25], [sflag:$0x3], $0x80, $0x38;
	[tilespmem:$0x17D00] =	vst v63  }
0x74: {  	s31 =	sadd.s32 $0xE0, s6;
	s25 =	simm.s32 $0x990;
	s26 =	sadd.s32 $0x1000, s6  }
0x75: {  	[hbm4b:s31+s3] =	stream.linear.scatter [tilespmem:s29], [sflag:$0x3], $0x80, $0x38;
	[tilespmem:$0x17D00] =	vst v63  }
.LBB2_6:
0x76: {  	[hbm4b:s28+s3] =	stream.linear.scatter [tilespmem:s1], [sflag:$0x3], $0x80, $0x38;
	[tilespmem:$0x17D00] =	vst v63  }
0x77: {  	s28 =	smov.u32 s25;
	s0 =	smov.u32 s30  }
0x78: {  	s29 =	sadd.s32 $0x2640, s30;
	s25 =	sshra.s32 s0, $0x2;
	s0 =	sadd.s32 $0xE400, s28  }
0x79: {  	[hbm4b:s26+s3] =	stream.linear.scatter [tilespmem:s0], [sflag:$0x3], $0x80, $0x38;
	[tilespmem:$0x17D00] =	vst v63  }
0x7a: {  	p0 =	sne.s32 s30, $0x10BC0;
	s1 =	sadd.s32 $0x10, s26;
	s0 =	sadd.s32 $0xE488, s28  }
0x7b: {  	[hbm4b:s1+s3] =	stream.linear.scatter [tilespmem:s0], [sflag:$0x3], $0x80, $0x38;
	[tilespmem:$0x17D00] =	vst v63  }
0x7c: {  	s0 =	sadd.s32 $0xE510, s28;
	s1 =	sadd.s32 $0x20, s26  }
0x7d: {  	[hbm4b:s1+s3] =	stream.linear.scatter [tilespmem:s0], [sflag:$0x3], $0x80, $0x38;
	[tilespmem:$0x17D00] =	vst v63  }
0x7e: {  	s0 =	sadd.s32 $0xE598, s28;
	s1 =	sadd.s32 $0x30, s26  }
0x7f: {  	[hbm4b:s1+s3] =	stream.linear.scatter [tilespmem:s0], [sflag:$0x3], $0x80, $0x38;
	[tilespmem:$0x17D00] =	vst v63  }
0x80: {  	s0 =	sadd.s32 $0xE620, s28;
	s1 =	sadd.s32 $0x40, s26  }
0x81: {  	[hbm4b:s1+s3] =	stream.linear.scatter [tilespmem:s0], [sflag:$0x3], $0x80, $0x38;
	[tilespmem:$0x17D00] =	vst v63  }
0x82: {  	s0 =	sadd.s32 $0xE6A8, s28;
	s1 =	sadd.s32 $0x50, s26  }
0x83: {  	[hbm4b:s1+s3] =	stream.linear.scatter [tilespmem:s0], [sflag:$0x3], $0x80, $0x38;
	[tilespmem:$0x17D00] =	vst v63  }
0x84: {  	s0 =	sadd.s32 $0xE730, s28;
	s1 =	sadd.s32 $0x60, s26  }
0x85: {  	[hbm4b:s1+s3] =	stream.linear.scatter [tilespmem:s0], [sflag:$0x3], $0x80, $0x38;
	[tilespmem:$0x17D00] =	vst v63  }
0x86: {  	s0 =	sadd.s32 $0xE7B8, s28;
	s1 =	sadd.s32 $0x70, s26  }
0x87: {  	[hbm4b:s1+s3] =	stream.linear.scatter [tilespmem:s0], [sflag:$0x3], $0x80, $0x38;
	[tilespmem:$0x17D00] =	vst v63  }
0x88: {  	s0 =	sadd.s32 $0xE8C8, s28;
	s1 =	sadd.s32 $0x80, s26  }
0x89: {  	[hbm4b:s1+s3] =	stream.linear.scatter [tilespmem:s0], [sflag:$0x3], $0x80, $0x38;
	[tilespmem:$0x17D00] =	vst v63  }
0x8a: {  	s0 =	sadd.s32 $0xE950, s28;
	s1 =	sadd.s32 $0x90, s26  }
0x8b: {  	[hbm4b:s1+s3] =	stream.linear.scatter [tilespmem:s0], [sflag:$0x3], $0x80, $0x38;
	[tilespmem:$0x17D00] =	vst v63  }
0x8c: {  	s0 =	sadd.s32 $0xE9D8, s28;
	s1 =	sadd.s32 $0xA0, s26  }
0x8d: {  	[hbm4b:s1+s3] =	stream.linear.scatter [tilespmem:s0], [sflag:$0x3], $0x80, $0x38;
	[tilespmem:$0x17D00] =	vst v63  }
0x8e: {  	s0 =	sadd.s32 $0xEA60, s28;
	s1 =	sadd.s32 $0xB0, s26  }
0x8f: {  	[hbm4b:s1+s3] =	stream.linear.scatter [tilespmem:s0], [sflag:$0x3], $0x80, $0x38;
	[tilespmem:$0x17D00] =	vst v63  }
0x90: {  	s0 =	sadd.s32 $0xEAE8, s28;
	s1 =	sadd.s32 $0xC0, s26  }
0x91: {  	[hbm4b:s1+s3] =	stream.linear.scatter [tilespmem:s0], [sflag:$0x3], $0x80, $0x38;
	[tilespmem:$0x17D00] =	vst v63  }
.Ltmp2:
0x92: {  	s0 =	sadd.s32 $0xEB70, s28;
	s1 =	sadd.s32 $0xD0, s26;
	(pc) =	sbr.rel @p0 .LBB2_6-.Ltmp2, $4  }
0x93: {  	[hbm4b:s1+s3] =	stream.linear.scatter [tilespmem:s0], [sflag:$0x3], $0x80, $0x38;
	[tilespmem:$0x17D00] =	vst v63  }
0x94: {  	s30 =	smov.u32 s29;
	s0 =	sadd.s32 $0xEBF8, s28;
	s1 =	sadd.s32 $0xE0, s26  }
0x95: {  	[hbm4b:s1+s3] =	stream.linear.scatter [tilespmem:s0], [sflag:$0x3], $0x80, $0x38;
	[tilespmem:$0x17D00] =	vst v63  }
0x96: {  	s1 =	sadd.s32 $0xEC80, s28;
	s28 =	sadd.s32 $0xF0, s26;
	s26 =	sadd.s32 $0x1000, s26  }
0x97: {  	[hbm4b:s28+s3] =	stream.linear.scatter [tilespmem:s1], [sflag:$0x3], $0x80, $0x38;
	[tilespmem:$0x17D00] =	vst v63  }
0x98: {  	s0 =	sadd.s32 $0xE400, s25  }
0x99: {  	[hbm4b:s26+s3] =	stream.linear.scatter [tilespmem:s0], [sflag:$0x3], $0x80, $0x38;
	[tilespmem:$0x17D00] =	vst v63  }
0x9a: {  	s30 =	sadd.s32 $0xE488, s25;
	s31 =	sadd.s32 $0x10, s26  }
0x9b: {  	[hbm4b:s31+s3] =	stream.linear.scatter [tilespmem:s30], [sflag:$0x3], $0x80, $0x38;
	[tilespmem:$0x17D00] =	vst v63  }
0x9c: {  	s28 =	sadd.s32 $0xE510, s25;
	s29 =	sadd.s32 $0x20, s26  }
0x9d: {  	[hbm4b:s29+s3] =	stream.linear.scatter [tilespmem:s28], [sflag:$0x3], $0x80, $0x38;
	[tilespmem:$0x17D00] =	vst v63  }
0x9e: {  	s30 =	sadd.s32 $0xE598, s25;
	s31 =	sadd.s32 $0x30, s26  }
0x9f: {  	[hbm4b:s31+s3] =	stream.linear.scatter [tilespmem:s30], [sflag:$0x3], $0x80, $0x38;
	[tilespmem:$0x17D00] =	vst v63  }
0xa0: {  	s28 =	sadd.s32 $0xE620, s25;
	s29 =	sadd.s32 $0x40, s26  }
0xa1: {  	[hbm4b:s29+s3] =	stream.linear.scatter [tilespmem:s28], [sflag:$0x3], $0x80, $0x38;
	[tilespmem:$0x17D00] =	vst v63  }
0xa2: {  	s30 =	sadd.s32 $0xE6A8, s25;
	s31 =	sadd.s32 $0x50, s26  }
0xa3: {  	[hbm4b:s31+s3] =	stream.linear.scatter [tilespmem:s30], [sflag:$0x3], $0x80, $0x38;
	[tilespmem:$0x17D00] =	vst v63  }
0xa4: {  	s28 =	sadd.s32 $0xE730, s25;
	s29 =	sadd.s32 $0x60, s26  }
0xa5: {  	[hbm4b:s29+s3] =	stream.linear.scatter [tilespmem:s28], [sflag:$0x3], $0x80, $0x38;
	[tilespmem:$0x17D00] =	vst v63  }
0xa6: {  	s30 =	sadd.s32 $0xE7B8, s25;
	s31 =	sadd.s32 $0x70, s26  }
0xa7: {  	[hbm4b:s31+s3] =	stream.linear.scatter [tilespmem:s30], [sflag:$0x3], $0x80, $0x38;
	[tilespmem:$0x17D00] =	vst v63  }
0xa8: {  	s28 =	sadd.s32 $0xE8C8, s25;
	s29 =	sadd.s32 $0x80, s26  }
0xa9: {  	[hbm4b:s29+s3] =	stream.linear.scatter [tilespmem:s28], [sflag:$0x3], $0x80, $0x38;
	[tilespmem:$0x17D00] =	vst v63  }
0xaa: {  	s30 =	sadd.s32 $0xE950, s25;
	s31 =	sadd.s32 $0x90, s26  }
0xab: {  	[hbm4b:s31+s3] =	stream.linear.scatter [tilespmem:s30], [sflag:$0x3], $0x80, $0x38;
	[tilespmem:$0x17D00] =	vst v63  }
0xac: {  	s28 =	sadd.s32 $0xE9D8, s25;
	s29 =	sadd.s32 $0xA0, s26  }
0xad: {  	[hbm4b:s29+s3] =	stream.linear.scatter [tilespmem:s28], [sflag:$0x3], $0x80, $0x38;
	[tilespmem:$0x17D00] =	vst v63  }
0xae: {  	s30 =	sadd.s32 $0xEA60, s25;
	s31 =	sadd.s32 $0xB0, s26  }
0xaf: {  	[hbm4b:s31+s3] =	stream.linear.scatter [tilespmem:s30], [sflag:$0x3], $0x80, $0x38;
	[tilespmem:$0x17D00] =	vst v63  }
0xb0: {  	s28 =	sadd.s32 $0xEAE8, s25;
	s29 =	sadd.s32 $0xC0, s26  }
0xb1: {  	[hbm4b:s29+s3] =	stream.linear.scatter [tilespmem:s28], [sflag:$0x3], $0x80, $0x38;
	[tilespmem:$0x17D00] =	vst v63  }
0xb2: {  	s30 =	sadd.s32 $0xEB70, s25;
	s31 =	sadd.s32 $0xD0, s26  }
0xb3: {  	[hbm4b:s31+s3] =	stream.linear.scatter [tilespmem:s30], [sflag:$0x3], $0x80, $0x38;
	[tilespmem:$0x17D00] =	vst v63  }
0xb4: {  	s1 =	sadd.s32 $0xEBF8, s25;
	s28 =	sadd.s32 $0xE0, s26  }
0xb5: {  	[hbm4b:s28+s3] =	stream.linear.scatter [tilespmem:s1], [sflag:$0x3], $0x80, $0x38;
	[tilespmem:$0x17D00] =	vst v63  }
0xb6: {  	s29 =	sadd.s32 $0xEC80, s25;
	s30 =	sadd.s32 $0xF0, s26  }
0xb7: {  	[hbm4b:s30+s3] =	stream.linear.scatter [tilespmem:s29], [sflag:$0x3], $0x80, $0x38;
	[tilespmem:$0x17D00] =	vst v63  }
0xb8: {  	_ = 	snop  }
0xb9: {  	[tilespmem:s14], [sflag:$0x1] =	stream.indirect.gather [hbm4b:s5+s13], $0x40, s18, s13, $0xb8;
	[tilespmem:$0x17D00] =	vst v63  }
0xba: {  	s31 =	simm.s32 $0x0;
	_ =	swait.ge [sflag:s19], $0x4000  }
0xbb: {  	v8 =	vmov s31;
	[sflag:s19] =	ssyncset.done $0x0  }
0xbc: {  	s25 =	simm.s32 $0xA420;
	v8 =	vand.u32 $0x7F, v8;
	[sflag:s19] =	ssyncadd.s32 $0xFFFFC000  }
0xbd: {  	v12 =	vadd.s32 v0, v8;
	v9 =	vld [tilespmem:s25+$0xFFFFFFE0]  }
0xbe: {  	v13 =	vadd.s32 v1, v8;
	v10 =	vld [tilespmem:s25+$0xFFFFFFF0]  }
0xbf: {  	v15 =	vadd.s32 v2, v8;
	v11 =	vld [tilespmem:s25+$0x0]  }
0xc0: {  	s26 =	simm.s32 $0x1;
	v16 =	vadd.s32 v3, v8;
	v14 =	vld [tilespmem:s25+$0x10]  }
.LBB2_8:
0xc1: {  	v17 =	vmov s26;
	p0 =	sne.s32 s26, $0x7F  }
.Ltmp3:
0xc2: {  	s25 =	sadd.s32 $0x40, s25;
	v17 =	vand.u32 $0x7F, v17;
	[tilespmem:v12+s20+$0x0] =	vst.idx.msk $0xffff, v9;
	(pc) =	sbr.rel @p0 .LBB2_8-.Ltmp3, $4  }
0xc3: {  	v9 =	vld [tilespmem:s25+$0xFFFFFFE0];
	v12 =	vadd.s32 v0, v17;
	[tilespmem:v13+s20+$0x0] =	vst.idx.msk $0xffff, v10  }
0xc4: {  	s26 =	sadd.s32 $0x1, s26;
	v13 =	vadd.s32 v1, v17;
	v10 =	vld [tilespmem:s25+$0xFFFFFFF0];
	[tilespmem:v15+s20+$0x0] =	vst.idx.msk $0xffff, v11  }
0xc5: {  	v15 =	vadd.s32 v2, v17;
	v11 =	vld [tilespmem:s25+$0x0];
	[tilespmem:v16+s20+$0x0] =	vst.idx.msk $0xffff, v14  }
0xc6: {  	v16 =	vadd.s32 v3, v17;
	v14 =	vld [tilespmem:s25+$0x10]  }
0xc7: {  	_ =	sdelay $0x3  }
0xc8: {  	[tilespmem:v12+s20+$0x0] =	vst.idx.msk $0xffff, v9  }
0xc9: {  	[tilespmem:v13+s20+$0x0] =	vst.idx.msk $0xffff, v10  }
0xca: {  	[tilespmem:v15+s20+$0x0] =	vst.idx.msk $0xffff, v11  }
0xcb: {  	s25 =	simm.s32 $0xC430;
	[tilespmem:v16+s20+$0x0] =	vst.idx.msk $0xffff, v14  }
0xcc: {  	v12 =	vadd.s32 v4, v8;
	v10 =	vld [tilespmem:s25+$0xFFFFFFD0]  }
0xcd: {  	v13 =	vadd.s32 v5, v8;
	v9 =	vld [tilespmem:s25+$0xFFFFFFE0]  }
0xce: {  	v15 =	vadd.s32 v6, v8;
	v11 =	vld [tilespmem:s25+$0xFFFFFFF0]  }
0xcf: {  	s26 =	simm.s32 $0x1;
	v8 =	vadd.s32 v7, v8;
	v14 =	vld [tilespmem:s25+$0x0]  }
.LBB2_10:
0xd0: {  	v16 =	vmov s26;
	p0 =	sne.s32 s26, $0x7F  }
.Ltmp4:
0xd1: {  	s25 =	sadd.s32 $0x40, s25;
	v16 =	vand.u32 $0x7F, v16;
	[tilespmem:v12+s20+$0x0] =	vst.idx.msk $0xffff, v10;
	(pc) =	sbr.rel @p0 .LBB2_10-.Ltmp4, $4  }
0xd2: {  	v10 =	vld [tilespmem:s25+$0xFFFFFFD0];
	v12 =	vadd.s32 v4, v16;
	[tilespmem:v13+s20+$0x0] =	vst.idx.msk $0xffff, v9  }
0xd3: {  	s26 =	sadd.s32 $0x1, s26;
	v13 =	vadd.s32 v5, v16;
	v9 =	vld [tilespmem:s25+$0xFFFFFFE0];
	[tilespmem:v15+s20+$0x0] =	vst.idx.msk $0xffff, v11  }
0xd4: {  	v15 =	vadd.s32 v6, v16;
	v11 =	vld [tilespmem:s25+$0xFFFFFFF0];
	[tilespmem:v8+s20+$0x0] =	vst.idx.msk $0xffff, v14  }
0xd5: {  	v8 =	vadd.s32 v7, v16;
	v14 =	vld [tilespmem:s25+$0x0]  }
0xd6: {  	_ =	sdelay $0x3  }
0xd7: {  	[tilespmem:v12+s20+$0x0] =	vst.idx.msk $0xffff, v10  }
0xd8: {  	[tilespmem:v13+s20+$0x0] =	vst.idx.msk $0xffff, v9  }
0xd9: {  	[tilespmem:v15+s20+$0x0] =	vst.idx.msk $0xffff, v11  }
0xda: {  	s0 =	simm.s32 $0x13080;
	[tilespmem:v8+s20+$0x0] =	vst.idx.msk $0xffff, v14  }
0xdb: {  	[hbm4b:s8+s3] =	stream.linear.scatter [tilespmem:s0], [sflag:$0x4], $0x80, $0x38;
	[tilespmem:$0x17D00] =	vst v63  }
0xdc: {  	s26 =	simm.s32 $0x13108;
	s1 =	sadd.s32 $0x10, s8  }
0xdd: {  	[hbm4b:s1+s3] =	stream.linear.scatter [tilespmem:s26], [sflag:$0x4], $0x80, $0x38;
	[tilespmem:$0x17D00] =	vst v63  }
0xde: {  	s29 =	simm.s32 $0x13190;
	s31 =	sadd.s32 $0x20, s8  }
0xdf: {  	[hbm4b:s31+s3] =	stream.linear.scatter [tilespmem:s29], [sflag:$0x4], $0x80, $0x38;
	[tilespmem:$0x17D00] =	vst v63  }
0xe0: {  	s25 =	simm.s32 $0x13218;
	s26 =	sadd.s32 $0x30, s8  }
0xe1: {  	[hbm4b:s26+s3] =	stream.linear.scatter [tilespmem:s25], [sflag:$0x4], $0x80, $0x38;
	[tilespmem:$0x17D00] =	vst v63  }
0xe2: {  	s29 =	simm.s32 $0x132A0;
	s31 =	sadd.s32 $0x40, s8  }
0xe3: {  	[hbm4b:s31+s3] =	stream.linear.scatter [tilespmem:s29], [sflag:$0x4], $0x80, $0x38;
	[tilespmem:$0x17D00] =	vst v63  }
0xe4: {  	s25 =	simm.s32 $0x13328;
	s26 =	sadd.s32 $0x50, s8  }
0xe5: {  	[hbm4b:s26+s3] =	stream.linear.scatter [tilespmem:s25], [sflag:$0x4], $0x80, $0x38;
	[tilespmem:$0x17D00] =	vst v63  }
0xe6: {  	s29 =	simm.s32 $0x133B0;
	s31 =	sadd.s32 $0x60, s8  }
0xe7: {  	[hbm4b:s31+s3] =	stream.linear.scatter [tilespmem:s29], [sflag:$0x4], $0x80, $0x38;
	[tilespmem:$0x17D00] =	vst v63  }
0xe8: {  	s25 =	simm.s32 $0x13438;
	s26 =	sadd.s32 $0x70, s8  }
0xe9: {  	[hbm4b:s26+s3] =	stream.linear.scatter [tilespmem:s25], [sflag:$0x4], $0x80, $0x38;
	[tilespmem:$0x17D00] =	vst v63  }
0xea: {  	s29 =	simm.s32 $0x13548;
	s31 =	sadd.s32 $0x80, s8  }
0xeb: {  	[hbm4b:s31+s3] =	stream.linear.scatter [tilespmem:s29], [sflag:$0x4], $0x80, $0x38;
	[tilespmem:$0x17D00] =	vst v63  }
0xec: {  	s25 =	simm.s32 $0x135D0;
	s26 =	sadd.s32 $0x90, s8  }
0xed: {  	[hbm4b:s26+s3] =	stream.linear.scatter [tilespmem:s25], [sflag:$0x4], $0x80, $0x38;
	[tilespmem:$0x17D00] =	vst v63  }
0xee: {  	s30 =	simm.s32 $0x4C80;
	s29 =	simm.s32 $0x13658;
	s31 =	sadd.s32 $0xA0, s8  }
0xef: {  	[hbm4b:s31+s3] =	stream.linear.scatter [tilespmem:s29], [sflag:$0x4], $0x80, $0x38;
	[tilespmem:$0x17D00] =	vst v63  }
0xf0: {  	s28 =	sadd.s32 $0xF0, s8;
	s25 =	simm.s32 $0x136E0;
	s26 =	sadd.s32 $0xB0, s8  }
0xf1: {  	[hbm4b:s26+s3] =	stream.linear.scatter [tilespmem:s25], [sflag:$0x4], $0x80, $0x38;
	[tilespmem:$0x17D00] =	vst v63  }
0xf2: {  	s1 =	simm.s32 $0x13900;
	s29 =	simm.s32 $0x13768;
	s31 =	sadd.s32 $0xC0, s8  }
0xf3: {  	[hbm4b:s31+s3] =	stream.linear.scatter [tilespmem:s29], [sflag:$0x4], $0x80, $0x38;
	[tilespmem:$0x17D00] =	vst v63  }
0xf4: {  	s25 =	simm.s32 $0x137F0;
	s26 =	sadd.s32 $0xD0, s8;
	s29 =	simm.s32 $0x13878  }
0xf5: {  	[hbm4b:s26+s3] =	stream.linear.scatter [tilespmem:s25], [sflag:$0x4], $0x80, $0x38;
	[tilespmem:$0x17D00] =	vst v63  }
0xf6: {  	s31 =	sadd.s32 $0xE0, s8;
	s25 =	simm.s32 $0x990;
	s26 =	sadd.s32 $0x1000, s8  }
0xf7: {  	[hbm4b:s31+s3] =	stream.linear.scatter [tilespmem:s29], [sflag:$0x4], $0x80, $0x38;
	[tilespmem:$0x17D00] =	vst v63  }
.LBB2_12:
0xf8: {  	[hbm4b:s28+s3] =	stream.linear.scatter [tilespmem:s1], [sflag:$0x4], $0x80, $0x38;
	[tilespmem:$0x17D00] =	vst v63  }
0xf9: {  	s28 =	smov.u32 s25;
	s0 =	smov.u32 s30  }
0xfa: {  	s29 =	sadd.s32 $0x2640, s30;
	s25 =	sshra.s32 s0, $0x2;
	s0 =	sadd.s32 $0x13080, s28  }
0xfb: {  	[hbm4b:s26+s3] =	stream.linear.scatter [tilespmem:s0], [sflag:$0x4], $0x80, $0x38;
	[tilespmem:$0x17D00] =	vst v63  }
0xfc: {  	p0 =	sne.s32 s30, $0x10BC0;
	s1 =	sadd.s32 $0x10, s26;
	s0 =	sadd.s32 $0x13108, s28  }
0xfd: {  	[hbm4b:s1+s3] =	stream.linear.scatter [tilespmem:s0], [sflag:$0x4], $0x80, $0x38;
	[tilespmem:$0x17D00] =	vst v63  }
0xfe: {  	s0 =	sadd.s32 $0x13190, s28;
	s1 =	sadd.s32 $0x20, s26  }
0xff: {  	[hbm4b:s1+s3] =	stream.linear.scatter [tilespmem:s0], [sflag:$0x4], $0x80, $0x38;
	[tilespmem:$0x17D00] =	vst v63  }
0x100: {  	s0 =	sadd.s32 $0x13218, s28;
	s1 =	sadd.s32 $0x30, s26  }
0x101: {  	[hbm4b:s1+s3] =	stream.linear.scatter [tilespmem:s0], [sflag:$0x4], $0x80, $0x38;
	[tilespmem:$0x17D00] =	vst v63  }
0x102: {  	s0 =	sadd.s32 $0x132A0, s28;
	s1 =	sadd.s32 $0x40, s26  }
0x103: {  	[hbm4b:s1+s3] =	stream.linear.scatter [tilespmem:s0], [sflag:$0x4], $0x80, $0x38;
	[tilespmem:$0x17D00] =	vst v63  }
0x104: {  	s0 =	sadd.s32 $0x13328, s28;
	s1 =	sadd.s32 $0x50, s26  }
0x105: {  	[hbm4b:s1+s3] =	stream.linear.scatter [tilespmem:s0], [sflag:$0x4], $0x80, $0x38;
	[tilespmem:$0x17D00] =	vst v63  }
0x106: {  	s0 =	sadd.s32 $0x133B0, s28;
	s1 =	sadd.s32 $0x60, s26  }
0x107: {  	[hbm4b:s1+s3] =	stream.linear.scatter [tilespmem:s0], [sflag:$0x4], $0x80, $0x38;
	[tilespmem:$0x17D00] =	vst v63  }
0x108: {  	s0 =	sadd.s32 $0x13438, s28;
	s1 =	sadd.s32 $0x70, s26  }
0x109: {  	[hbm4b:s1+s3] =	stream.linear.scatter [tilespmem:s0], [sflag:$0x4], $0x80, $0x38;
	[tilespmem:$0x17D00] =	vst v63  }
0x10a: {  	s0 =	sadd.s32 $0x13548, s28;
	s1 =	sadd.s32 $0x80, s26  }
0x10b: {  	[hbm4b:s1+s3] =	stream.linear.scatter [tilespmem:s0], [sflag:$0x4], $0x80, $0x38;
	[tilespmem:$0x17D00] =	vst v63  }
0x10c: {  	s0 =	sadd.s32 $0x135D0, s28;
	s1 =	sadd.s32 $0x90, s26  }
0x10d: {  	[hbm4b:s1+s3] =	stream.linear.scatter [tilespmem:s0], [sflag:$0x4], $0x80, $0x38;
	[tilespmem:$0x17D00] =	vst v63  }
0x10e: {  	s0 =	sadd.s32 $0x13658, s28;
	s1 =	sadd.s32 $0xA0, s26  }
0x10f: {  	[hbm4b:s1+s3] =	stream.linear.scatter [tilespmem:s0], [sflag:$0x4], $0x80, $0x38;
	[tilespmem:$0x17D00] =	vst v63  }
0x110: {  	s0 =	sadd.s32 $0x136E0, s28;
	s1 =	sadd.s32 $0xB0, s26  }
0x111: {  	[hbm4b:s1+s3] =	stream.linear.scatter [tilespmem:s0], [sflag:$0x4], $0x80, $0x38;
	[tilespmem:$0x17D00] =	vst v63  }
0x112: {  	s0 =	sadd.s32 $0x13768, s28;
	s1 =	sadd.s32 $0xC0, s26  }
0x113: {  	[hbm4b:s1+s3] =	stream.linear.scatter [tilespmem:s0], [sflag:$0x4], $0x80, $0x38;
	[tilespmem:$0x17D00] =	vst v63  }
.Ltmp5:
0x114: {  	s0 =	sadd.s32 $0x137F0, s28;
	s1 =	sadd.s32 $0xD0, s26;
	(pc) =	sbr.rel @p0 .LBB2_12-.Ltmp5, $4  }
0x115: {  	[hbm4b:s1+s3] =	stream.linear.scatter [tilespmem:s0], [sflag:$0x4], $0x80, $0x38;
	[tilespmem:$0x17D00] =	vst v63  }
0x116: {  	s30 =	smov.u32 s29;
	s0 =	sadd.s32 $0x13878, s28;
	s1 =	sadd.s32 $0xE0, s26  }
0x117: {  	[hbm4b:s1+s3] =	stream.linear.scatter [tilespmem:s0], [sflag:$0x4], $0x80, $0x38;
	[tilespmem:$0x17D00] =	vst v63  }
0x118: {  	s1 =	sadd.s32 $0x13900, s28;
	s28 =	sadd.s32 $0xF0, s26;
	s26 =	sadd.s32 $0x1000, s26  }
0x119: {  	[hbm4b:s28+s3] =	stream.linear.scatter [tilespmem:s1], [sflag:$0x4], $0x80, $0x38;
	[tilespmem:$0x17D00] =	vst v63  }
0x11a: {  	s0 =	sadd.s32 $0x13080, s25  }
0x11b: {  	[hbm4b:s26+s3] =	stream.linear.scatter [tilespmem:s0], [sflag:$0x4], $0x80, $0x38;
	[tilespmem:$0x17D00] =	vst v63  }
0x11c: {  	s30 =	sadd.s32 $0x13108, s25;
	s31 =	sadd.s32 $0x10, s26  }
0x11d: {  	[hbm4b:s31+s3] =	stream.linear.scatter [tilespmem:s30], [sflag:$0x4], $0x80, $0x38;
	[tilespmem:$0x17D00] =	vst v63  }
0x11e: {  	s28 =	sadd.s32 $0x13190, s25;
	s29 =	sadd.s32 $0x20, s26  }
0x11f: {  	[hbm4b:s29+s3] =	stream.linear.scatter [tilespmem:s28], [sflag:$0x4], $0x80, $0x38;
	[tilespmem:$0x17D00] =	vst v63  }
0x120: {  	s30 =	sadd.s32 $0x13218, s25;
	s31 =	sadd.s32 $0x30, s26  }
0x121: {  	[hbm4b:s31+s3] =	stream.linear.scatter [tilespmem:s30], [sflag:$0x4], $0x80, $0x38;
	[tilespmem:$0x17D00] =	vst v63  }
0x122: {  	s28 =	sadd.s32 $0x132A0, s25;
	s29 =	sadd.s32 $0x40, s26  }
0x123: {  	[hbm4b:s29+s3] =	stream.linear.scatter [tilespmem:s28], [sflag:$0x4], $0x80, $0x38;
	[tilespmem:$0x17D00] =	vst v63  }
0x124: {  	s30 =	sadd.s32 $0x13328, s25;
	s31 =	sadd.s32 $0x50, s26  }
0x125: {  	[hbm4b:s31+s3] =	stream.linear.scatter [tilespmem:s30], [sflag:$0x4], $0x80, $0x38;
	[tilespmem:$0x17D00] =	vst v63  }
0x126: {  	s28 =	sadd.s32 $0x133B0, s25;
	s29 =	sadd.s32 $0x60, s26  }
0x127: {  	[hbm4b:s29+s3] =	stream.linear.scatter [tilespmem:s28], [sflag:$0x4], $0x80, $0x38;
	[tilespmem:$0x17D00] =	vst v63  }
0x128: {  	s30 =	sadd.s32 $0x13438, s25;
	s31 =	sadd.s32 $0x70, s26  }
0x129: {  	[hbm4b:s31+s3] =	stream.linear.scatter [tilespmem:s30], [sflag:$0x4], $0x80, $0x38;
	[tilespmem:$0x17D00] =	vst v63  }
0x12a: {  	s28 =	sadd.s32 $0x13548, s25;
	s29 =	sadd.s32 $0x80, s26  }
0x12b: {  	[hbm4b:s29+s3] =	stream.linear.scatter [tilespmem:s28], [sflag:$0x4], $0x80, $0x38;
	[tilespmem:$0x17D00] =	vst v63  }
0x12c: {  	s30 =	sadd.s32 $0x135D0, s25;
	s31 =	sadd.s32 $0x90, s26  }
0x12d: {  	[hbm4b:s31+s3] =	stream.linear.scatter [tilespmem:s30], [sflag:$0x4], $0x80, $0x38;
	[tilespmem:$0x17D00] =	vst v63  }
0x12e: {  	s28 =	sadd.s32 $0x13658, s25;
	s29 =	sadd.s32 $0xA0, s26  }
0x12f: {  	[hbm4b:s29+s3] =	stream.linear.scatter [tilespmem:s28], [sflag:$0x4], $0x80, $0x38;
	[tilespmem:$0x17D00] =	vst v63  }
0x130: {  	s30 =	sadd.s32 $0x136E0, s25;
	s31 =	sadd.s32 $0xB0, s26  }
0x131: {  	[hbm4b:s31+s3] =	stream.linear.scatter [tilespmem:s30], [sflag:$0x4], $0x80, $0x38;
	[tilespmem:$0x17D00] =	vst v63  }
0x132: {  	s28 =	sadd.s32 $0x13768, s25;
	s29 =	sadd.s32 $0xC0, s26  }
0x133: {  	[hbm4b:s29+s3] =	stream.linear.scatter [tilespmem:s28], [sflag:$0x4], $0x80, $0x38;
	[tilespmem:$0x17D00] =	vst v63  }
0x134: {  	s30 =	sadd.s32 $0x137F0, s25;
	s31 =	sadd.s32 $0xD0, s26  }
0x135: {  	[hbm4b:s31+s3] =	stream.linear.scatter [tilespmem:s30], [sflag:$0x4], $0x80, $0x38;
	[tilespmem:$0x17D00] =	vst v63  }
0x136: {  	s28 =	sadd.s32 $0x13878, s25;
	s29 =	sadd.s32 $0xE0, s26  }
0x137: {  	[hbm4b:s29+s3] =	stream.linear.scatter [tilespmem:s28], [sflag:$0x4], $0x80, $0x38;
	[tilespmem:$0x17D00] =	vst v63  }
0x138: {  	s30 =	sadd.s32 $0x13900, s25;
	s31 =	sadd.s32 $0xF0, s26  }
0x139: {  	[hbm4b:s31+s3] =	stream.linear.scatter [tilespmem:s30], [sflag:$0x4], $0x80, $0x38;
	[tilespmem:$0x17D00] =	vst v63  }
0x13a: {  	s25 =	simm.s32 $0x1  }
0x13b: {  	[tilespmem:s15], [sflag:$0x2] =	stream.indirect.gather [hbm4b:s5+s13], $0x40, s21, s13, $0xb8;
	[tilespmem:$0x17D00] =	vst v63  }
.LBB2_14:
0x13c: {  	_ =	swait.ge [sflag:s16], $0x4000  }
0x13d: {  	[sflag:s16] =	ssyncset.done $0x0  }
0x13e: {  	[sflag:s16] =	ssyncadd.s32 $0xFFFFC000  }
0x13f: {  	s0 =	simm.s32 $0x0;
	_ =	swait.ge [sflag:s22], $0x4000  }
0x140: {  	v8 =	vmov s0;
	[sflag:s22] =	ssyncset.done $0x0  }
0x141: {  	s26 =	simm.s32 $0x6420;
	v8 =	vand.u32 $0x7F, v8;
	[sflag:s22] =	ssyncadd.s32 $0xFFFFC000  }
0x142: {  	v12 =	vadd.s32 v0, v8;
	v9 =	vld [tilespmem:s26+$0xFFFFFFE0]  }
0x143: {  	v13 =	vadd.s32 v1, v8;
	v10 =	vld [tilespmem:s26+$0xFFFFFFF0]  }
0x144: {  	v15 =	vadd.s32 v2, v8;
	v11 =	vld [tilespmem:s26+$0x0]  }
0x145: {  	s28 =	simm.s32 $0x1;
	v16 =	vadd.s32 v3, v8;
	v14 =	vld [tilespmem:s26+$0x10]  }
.LBB2_15:
0x146: {  	v17 =	vmov s28;
	p0 =	sne.s32 s28, $0x7F  }
.Ltmp6:
0x147: {  	s26 =	sadd.s32 $0x40, s26;
	v17 =	vand.u32 $0x7F, v17;
	[tilespmem:v12+s17+$0x0] =	vst.idx.msk $0xffff, v9;
	(pc) =	sbr.rel @p0 .LBB2_15-.Ltmp6, $4  }
0x148: {  	v9 =	vld [tilespmem:s26+$0xFFFFFFE0];
	v12 =	vadd.s32 v0, v17;
	[tilespmem:v13+s17+$0x0] =	vst.idx.msk $0xffff, v10  }
0x149: {  	s28 =	sadd.s32 $0x1, s28;
	v13 =	vadd.s32 v1, v17;
	v10 =	vld [tilespmem:s26+$0xFFFFFFF0];
	[tilespmem:v15+s17+$0x0] =	vst.idx.msk $0xffff, v11  }
0x14a: {  	v15 =	vadd.s32 v2, v17;
	v11 =	vld [tilespmem:s26+$0x0];
	[tilespmem:v16+s17+$0x0] =	vst.idx.msk $0xffff, v14  }
0x14b: {  	v16 =	vadd.s32 v3, v17;
	v14 =	vld [tilespmem:s26+$0x10]  }
0x14c: {  	_ =	sdelay $0x3  }
0x14d: {  	[tilespmem:v12+s17+$0x0] =	vst.idx.msk $0xffff, v9  }
0x14e: {  	[tilespmem:v13+s17+$0x0] =	vst.idx.msk $0xffff, v10  }
0x14f: {  	[tilespmem:v15+s17+$0x0] =	vst.idx.msk $0xffff, v11  }
0x150: {  	s26 =	simm.s32 $0x8430;
	[tilespmem:v16+s17+$0x0] =	vst.idx.msk $0xffff, v14  }
0x151: {  	v15 =	vadd.s32 v4, v8;
	v12 =	vld [tilespmem:s26+$0xFFFFFFD0]  }
0x152: {  	v14 =	vadd.s32 v5, v8;
	v10 =	vld [tilespmem:s26+$0xFFFFFFE0]  }
0x153: {  	v13 =	vadd.s32 v6, v8;
	v9 =	vld [tilespmem:s26+$0xFFFFFFF0]  }
0x154: {  	s28 =	simm.s32 $0x1;
	v8 =	vadd.s32 v7, v8;
	v11 =	vld [tilespmem:s26+$0x0]  }
.LBB2_17:
0x155: {  	v16 =	vmov s28;
	p0 =	sne.s32 s28, $0x7F  }
.Ltmp7:
0x156: {  	s26 =	sadd.s32 $0x40, s26;
	v16 =	vand.u32 $0x7F, v16;
	[tilespmem:v15+s17+$0x0] =	vst.idx.msk $0xffff, v12;
	(pc) =	sbr.rel @p0 .LBB2_17-.Ltmp7, $4  }
0x157: {  	v12 =	vld [tilespmem:s26+$0xFFFFFFD0];
	v15 =	vadd.s32 v4, v16;
	[tilespmem:v14+s17+$0x0] =	vst.idx.msk $0xffff, v10  }
0x158: {  	s28 =	sadd.s32 $0x1, s28;
	v14 =	vadd.s32 v5, v16;
	v10 =	vld [tilespmem:s26+$0xFFFFFFE0];
	[tilespmem:v13+s17+$0x0] =	vst.idx.msk $0xffff, v9  }
0x159: {  	v13 =	vadd.s32 v6, v16;
	v9 =	vld [tilespmem:s26+$0xFFFFFFF0];
	[tilespmem:v8+s17+$0x0] =	vst.idx.msk $0xffff, v11  }
0x15a: {  	v8 =	vadd.s32 v7, v16;
	v11 =	vld [tilespmem:s26+$0x0]  }
0x15b: {  	_ =	sdelay $0x1  }
0x15c: {  	s26 =	sshll.u32 s25, $0x1  }
0x15d: {  	s0 =	sadd.s32 s4, s26  }
0x15e: {  	[tilespmem:v15+s17+$0x0] =	vst.idx.msk $0xffff, v12;
	s1 =	sshll.u32 s0, $0x8  }
0x15f: {  	[tilespmem:v14+s17+$0x0] =	vst.idx.msk $0xffff, v10;
	s0 =	sshll.u32 s0, $0xB;
	s1 =	sand.u32 $0xE00, s1  }
0x160: {  	[tilespmem:v13+s17+$0x0] =	vst.idx.msk $0xffff, v9;
	s0 =	sand.u32 $0xFFF8000, s0;
	s1 =	sadd.s32 s2, s1  }
0x161: {  	[tilespmem:v8+s17+$0x0] =	vst.idx.msk $0xffff, v11;
	s1 =	sadd.s32 s0, s1;
	s0 =	simm.s32 $0xE400  }
0x162: {  	[hbm4b:s1+s3] =	stream.linear.scatter [tilespmem:s0], [sflag:$0x3], $0x80, $0x38;
	[tilespmem:$0x17D00] =	vst v63  }
0x163: {  	s0 =	simm.s32 $0xE488;
	s28 =	sadd.s32 $0x10, s1  }
0x164: {  	[hbm4b:s28+s3] =	stream.linear.scatter [tilespmem:s0], [sflag:$0x3], $0x80, $0x38;
	[tilespmem:$0x17D00] =	vst v63  }
0x165: {  	s0 =	simm.s32 $0xE510;
	s28 =	sadd.s32 $0x20, s1  }
0x166: {  	[hbm4b:s28+s3] =	stream.linear.scatter [tilespmem:s0], [sflag:$0x3], $0x80, $0x38;
	[tilespmem:$0x17D00] =	vst v63  }
0x167: {  	s0 =	simm.s32 $0xE598;
	s28 =	sadd.s32 $0x30, s1  }
0x168: {  	[hbm4b:s28+s3] =	stream.linear.scatter [tilespmem:s0], [sflag:$0x3], $0x80, $0x38;
	[tilespmem:$0x17D00] =	vst v63  }
0x169: {  	s0 =	simm.s32 $0xE620;
	s28 =	sadd.s32 $0x40, s1  }
0x16a: {  	[hbm4b:s28+s3] =	stream.linear.scatter [tilespmem:s0], [sflag:$0x3], $0x80, $0x38;
	[tilespmem:$0x17D00] =	vst v63  }
0x16b: {  	s0 =	simm.s32 $0xE6A8;
	s28 =	sadd.s32 $0x50, s1  }
0x16c: {  	[hbm4b:s28+s3] =	stream.linear.scatter [tilespmem:s0], [sflag:$0x3], $0x80, $0x38;
	[tilespmem:$0x17D00] =	vst v63  }
0x16d: {  	s0 =	simm.s32 $0xE730;
	s28 =	sadd.s32 $0x60, s1  }
0x16e: {  	[hbm4b:s28+s3] =	stream.linear.scatter [tilespmem:s0], [sflag:$0x3], $0x80, $0x38;
	[tilespmem:$0x17D00] =	vst v63  }
0x16f: {  	s0 =	simm.s32 $0xE7B8;
	s28 =	sadd.s32 $0x70, s1  }
0x170: {  	[hbm4b:s28+s3] =	stream.linear.scatter [tilespmem:s0], [sflag:$0x3], $0x80, $0x38;
	[tilespmem:$0x17D00] =	vst v63  }
0x171: {  	s0 =	simm.s32 $0xE8C8;
	s28 =	sadd.s32 $0x80, s1  }
0x172: {  	[hbm4b:s28+s3] =	stream.linear.scatter [tilespmem:s0], [sflag:$0x3], $0x80, $0x38;
	[tilespmem:$0x17D00] =	vst v63  }
0x173: {  	s0 =	simm.s32 $0xE950;
	s28 =	sadd.s32 $0x90, s1  }
0x174: {  	[hbm4b:s28+s3] =	stream.linear.scatter [tilespmem:s0], [sflag:$0x3], $0x80, $0x38;
	[tilespmem:$0x17D00] =	vst v63  }
0x175: {  	s0 =	simm.s32 $0xE9D8;
	s28 =	sadd.s32 $0xA0, s1  }
0x176: {  	[hbm4b:s28+s3] =	stream.linear.scatter [tilespmem:s0], [sflag:$0x3], $0x80, $0x38;
	[tilespmem:$0x17D00] =	vst v63  }
0x177: {  	s0 =	simm.s32 $0xEA60;
	s28 =	sadd.s32 $0xB0, s1  }
0x178: {  	[hbm4b:s28+s3] =	stream.linear.scatter [tilespmem:s0], [sflag:$0x3], $0x80, $0x38;
	[tilespmem:$0x17D00] =	vst v63  }
0x179: {  	s0 =	simm.s32 $0xEAE8;
	s28 =	sadd.s32 $0xC0, s1  }
0x17a: {  	[hbm4b:s28+s3] =	stream.linear.scatter [tilespmem:s0], [sflag:$0x3], $0x80, $0x38;
	[tilespmem:$0x17D00] =	vst v63  }
0x17b: {  	s31 =	simm.s32 $0x4C80;
	s0 =	simm.s32 $0xEB70;
	s28 =	sadd.s32 $0xD0, s1  }
0x17c: {  	[hbm4b:s28+s3] =	stream.linear.scatter [tilespmem:s0], [sflag:$0x3], $0x80, $0x38;
	[tilespmem:$0x17D00] =	vst v63  }
0x17d: {  	s30 =	simm.s32 $0xEC80;
	s0 =	simm.s32 $0xEBF8;
	s28 =	sadd.s32 $0xE0, s1  }
0x17e: {  	[hbm4b:s28+s3] =	stream.linear.scatter [tilespmem:s0], [sflag:$0x3], $0x80, $0x38;
	[tilespmem:$0x17D00] =	vst v63  }
0x17f: {  	s29 =	sadd.s32 $0x1000, s1;
	s28 =	simm.s32 $0x990;
	s0 =	sadd.s32 $0xF0, s1  }
.LBB2_19:
0x180: {  	[hbm4b:s0+s3] =	stream.linear.scatter [tilespmem:s30], [sflag:$0x3], $0x80, $0x38;
	[tilespmem:$0x17D00] =	vst v63  }
0x181: {  	s30 =	smov.u32 s28;
	s0 =	smov.u32 s31  }
0x182: {  	s1 =	sadd.s32 $0x2640, s31;
	s28 =	sshra.s32 s0, $0x2;
	s0 =	sadd.s32 $0xE400, s30  }
0x183: {  	[hbm4b:s29+s3] =	stream.linear.scatter [tilespmem:s0], [sflag:$0x3], $0x80, $0x38;
	[tilespmem:$0x17D00] =	vst v63  }
0x184: {  	p0 =	sne.s32 s31, $0x10BC0;
	s31 =	sadd.s32 $0x10, s29;
	s0 =	sadd.s32 $0xE488, s30  }
0x185: {  	[hbm4b:s31+s3] =	stream.linear.scatter [tilespmem:s0], [sflag:$0x3], $0x80, $0x38;
	[tilespmem:$0x17D00] =	vst v63  }
0x186: {  	s0 =	sadd.s32 $0xE510, s30;
	s31 =	sadd.s32 $0x20, s29  }
0x187: {  	[hbm4b:s31+s3] =	stream.linear.scatter [tilespmem:s0], [sflag:$0x3], $0x80, $0x38;
	[tilespmem:$0x17D00] =	vst v63  }
0x188: {  	s0 =	sadd.s32 $0xE598, s30;
	s31 =	sadd.s32 $0x30, s29  }
0x189: {  	[hbm4b:s31+s3] =	stream.linear.scatter [tilespmem:s0], [sflag:$0x3], $0x80, $0x38;
	[tilespmem:$0x17D00] =	vst v63  }
0x18a: {  	s0 =	sadd.s32 $0xE620, s30;
	s31 =	sadd.s32 $0x40, s29  }
0x18b: {  	[hbm4b:s31+s3] =	stream.linear.scatter [tilespmem:s0], [sflag:$0x3], $0x80, $0x38;
	[tilespmem:$0x17D00] =	vst v63  }
0x18c: {  	s0 =	sadd.s32 $0xE6A8, s30;
	s31 =	sadd.s32 $0x50, s29  }
0x18d: {  	[hbm4b:s31+s3] =	stream.linear.scatter [tilespmem:s0], [sflag:$0x3], $0x80, $0x38;
	[tilespmem:$0x17D00] =	vst v63  }
0x18e: {  	s0 =	sadd.s32 $0xE730, s30;
	s31 =	sadd.s32 $0x60, s29  }
0x18f: {  	[hbm4b:s31+s3] =	stream.linear.scatter [tilespmem:s0], [sflag:$0x3], $0x80, $0x38;
	[tilespmem:$0x17D00] =	vst v63  }
0x190: {  	s0 =	sadd.s32 $0xE7B8, s30;
	s31 =	sadd.s32 $0x70, s29  }
0x191: {  	[hbm4b:s31+s3] =	stream.linear.scatter [tilespmem:s0], [sflag:$0x3], $0x80, $0x38;
	[tilespmem:$0x17D00] =	vst v63  }
0x192: {  	s0 =	sadd.s32 $0xE8C8, s30;
	s31 =	sadd.s32 $0x80, s29  }
0x193: {  	[hbm4b:s31+s3] =	stream.linear.scatter [tilespmem:s0], [sflag:$0x3], $0x80, $0x38;
	[tilespmem:$0x17D00] =	vst v63  }
0x194: {  	s0 =	sadd.s32 $0xE950, s30;
	s31 =	sadd.s32 $0x90, s29  }
0x195: {  	[hbm4b:s31+s3] =	stream.linear.scatter [tilespmem:s0], [sflag:$0x3], $0x80, $0x38;
	[tilespmem:$0x17D00] =	vst v63  }
0x196: {  	s0 =	sadd.s32 $0xE9D8, s30;
	s31 =	sadd.s32 $0xA0, s29  }
0x197: {  	[hbm4b:s31+s3] =	stream.linear.scatter [tilespmem:s0], [sflag:$0x3], $0x80, $0x38;
	[tilespmem:$0x17D00] =	vst v63  }
0x198: {  	s0 =	sadd.s32 $0xEA60, s30;
	s31 =	sadd.s32 $0xB0, s29  }
0x199: {  	[hbm4b:s31+s3] =	stream.linear.scatter [tilespmem:s0], [sflag:$0x3], $0x80, $0x38;
	[tilespmem:$0x17D00] =	vst v63  }
0x19a: {  	s0 =	sadd.s32 $0xEAE8, s30;
	s31 =	sadd.s32 $0xC0, s29  }
0x19b: {  	[hbm4b:s31+s3] =	stream.linear.scatter [tilespmem:s0], [sflag:$0x3], $0x80, $0x38;
	[tilespmem:$0x17D00] =	vst v63  }
.Ltmp8:
0x19c: {  	s0 =	sadd.s32 $0xEB70, s30;
	s31 =	sadd.s32 $0xD0, s29;
	(pc) =	sbr.rel @p0 .LBB2_19-.Ltmp8, $4  }
0x19d: {  	[hbm4b:s31+s3] =	stream.linear.scatter [tilespmem:s0], [sflag:$0x3], $0x80, $0x38;
	[tilespmem:$0x17D00] =	vst v63  }
0x19e: {  	s0 =	sadd.s32 $0xEBF8, s30;
	s31 =	sadd.s32 $0xE0, s29;
	s30 =	sadd.s32 $0xEC80, s30  }
0x19f: {  	[hbm4b:s31+s3] =	stream.linear.scatter [tilespmem:s0], [sflag:$0x3], $0x80, $0x38;
	[tilespmem:$0x17D00] =	vst v63  }
0x1a0: {  	s0 =	sadd.s32 $0xF0, s29;
	s29 =	sadd.s32 $0x1000, s29;
	s31 =	smov.u32 s1  }
0x1a1: {  	[hbm4b:s0+s3] =	stream.linear.scatter [tilespmem:s30], [sflag:$0x3], $0x80, $0x38;
	[tilespmem:$0x17D00] =	vst v63  }
0x1a2: {  	s1 =	sadd.s32 $0xE400, s28  }
0x1a3: {  	[hbm4b:s29+s3] =	stream.linear.scatter [tilespmem:s1], [sflag:$0x3], $0x80, $0x38;
	[tilespmem:$0x17D00] =	vst v63  }
0x1a4: {  	s31 =	sadd.s32 $0xE488, s28;
	s1 =	sadd.s32 $0x10, s29  }
0x1a5: {  	[hbm4b:s1+s3] =	stream.linear.scatter [tilespmem:s31], [sflag:$0x3], $0x80, $0x38;
	[tilespmem:$0x17D00] =	vst v63  }
0x1a6: {  	s1 =	sadd.s32 $0xE510, s28;
	s31 =	sadd.s32 $0x20, s29  }
0x1a7: {  	[hbm4b:s31+s3] =	stream.linear.scatter [tilespmem:s1], [sflag:$0x3], $0x80, $0x38;
	[tilespmem:$0x17D00] =	vst v63  }
0x1a8: {  	s1 =	sadd.s32 $0xE598, s28;
	s31 =	sadd.s32 $0x30, s29  }
0x1a9: {  	[hbm4b:s31+s3] =	stream.linear.scatter [tilespmem:s1], [sflag:$0x3], $0x80, $0x38;
	[tilespmem:$0x17D00] =	vst v63  }
0x1aa: {  	s1 =	sadd.s32 $0xE620, s28;
	s31 =	sadd.s32 $0x40, s29  }
0x1ab: {  	[hbm4b:s31+s3] =	stream.linear.scatter [tilespmem:s1], [sflag:$0x3], $0x80, $0x38;
	[tilespmem:$0x17D00] =	vst v63  }
0x1ac: {  	s1 =	sadd.s32 $0xE6A8, s28;
	s31 =	sadd.s32 $0x50, s29  }
0x1ad: {  	[hbm4b:s31+s3] =	stream.linear.scatter [tilespmem:s1], [sflag:$0x3], $0x80, $0x38;
	[tilespmem:$0x17D00] =	vst v63  }
0x1ae: {  	s1 =	sadd.s32 $0xE730, s28;
	s31 =	sadd.s32 $0x60, s29  }
0x1af: {  	[hbm4b:s31+s3] =	stream.linear.scatter [tilespmem:s1], [sflag:$0x3], $0x80, $0x38;
	[tilespmem:$0x17D00] =	vst v63  }
0x1b0: {  	s1 =	sadd.s32 $0xE7B8, s28;
	s31 =	sadd.s32 $0x70, s29  }
0x1b1: {  	[hbm4b:s31+s3] =	stream.linear.scatter [tilespmem:s1], [sflag:$0x3], $0x80, $0x38;
	[tilespmem:$0x17D00] =	vst v63  }
0x1b2: {  	s1 =	sadd.s32 $0xE8C8, s28;
	s31 =	sadd.s32 $0x80, s29  }
0x1b3: {  	[hbm4b:s31+s3] =	stream.linear.scatter [tilespmem:s1], [sflag:$0x3], $0x80, $0x38;
	[tilespmem:$0x17D00] =	vst v63  }
0x1b4: {  	s1 =	sadd.s32 $0xE950, s28;
	s31 =	sadd.s32 $0x90, s29  }
0x1b5: {  	[hbm4b:s31+s3] =	stream.linear.scatter [tilespmem:s1], [sflag:$0x3], $0x80, $0x38;
	[tilespmem:$0x17D00] =	vst v63  }
0x1b6: {  	s1 =	sadd.s32 $0xE9D8, s28;
	s31 =	sadd.s32 $0xA0, s29  }
0x1b7: {  	[hbm4b:s31+s3] =	stream.linear.scatter [tilespmem:s1], [sflag:$0x3], $0x80, $0x38;
	[tilespmem:$0x17D00] =	vst v63  }
0x1b8: {  	s1 =	sadd.s32 $0xEA60, s28;
	s31 =	sadd.s32 $0xB0, s29  }
0x1b9: {  	[hbm4b:s31+s3] =	stream.linear.scatter [tilespmem:s1], [sflag:$0x3], $0x80, $0x38;
	[tilespmem:$0x17D00] =	vst v63  }
0x1ba: {  	s1 =	sadd.s32 $0xEAE8, s28;
	s31 =	sadd.s32 $0xC0, s29  }
0x1bb: {  	[hbm4b:s31+s3] =	stream.linear.scatter [tilespmem:s1], [sflag:$0x3], $0x80, $0x38;
	[tilespmem:$0x17D00] =	vst v63  }
0x1bc: {  	s1 =	sadd.s32 $0xEB70, s28;
	s31 =	sadd.s32 $0xD0, s29  }
0x1bd: {  	[hbm4b:s31+s3] =	stream.linear.scatter [tilespmem:s1], [sflag:$0x3], $0x80, $0x38;
	[tilespmem:$0x17D00] =	vst v63  }
0x1be: {  	s1 =	sadd.s32 $0xEBF8, s28;
	s31 =	sadd.s32 $0xE0, s29  }
0x1bf: {  	[hbm4b:s31+s3] =	stream.linear.scatter [tilespmem:s1], [sflag:$0x3], $0x80, $0x38;
	[tilespmem:$0x17D00] =	vst v63  }
0x1c0: {  	s1 =	sadd.s32 $0xEC80, s28;
	s31 =	sadd.s32 $0xF0, s29  }
0x1c1: {  	[hbm4b:s31+s3] =	stream.linear.scatter [tilespmem:s1], [sflag:$0x3], $0x80, $0x38;
	[tilespmem:$0x17D00] =	vst v63  }
0x1c2: {  	s1 =	sshll.u32 s25, $0x9  }
0x1c3: {  	s28 =	sand.u32 $0x3FFFFE00, s1  }
0x1c4: {  	s0 =	sadd.s32 $0x200, s28  }
0x1c5: {  	[tilespmem:s14], [sflag:$0x1] =	stream.indirect.gather [hbm4b:s5+s13], $0x40, s0, s13, $0xb8;
	[tilespmem:$0x17D00] =	vst v63  }
0x1c6: {  	_ =	swait.ge [sflag:s19], $0x4000  }
0x1c7: {  	[sflag:s19] =	ssyncset.done $0x0  }
0x1c8: {  	[sflag:s19] =	ssyncadd.s32 $0xFFFFC000  }
0x1c9: {  	s31 =	simm.s32 $0x0;
	_ =	swait.ge [sflag:s23], $0x4000  }
0x1ca: {  	v8 =	vmov s31;
	[sflag:s23] =	ssyncset.done $0x0  }
0x1cb: {  	s29 =	simm.s32 $0xA420;
	v8 =	vand.u32 $0x7F, v8;
	[sflag:s23] =	ssyncadd.s32 $0xFFFFC000  }
0x1cc: {  	v12 =	vadd.s32 v0, v8;
	v9 =	vld [tilespmem:s29+$0xFFFFFFE0]  }
0x1cd: {  	v13 =	vadd.s32 v1, v8;
	v10 =	vld [tilespmem:s29+$0xFFFFFFF0]  }
0x1ce: {  	v15 =	vadd.s32 v2, v8;
	v11 =	vld [tilespmem:s29+$0x0]  }
0x1cf: {  	s30 =	simm.s32 $0x1;
	v16 =	vadd.s32 v3, v8;
	v14 =	vld [tilespmem:s29+$0x10]  }
.LBB2_21:
0x1d0: {  	v17 =	vmov s30;
	p0 =	sne.s32 s30, $0x7F  }
.Ltmp9:
0x1d1: {  	s29 =	sadd.s32 $0x40, s29;
	v17 =	vand.u32 $0x7F, v17;
	[tilespmem:v12+s20+$0x0] =	vst.idx.msk $0xffff, v9;
	(pc) =	sbr.rel @p0 .LBB2_21-.Ltmp9, $4  }
0x1d2: {  	v9 =	vld [tilespmem:s29+$0xFFFFFFE0];
	v12 =	vadd.s32 v0, v17;
	[tilespmem:v13+s20+$0x0] =	vst.idx.msk $0xffff, v10  }
0x1d3: {  	s30 =	sadd.s32 $0x1, s30;
	v13 =	vadd.s32 v1, v17;
	v10 =	vld [tilespmem:s29+$0xFFFFFFF0];
	[tilespmem:v15+s20+$0x0] =	vst.idx.msk $0xffff, v11  }
0x1d4: {  	v15 =	vadd.s32 v2, v17;
	v11 =	vld [tilespmem:s29+$0x0];
	[tilespmem:v16+s20+$0x0] =	vst.idx.msk $0xffff, v14  }
0x1d5: {  	v16 =	vadd.s32 v3, v17;
	v14 =	vld [tilespmem:s29+$0x10]  }
0x1d6: {  	_ =	sdelay $0x3  }
0x1d7: {  	[tilespmem:v12+s20+$0x0] =	vst.idx.msk $0xffff, v9  }
0x1d8: {  	[tilespmem:v13+s20+$0x0] =	vst.idx.msk $0xffff, v10  }
0x1d9: {  	[tilespmem:v15+s20+$0x0] =	vst.idx.msk $0xffff, v11  }
0x1da: {  	s29 =	simm.s32 $0xC430;
	[tilespmem:v16+s20+$0x0] =	vst.idx.msk $0xffff, v14  }
0x1db: {  	v15 =	vadd.s32 v4, v8;
	v12 =	vld [tilespmem:s29+$0xFFFFFFD0]  }
0x1dc: {  	v14 =	vadd.s32 v5, v8;
	v10 =	vld [tilespmem:s29+$0xFFFFFFE0]  }
0x1dd: {  	v13 =	vadd.s32 v6, v8;
	v9 =	vld [tilespmem:s29+$0xFFFFFFF0]  }
0x1de: {  	s30 =	simm.s32 $0x1;
	v8 =	vadd.s32 v7, v8;
	v11 =	vld [tilespmem:s29+$0x0]  }
.LBB2_23:
0x1df: {  	v16 =	vmov s30;
	p0 =	sne.s32 s30, $0x7F  }
.Ltmp10:
0x1e0: {  	s29 =	sadd.s32 $0x40, s29;
	v16 =	vand.u32 $0x7F, v16;
	[tilespmem:v15+s20+$0x0] =	vst.idx.msk $0xffff, v12;
	(pc) =	sbr.rel @p0 .LBB2_23-.Ltmp10, $4  }
0x1e1: {  	v12 =	vld [tilespmem:s29+$0xFFFFFFD0];
	v15 =	vadd.s32 v4, v16;
	[tilespmem:v14+s20+$0x0] =	vst.idx.msk $0xffff, v10  }
0x1e2: {  	s30 =	sadd.s32 $0x1, s30;
	v14 =	vadd.s32 v5, v16;
	v10 =	vld [tilespmem:s29+$0xFFFFFFE0];
	[tilespmem:v13+s20+$0x0] =	vst.idx.msk $0xffff, v9  }
0x1e3: {  	v13 =	vadd.s32 v6, v16;
	v9 =	vld [tilespmem:s29+$0xFFFFFFF0];
	[tilespmem:v8+s20+$0x0] =	vst.idx.msk $0xffff, v11  }
0x1e4: {  	v8 =	vadd.s32 v7, v16;
	v11 =	vld [tilespmem:s29+$0x0]  }
0x1e5: {  	_ =	sdelay $0x1  }
0x1e6: {  	s0 =	sadd.s32 s26, s4  }
0x1e7: {  	s0 =	sadd.s32 $0x1, s0  }
0x1e8: {  	[tilespmem:v15+s20+$0x0] =	vst.idx.msk $0xffff, v12;
	s1 =	sshll.u32 s0, $0x8  }
0x1e9: {  	[tilespmem:v14+s20+$0x0] =	vst.idx.msk $0xffff, v10;
	s0 =	sshll.u32 s0, $0xB;
	s1 =	sand.u32 $0xF00, s1  }
0x1ea: {  	[tilespmem:v13+s20+$0x0] =	vst.idx.msk $0xffff, v9;
	s0 =	sand.u32 $0xFFF8000, s0;
	s1 =	sadd.s32 s2, s1  }
0x1eb: {  	s26 =	simm.s32 $0x13080;
	[tilespmem:v8+s20+$0x0] =	vst.idx.msk $0xffff, v11;
	s29 =	sadd.s32 s0, s1  }
0x1ec: {  	[hbm4b:s29+s3] =	stream.linear.scatter [tilespmem:s26], [sflag:$0x4], $0x80, $0x38;
	[tilespmem:$0x17D00] =	vst v63  }
0x1ed: {  	s31 =	simm.s32 $0x13108;
	s1 =	sadd.s32 $0x10, s29  }
0x1ee: {  	[hbm4b:s1+s3] =	stream.linear.scatter [tilespmem:s31], [sflag:$0x4], $0x80, $0x38;
	[tilespmem:$0x17D00] =	vst v63  }
0x1ef: {  	s26 =	simm.s32 $0x13190;
	s31 =	sadd.s32 $0x20, s29  }
0x1f0: {  	[hbm4b:s31+s3] =	stream.linear.scatter [tilespmem:s26], [sflag:$0x4], $0x80, $0x38;
	[tilespmem:$0x17D00] =	vst v63  }
0x1f1: {  	s26 =	simm.s32 $0x13218;
	s31 =	sadd.s32 $0x30, s29  }
0x1f2: {  	[hbm4b:s31+s3] =	stream.linear.scatter [tilespmem:s26], [sflag:$0x4], $0x80, $0x38;
	[tilespmem:$0x17D00] =	vst v63  }
0x1f3: {  	s26 =	simm.s32 $0x132A0;
	s31 =	sadd.s32 $0x40, s29  }
0x1f4: {  	[hbm4b:s31+s3] =	stream.linear.scatter [tilespmem:s26], [sflag:$0x4], $0x80, $0x38;
	[tilespmem:$0x17D00] =	vst v63  }
0x1f5: {  	s26 =	simm.s32 $0x13328;
	s31 =	sadd.s32 $0x50, s29  }
0x1f6: {  	[hbm4b:s31+s3] =	stream.linear.scatter [tilespmem:s26], [sflag:$0x4], $0x80, $0x38;
	[tilespmem:$0x17D00] =	vst v63  }
0x1f7: {  	s26 =	simm.s32 $0x133B0;
	s31 =	sadd.s32 $0x60, s29  }
0x1f8: {  	[hbm4b:s31+s3] =	stream.linear.scatter [tilespmem:s26], [sflag:$0x4], $0x80, $0x38;
	[tilespmem:$0x17D00] =	vst v63  }
0x1f9: {  	s26 =	simm.s32 $0x13438;
	s31 =	sadd.s32 $0x70, s29  }
0x1fa: {  	[hbm4b:s31+s3] =	stream.linear.scatter [tilespmem:s26], [sflag:$0x4], $0x80, $0x38;
	[tilespmem:$0x17D00] =	vst v63  }
0x1fb: {  	s26 =	simm.s32 $0x13548;
	s31 =	sadd.s32 $0x80, s29  }
0x1fc: {  	[hbm4b:s31+s3] =	stream.linear.scatter [tilespmem:s26], [sflag:$0x4], $0x80, $0x38;
	[tilespmem:$0x17D00] =	vst v63  }
0x1fd: {  	s26 =	simm.s32 $0x135D0;
	s31 =	sadd.s32 $0x90, s29  }
0x1fe: {  	[hbm4b:s31+s3] =	stream.linear.scatter [tilespmem:s26], [sflag:$0x4], $0x80, $0x38;
	[tilespmem:$0x17D00] =	vst v63  }
0x1ff: {  	s26 =	simm.s32 $0x13658;
	s31 =	sadd.s32 $0xA0, s29  }
0x200: {  	[hbm4b:s31+s3] =	stream.linear.scatter [tilespmem:s26], [sflag:$0x4], $0x80, $0x38;
	[tilespmem:$0x17D00] =	vst v63  }
0x201: {  	s26 =	simm.s32 $0x136E0;
	s31 =	sadd.s32 $0xB0, s29  }
0x202: {  	[hbm4b:s31+s3] =	stream.linear.scatter [tilespmem:s26], [sflag:$0x4], $0x80, $0x38;
	[tilespmem:$0x17D00] =	vst v63  }
0x203: {  	s26 =	simm.s32 $0x13768;
	s31 =	sadd.s32 $0xC0, s29  }
0x204: {  	[hbm4b:s31+s3] =	stream.linear.scatter [tilespmem:s26], [sflag:$0x4], $0x80, $0x38;
	[tilespmem:$0x17D00] =	vst v63  }
0x205: {  	s30 =	simm.s32 $0x13900;
	s26 =	simm.s32 $0x137F0;
	s31 =	sadd.s32 $0xD0, s29  }
0x206: {  	[hbm4b:s31+s3] =	stream.linear.scatter [tilespmem:s26], [sflag:$0x4], $0x80, $0x38;
	[tilespmem:$0x17D00] =	vst v63  }
0x207: {  	s0 =	sadd.s32 $0xF0, s29;
	s26 =	simm.s32 $0x13878;
	s31 =	sadd.s32 $0xE0, s29  }
0x208: {  	[hbm4b:s31+s3] =	stream.linear.scatter [tilespmem:s26], [sflag:$0x4], $0x80, $0x38;
	[tilespmem:$0x17D00] =	vst v63  }
0x209: {  	s1 =	simm.s32 $0x4C80;
	s29 =	sadd.s32 $0x1000, s29;
	s26 =	simm.s32 $0x990  }
.LBB2_25:
0x20a: {  	[hbm4b:s0+s3] =	stream.linear.scatter [tilespmem:s30], [sflag:$0x4], $0x80, $0x38;
	[tilespmem:$0x17D00] =	vst v63  }
0x20b: {  	s30 =	smov.u32 s26;
	s0 =	smov.u32 s1  }
0x20c: {  	s31 =	sadd.s32 $0x2640, s1;
	s26 =	sshra.s32 s0, $0x2;
	s0 =	sadd.s32 $0x13080, s30  }
0x20d: {  	[hbm4b:s29+s3] =	stream.linear.scatter [tilespmem:s0], [sflag:$0x4], $0x80, $0x38;
	[tilespmem:$0x17D00] =	vst v63  }
0x20e: {  	p0 =	sne.s32 s1, $0x10BC0;
	s1 =	sadd.s32 $0x10, s29;
	s0 =	sadd.s32 $0x13108, s30  }
0x20f: {  	[hbm4b:s1+s3] =	stream.linear.scatter [tilespmem:s0], [sflag:$0x4], $0x80, $0x38;
	[tilespmem:$0x17D00] =	vst v63  }
0x210: {  	s0 =	sadd.s32 $0x13190, s30;
	s1 =	sadd.s32 $0x20, s29  }
0x211: {  	[hbm4b:s1+s3] =	stream.linear.scatter [tilespmem:s0], [sflag:$0x4], $0x80, $0x38;
	[tilespmem:$0x17D00] =	vst v63  }
0x212: {  	s0 =	sadd.s32 $0x13218, s30;
	s1 =	sadd.s32 $0x30, s29  }
0x213: {  	[hbm4b:s1+s3] =	stream.linear.scatter [tilespmem:s0], [sflag:$0x4], $0x80, $0x38;
	[tilespmem:$0x17D00] =	vst v63  }
0x214: {  	s0 =	sadd.s32 $0x132A0, s30;
	s1 =	sadd.s32 $0x40, s29  }
0x215: {  	[hbm4b:s1+s3] =	stream.linear.scatter [tilespmem:s0], [sflag:$0x4], $0x80, $0x38;
	[tilespmem:$0x17D00] =	vst v63  }
0x216: {  	s0 =	sadd.s32 $0x13328, s30;
	s1 =	sadd.s32 $0x50, s29  }
0x217: {  	[hbm4b:s1+s3] =	stream.linear.scatter [tilespmem:s0], [sflag:$0x4], $0x80, $0x38;
	[tilespmem:$0x17D00] =	vst v63  }
0x218: {  	s0 =	sadd.s32 $0x133B0, s30;
	s1 =	sadd.s32 $0x60, s29  }
0x219: {  	[hbm4b:s1+s3] =	stream.linear.scatter [tilespmem:s0], [sflag:$0x4], $0x80, $0x38;
	[tilespmem:$0x17D00] =	vst v63  }
0x21a: {  	s0 =	sadd.s32 $0x13438, s30;
	s1 =	sadd.s32 $0x70, s29  }
0x21b: {  	[hbm4b:s1+s3] =	stream.linear.scatter [tilespmem:s0], [sflag:$0x4], $0x80, $0x38;
	[tilespmem:$0x17D00] =	vst v63  }
0x21c: {  	s0 =	sadd.s32 $0x13548, s30;
	s1 =	sadd.s32 $0x80, s29  }
0x21d: {  	[hbm4b:s1+s3] =	stream.linear.scatter [tilespmem:s0], [sflag:$0x4], $0x80, $0x38;
	[tilespmem:$0x17D00] =	vst v63  }
0x21e: {  	s0 =	sadd.s32 $0x135D0, s30;
	s1 =	sadd.s32 $0x90, s29  }
0x21f: {  	[hbm4b:s1+s3] =	stream.linear.scatter [tilespmem:s0], [sflag:$0x4], $0x80, $0x38;
	[tilespmem:$0x17D00] =	vst v63  }
0x220: {  	s0 =	sadd.s32 $0x13658, s30;
	s1 =	sadd.s32 $0xA0, s29  }
0x221: {  	[hbm4b:s1+s3] =	stream.linear.scatter [tilespmem:s0], [sflag:$0x4], $0x80, $0x38;
	[tilespmem:$0x17D00] =	vst v63  }
0x222: {  	s0 =	sadd.s32 $0x136E0, s30;
	s1 =	sadd.s32 $0xB0, s29  }
0x223: {  	[hbm4b:s1+s3] =	stream.linear.scatter [tilespmem:s0], [sflag:$0x4], $0x80, $0x38;
	[tilespmem:$0x17D00] =	vst v63  }
0x224: {  	s0 =	sadd.s32 $0x13768, s30;
	s1 =	sadd.s32 $0xC0, s29  }
0x225: {  	[hbm4b:s1+s3] =	stream.linear.scatter [tilespmem:s0], [sflag:$0x4], $0x80, $0x38;
	[tilespmem:$0x17D00] =	vst v63  }
.Ltmp11:
0x226: {  	s0 =	sadd.s32 $0x137F0, s30;
	s1 =	sadd.s32 $0xD0, s29;
	(pc) =	sbr.rel @p0 .LBB2_25-.Ltmp11, $4  }
0x227: {  	[hbm4b:s1+s3] =	stream.linear.scatter [tilespmem:s0], [sflag:$0x4], $0x80, $0x38;
	[tilespmem:$0x17D00] =	vst v63  }
0x228: {  	s0 =	sadd.s32 $0x13878, s30;
	s1 =	sadd.s32 $0xE0, s29;
	s30 =	sadd.s32 $0x13900, s30  }
0x229: {  	[hbm4b:s1+s3] =	stream.linear.scatter [tilespmem:s0], [sflag:$0x4], $0x80, $0x38;
	[tilespmem:$0x17D00] =	vst v63  }
0x22a: {  	s0 =	sadd.s32 $0xF0, s29;
	s29 =	sadd.s32 $0x1000, s29;
	s1 =	smov.u32 s31  }
0x22b: {  	[hbm4b:s0+s3] =	stream.linear.scatter [tilespmem:s30], [sflag:$0x4], $0x80, $0x38;
	[tilespmem:$0x17D00] =	vst v63  }
0x22c: {  	s30 =	sadd.s32 $0x13080, s26  }
0x22d: {  	[hbm4b:s29+s3] =	stream.linear.scatter [tilespmem:s30], [sflag:$0x4], $0x80, $0x38;
	[tilespmem:$0x17D00] =	vst v63  }
0x22e: {  	s31 =	sadd.s32 $0x13108, s26;
	s1 =	sadd.s32 $0x10, s29  }
0x22f: {  	[hbm4b:s1+s3] =	stream.linear.scatter [tilespmem:s31], [sflag:$0x4], $0x80, $0x38;
	[tilespmem:$0x17D00] =	vst v63  }
0x230: {  	s30 =	sadd.s32 $0x13190, s26;
	s31 =	sadd.s32 $0x20, s29  }
0x231: {  	[hbm4b:s31+s3] =	stream.linear.scatter [tilespmem:s30], [sflag:$0x4], $0x80, $0x38;
	[tilespmem:$0x17D00] =	vst v63  }
0x232: {  	s30 =	sadd.s32 $0x13218, s26;
	s31 =	sadd.s32 $0x30, s29  }
0x233: {  	[hbm4b:s31+s3] =	stream.linear.scatter [tilespmem:s30], [sflag:$0x4], $0x80, $0x38;
	[tilespmem:$0x17D00] =	vst v63  }
0x234: {  	s30 =	sadd.s32 $0x132A0, s26;
	s31 =	sadd.s32 $0x40, s29  }
0x235: {  	[hbm4b:s31+s3] =	stream.linear.scatter [tilespmem:s30], [sflag:$0x4], $0x80, $0x38;
	[tilespmem:$0x17D00] =	vst v63  }
0x236: {  	s30 =	sadd.s32 $0x13328, s26;
	s31 =	sadd.s32 $0x50, s29  }
0x237: {  	[hbm4b:s31+s3] =	stream.linear.scatter [tilespmem:s30], [sflag:$0x4], $0x80, $0x38;
	[tilespmem:$0x17D00] =	vst v63  }
0x238: {  	s30 =	sadd.s32 $0x133B0, s26;
	s31 =	sadd.s32 $0x60, s29  }
0x239: {  	[hbm4b:s31+s3] =	stream.linear.scatter [tilespmem:s30], [sflag:$0x4], $0x80, $0x38;
	[tilespmem:$0x17D00] =	vst v63  }
0x23a: {  	s30 =	sadd.s32 $0x13438, s26;
	s31 =	sadd.s32 $0x70, s29  }
0x23b: {  	[hbm4b:s31+s3] =	stream.linear.scatter [tilespmem:s30], [sflag:$0x4], $0x80, $0x38;
	[tilespmem:$0x17D00] =	vst v63  }
0x23c: {  	s30 =	sadd.s32 $0x13548, s26;
	s31 =	sadd.s32 $0x80, s29  }
0x23d: {  	[hbm4b:s31+s3] =	stream.linear.scatter [tilespmem:s30], [sflag:$0x4], $0x80, $0x38;
	[tilespmem:$0x17D00] =	vst v63  }
0x23e: {  	s30 =	sadd.s32 $0x135D0, s26;
	s31 =	sadd.s32 $0x90, s29  }
0x23f: {  	[hbm4b:s31+s3] =	stream.linear.scatter [tilespmem:s30], [sflag:$0x4], $0x80, $0x38;
	[tilespmem:$0x17D00] =	vst v63  }
0x240: {  	s30 =	sadd.s32 $0x13658, s26;
	s31 =	sadd.s32 $0xA0, s29  }
0x241: {  	[hbm4b:s31+s3] =	stream.linear.scatter [tilespmem:s30], [sflag:$0x4], $0x80, $0x38;
	[tilespmem:$0x17D00] =	vst v63  }
0x242: {  	s30 =	sadd.s32 $0x136E0, s26;
	s31 =	sadd.s32 $0xB0, s29  }
0x243: {  	[hbm4b:s31+s3] =	stream.linear.scatter [tilespmem:s30], [sflag:$0x4], $0x80, $0x38;
	[tilespmem:$0x17D00] =	vst v63  }
0x244: {  	s30 =	sadd.s32 $0x13768, s26;
	s31 =	sadd.s32 $0xC0, s29  }
0x245: {  	[hbm4b:s31+s3] =	stream.linear.scatter [tilespmem:s30], [sflag:$0x4], $0x80, $0x38;
	[tilespmem:$0x17D00] =	vst v63  }
0x246: {  	s25 =	sadd.s32 $0x1, s25;
	s30 =	sadd.s32 $0x137F0, s26;
	s31 =	sadd.s32 $0xD0, s29  }
0x247: {  	[hbm4b:s31+s3] =	stream.linear.scatter [tilespmem:s30], [sflag:$0x4], $0x80, $0x38;
	[tilespmem:$0x17D00] =	vst v63  }
0x248: {  	p0 =	sne.s32 s25, $0x31;
	s30 =	sadd.s32 $0x13878, s26;
	s31 =	sadd.s32 $0xE0, s29  }
0x249: {  	[hbm4b:s31+s3] =	stream.linear.scatter [tilespmem:s30], [sflag:$0x4], $0x80, $0x38;
	[tilespmem:$0x17D00] =	vst v63  }
.Ltmp12:
0x24a: {  	_ = 	snop;
	(pc) =	sbr.rel @p0 .LBB2_14-.Ltmp12, $4  }
0x24b: {  	s26 =	sadd.s32 $0x13900, s26;
	s30 =	sadd.s32 $0xF0, s29  }
0x24c: {  	[hbm4b:s30+s3] =	stream.linear.scatter [tilespmem:s26], [sflag:$0x4], $0x80, $0x38;
	[tilespmem:$0x17D00] =	vst v63  }
0x24d: {  	s31 =	sadd.s32 $0x300, s28  }
0x24e: {  	[tilespmem:s15], [sflag:$0x2] =	stream.indirect.gather [hbm4b:s5+s13], $0x40, s31, s13, $0xb8;
	[tilespmem:$0x17D00] =	vst v63  }
0x24f: {  	_ =	swait.ge [sflag:s16], $0x4000  }
0x250: {  	[sflag:s16] =	ssyncset.done $0x0  }
0x251: {  	[sflag:s16] =	ssyncadd.s32 $0xFFFFC000  }
0x252: {  	s0 =	simm.s32 $0x0;
	_ =	swait.ge [sflag:s22], $0x4000  }
0x253: {  	v8 =	vmov s0;
	[sflag:s22] =	ssyncset.done $0x0  }
0x254: {  	s25 =	simm.s32 $0x6420;
	v8 =	vand.u32 $0x7F, v8;
	[sflag:s22] =	ssyncadd.s32 $0xFFFFC000  }
0x255: {  	v12 =	vadd.s32 v0, v8;
	v9 =	vld [tilespmem:s25+$0xFFFFFFE0]  }
0x256: {  	v13 =	vadd.s32 v1, v8;
	v10 =	vld [tilespmem:s25+$0xFFFFFFF0]  }
0x257: {  	v15 =	vadd.s32 v2, v8;
	v11 =	vld [tilespmem:s25+$0x0]  }
0x258: {  	s26 =	simm.s32 $0x1;
	v16 =	vadd.s32 v3, v8;
	v14 =	vld [tilespmem:s25+$0x10]  }
.LBB2_28:
0x259: {  	v17 =	vmov s26;
	p0 =	sne.s32 s26, $0x7F  }
.Ltmp13:
0x25a: {  	s25 =	sadd.s32 $0x40, s25;
	v17 =	vand.u32 $0x7F, v17;
	[tilespmem:v12+s17+$0x0] =	vst.idx.msk $0xffff, v9;
	(pc) =	sbr.rel @p0 .LBB2_28-.Ltmp13, $4  }
0x25b: {  	v9 =	vld [tilespmem:s25+$0xFFFFFFE0];
	v12 =	vadd.s32 v0, v17;
	[tilespmem:v13+s17+$0x0] =	vst.idx.msk $0xffff, v10  }
0x25c: {  	s26 =	sadd.s32 $0x1, s26;
	v13 =	vadd.s32 v1, v17;
	v10 =	vld [tilespmem:s25+$0xFFFFFFF0];
	[tilespmem:v15+s17+$0x0] =	vst.idx.msk $0xffff, v11  }
0x25d: {  	v15 =	vadd.s32 v2, v17;
	v11 =	vld [tilespmem:s25+$0x0];
	[tilespmem:v16+s17+$0x0] =	vst.idx.msk $0xffff, v14  }
0x25e: {  	v16 =	vadd.s32 v3, v17;
	v14 =	vld [tilespmem:s25+$0x10]  }
0x25f: {  	_ =	sdelay $0x3  }
0x260: {  	[tilespmem:v12+s17+$0x0] =	vst.idx.msk $0xffff, v9  }
0x261: {  	[tilespmem:v13+s17+$0x0] =	vst.idx.msk $0xffff, v10  }
0x262: {  	[tilespmem:v15+s17+$0x0] =	vst.idx.msk $0xffff, v11  }
0x263: {  	s25 =	simm.s32 $0x8430;
	[tilespmem:v16+s17+$0x0] =	vst.idx.msk $0xffff, v14  }
0x264: {  	v12 =	vadd.s32 v4, v8;
	v10 =	vld [tilespmem:s25+$0xFFFFFFD0]  }
0x265: {  	v13 =	vadd.s32 v5, v8;
	v9 =	vld [tilespmem:s25+$0xFFFFFFE0]  }
0x266: {  	v15 =	vadd.s32 v6, v8;
	v11 =	vld [tilespmem:s25+$0xFFFFFFF0]  }
0x267: {  	s26 =	simm.s32 $0x1;
	v8 =	vadd.s32 v7, v8;
	v14 =	vld [tilespmem:s25+$0x0]  }
.LBB2_30:
0x268: {  	v16 =	vmov s26;
	p0 =	sne.s32 s26, $0x7F  }
.Ltmp14:
0x269: {  	s25 =	sadd.s32 $0x40, s25;
	v16 =	vand.u32 $0x7F, v16;
	[tilespmem:v12+s17+$0x0] =	vst.idx.msk $0xffff, v10;
	(pc) =	sbr.rel @p0 .LBB2_30-.Ltmp14, $4  }
0x26a: {  	v10 =	vld [tilespmem:s25+$0xFFFFFFD0];
	v12 =	vadd.s32 v4, v16;
	[tilespmem:v13+s17+$0x0] =	vst.idx.msk $0xffff, v9  }
0x26b: {  	s26 =	sadd.s32 $0x1, s26;
	v13 =	vadd.s32 v5, v16;
	v9 =	vld [tilespmem:s25+$0xFFFFFFE0];
	[tilespmem:v15+s17+$0x0] =	vst.idx.msk $0xffff, v11  }
0x26c: {  	v15 =	vadd.s32 v6, v16;
	v11 =	vld [tilespmem:s25+$0xFFFFFFF0];
	[tilespmem:v8+s17+$0x0] =	vst.idx.msk $0xffff, v14  }
0x26d: {  	v8 =	vadd.s32 v7, v16;
	v14 =	vld [tilespmem:s25+$0x0]  }
0x26e: {  	_ =	sdelay $0x3  }
0x26f: {  	[tilespmem:v12+s17+$0x0] =	vst.idx.msk $0xffff, v10  }
0x270: {  	[tilespmem:v13+s17+$0x0] =	vst.idx.msk $0xffff, v9  }
0x271: {  	[tilespmem:v15+s17+$0x0] =	vst.idx.msk $0xffff, v11  }
0x272: {  	s0 =	simm.s32 $0xE400;
	[tilespmem:v8+s17+$0x0] =	vst.idx.msk $0xffff, v14  }
0x273: {  	[hbm4b:s9+s3] =	stream.linear.scatter [tilespmem:s0], [sflag:$0x3], $0x80, $0x38;
	[tilespmem:$0x17D00] =	vst v63  }
0x274: {  	s29 =	simm.s32 $0xE488;
	s1 =	sadd.s32 $0x10, s9  }
0x275: {  	[hbm4b:s1+s3] =	stream.linear.scatter [tilespmem:s29], [sflag:$0x3], $0x80, $0x38;
	[tilespmem:$0x17D00] =	vst v63  }
0x276: {  	s30 =	simm.s32 $0xE510;
	s31 =	sadd.s32 $0x20, s9  }
0x277: {  	[hbm4b:s31+s3] =	stream.linear.scatter [tilespmem:s30], [sflag:$0x3], $0x80, $0x38;
	[tilespmem:$0x17D00] =	vst v63  }
0x278: {  	s25 =	sadd.s32 $0x30, s9;
	s1 =	simm.s32 $0xE598  }
0x279: {  	[hbm4b:s25+s3] =	stream.linear.scatter [tilespmem:s1], [sflag:$0x3], $0x80, $0x38;
	[tilespmem:$0x17D00] =	vst v63  }
0x27a: {  	s26 =	simm.s32 $0xE620;
	s29 =	sadd.s32 $0x40, s9  }
0x27b: {  	[hbm4b:s29+s3] =	stream.linear.scatter [tilespmem:s26], [sflag:$0x3], $0x80, $0x38;
	[tilespmem:$0x17D00] =	vst v63  }
0x27c: {  	s30 =	simm.s32 $0xE6A8;
	s31 =	sadd.s32 $0x50, s9  }
0x27d: {  	[hbm4b:s31+s3] =	stream.linear.scatter [tilespmem:s30], [sflag:$0x3], $0x80, $0x38;
	[tilespmem:$0x17D00] =	vst v63  }
0x27e: {  	s1 =	simm.s32 $0xE730;
	s25 =	sadd.s32 $0x60, s9  }
0x27f: {  	[hbm4b:s25+s3] =	stream.linear.scatter [tilespmem:s1], [sflag:$0x3], $0x80, $0x38;
	[tilespmem:$0x17D00] =	vst v63  }
0x280: {  	s26 =	simm.s32 $0xE7B8;
	s29 =	sadd.s32 $0x70, s9  }
0x281: {  	[hbm4b:s29+s3] =	stream.linear.scatter [tilespmem:s26], [sflag:$0x3], $0x80, $0x38;
	[tilespmem:$0x17D00] =	vst v63  }
0x282: {  	s30 =	simm.s32 $0xE8C8;
	s31 =	sadd.s32 $0x80, s9  }
0x283: {  	[hbm4b:s31+s3] =	stream.linear.scatter [tilespmem:s30], [sflag:$0x3], $0x80, $0x38;
	[tilespmem:$0x17D00] =	vst v63  }
0x284: {  	s1 =	simm.s32 $0xE950;
	s25 =	sadd.s32 $0x90, s9  }
0x285: {  	[hbm4b:s25+s3] =	stream.linear.scatter [tilespmem:s1], [sflag:$0x3], $0x80, $0x38;
	[tilespmem:$0x17D00] =	vst v63  }
0x286: {  	s28 =	simm.s32 $0xEC80;
	s26 =	simm.s32 $0xE9D8;
	s29 =	sadd.s32 $0xA0, s9  }
0x287: {  	[hbm4b:s29+s3] =	stream.linear.scatter [tilespmem:s26], [sflag:$0x3], $0x80, $0x38;
	[tilespmem:$0x17D00] =	vst v63  }
0x288: {  	s0 =	sadd.s32 $0xF0, s9;
	s30 =	simm.s32 $0xEA60;
	s31 =	sadd.s32 $0xB0, s9  }
0x289: {  	[hbm4b:s31+s3] =	stream.linear.scatter [tilespmem:s30], [sflag:$0x3], $0x80, $0x38;
	[tilespmem:$0x17D00] =	vst v63  }
0x28a: {  	s1 =	simm.s32 $0xEAE8;
	s25 =	sadd.s32 $0xC0, s9;
	s26 =	simm.s32 $0xEB70  }
0x28b: {  	[hbm4b:s25+s3] =	stream.linear.scatter [tilespmem:s1], [sflag:$0x3], $0x80, $0x38;
	[tilespmem:$0x17D00] =	vst v63  }
0x28c: {  	s29 =	sadd.s32 $0xD0, s9;
	s30 =	simm.s32 $0xEBF8;
	s31 =	sadd.s32 $0xE0, s9  }
0x28d: {  	[hbm4b:s29+s3] =	stream.linear.scatter [tilespmem:s26], [sflag:$0x3], $0x80, $0x38;
	[tilespmem:$0x17D00] =	vst v63  }
0x28e: {  	s25 =	simm.s32 $0x990;
	s1 =	simm.s32 $0x4C80;
	s26 =	sadd.s32 $0x1000, s9  }
0x28f: {  	[hbm4b:s31+s3] =	stream.linear.scatter [tilespmem:s30], [sflag:$0x3], $0x80, $0x38;
	[tilespmem:$0x17D00] =	vst v63  }
.LBB2_32:
0x290: {  	[hbm4b:s0+s3] =	stream.linear.scatter [tilespmem:s28], [sflag:$0x3], $0x80, $0x38;
	[tilespmem:$0x17D00] =	vst v63  }
0x291: {  	s28 =	smov.u32 s25;
	s0 =	smov.u32 s1  }
0x292: {  	s29 =	sadd.s32 $0x2640, s1;
	s25 =	sshra.s32 s0, $0x2;
	s0 =	sadd.s32 $0xE400, s28  }
0x293: {  	[hbm4b:s26+s3] =	stream.linear.scatter [tilespmem:s0], [sflag:$0x3], $0x80, $0x38;
	[tilespmem:$0x17D00] =	vst v63  }
0x294: {  	p0 =	sne.s32 s1, $0x10BC0;
	s1 =	sadd.s32 $0x10, s26;
	s0 =	sadd.s32 $0xE488, s28  }
0x295: {  	[hbm4b:s1+s3] =	stream.linear.scatter [tilespmem:s0], [sflag:$0x3], $0x80, $0x38;
	[tilespmem:$0x17D00] =	vst v63  }
0x296: {  	s0 =	sadd.s32 $0xE510, s28;
	s1 =	sadd.s32 $0x20, s26  }
0x297: {  	[hbm4b:s1+s3] =	stream.linear.scatter [tilespmem:s0], [sflag:$0x3], $0x80, $0x38;
	[tilespmem:$0x17D00] =	vst v63  }
0x298: {  	s0 =	sadd.s32 $0xE598, s28;
	s1 =	sadd.s32 $0x30, s26  }
0x299: {  	[hbm4b:s1+s3] =	stream.linear.scatter [tilespmem:s0], [sflag:$0x3], $0x80, $0x38;
	[tilespmem:$0x17D00] =	vst v63  }
0x29a: {  	s0 =	sadd.s32 $0xE620, s28;
	s1 =	sadd.s32 $0x40, s26  }
0x29b: {  	[hbm4b:s1+s3] =	stream.linear.scatter [tilespmem:s0], [sflag:$0x3], $0x80, $0x38;
	[tilespmem:$0x17D00] =	vst v63  }
0x29c: {  	s0 =	sadd.s32 $0xE6A8, s28;
	s1 =	sadd.s32 $0x50, s26  }
0x29d: {  	[hbm4b:s1+s3] =	stream.linear.scatter [tilespmem:s0], [sflag:$0x3], $0x80, $0x38;
	[tilespmem:$0x17D00] =	vst v63  }
0x29e: {  	s0 =	sadd.s32 $0xE730, s28;
	s1 =	sadd.s32 $0x60, s26  }
0x29f: {  	[hbm4b:s1+s3] =	stream.linear.scatter [tilespmem:s0], [sflag:$0x3], $0x80, $0x38;
	[tilespmem:$0x17D00] =	vst v63  }
0x2a0: {  	s0 =	sadd.s32 $0xE7B8, s28;
	s1 =	sadd.s32 $0x70, s26  }
0x2a1: {  	[hbm4b:s1+s3] =	stream.linear.scatter [tilespmem:s0], [sflag:$0x3], $0x80, $0x38;
	[tilespmem:$0x17D00] =	vst v63  }
0x2a2: {  	s0 =	sadd.s32 $0xE8C8, s28;
	s1 =	sadd.s32 $0x80, s26  }
0x2a3: {  	[hbm4b:s1+s3] =	stream.linear.scatter [tilespmem:s0], [sflag:$0x3], $0x80, $0x38;
	[tilespmem:$0x17D00] =	vst v63  }
0x2a4: {  	s0 =	sadd.s32 $0xE950, s28;
	s1 =	sadd.s32 $0x90, s26  }
0x2a5: {  	[hbm4b:s1+s3] =	stream.linear.scatter [tilespmem:s0], [sflag:$0x3], $0x80, $0x38;
	[tilespmem:$0x17D00] =	vst v63  }
0x2a6: {  	s0 =	sadd.s32 $0xE9D8, s28;
	s1 =	sadd.s32 $0xA0, s26  }
0x2a7: {  	[hbm4b:s1+s3] =	stream.linear.scatter [tilespmem:s0], [sflag:$0x3], $0x80, $0x38;
	[tilespmem:$0x17D00] =	vst v63  }
0x2a8: {  	s0 =	sadd.s32 $0xEA60, s28;
	s1 =	sadd.s32 $0xB0, s26  }
0x2a9: {  	[hbm4b:s1+s3] =	stream.linear.scatter [tilespmem:s0], [sflag:$0x3], $0x80, $0x38;
	[tilespmem:$0x17D00] =	vst v63  }
0x2aa: {  	s0 =	sadd.s32 $0xEAE8, s28;
	s1 =	sadd.s32 $0xC0, s26  }
0x2ab: {  	[hbm4b:s1+s3] =	stream.linear.scatter [tilespmem:s0], [sflag:$0x3], $0x80, $0x38;
	[tilespmem:$0x17D00] =	vst v63  }
.Ltmp15:
0x2ac: {  	s0 =	sadd.s32 $0xEB70, s28;
	s1 =	sadd.s32 $0xD0, s26;
	(pc) =	sbr.rel @p0 .LBB2_32-.Ltmp15, $4  }
0x2ad: {  	[hbm4b:s1+s3] =	stream.linear.scatter [tilespmem:s0], [sflag:$0x3], $0x80, $0x38;
	[tilespmem:$0x17D00] =	vst v63  }
0x2ae: {  	s0 =	sadd.s32 $0xEBF8, s28;
	s1 =	sadd.s32 $0xE0, s26;
	s28 =	sadd.s32 $0xEC80, s28  }
0x2af: {  	[hbm4b:s1+s3] =	stream.linear.scatter [tilespmem:s0], [sflag:$0x3], $0x80, $0x38;
	[tilespmem:$0x17D00] =	vst v63  }
0x2b0: {  	s0 =	sadd.s32 $0xF0, s26;
	s26 =	sadd.s32 $0x1000, s26;
	s1 =	smov.u32 s29  }
0x2b1: {  	[hbm4b:s0+s3] =	stream.linear.scatter [tilespmem:s28], [sflag:$0x3], $0x80, $0x38;
	[tilespmem:$0x17D00] =	vst v63  }
0x2b2: {  	s30 =	sadd.s32 $0xE400, s25  }
0x2b3: {  	[hbm4b:s26+s3] =	stream.linear.scatter [tilespmem:s30], [sflag:$0x3], $0x80, $0x38;
	[tilespmem:$0x17D00] =	vst v63  }
0x2b4: {  	s31 =	sadd.s32 $0xE488, s25;
	s1 =	sadd.s32 $0x10, s26  }
0x2b5: {  	[hbm4b:s1+s3] =	stream.linear.scatter [tilespmem:s31], [sflag:$0x3], $0x80, $0x38;
	[tilespmem:$0x17D00] =	vst v63  }
0x2b6: {  	s28 =	sadd.s32 $0xE510, s25;
	s29 =	sadd.s32 $0x20, s26  }
0x2b7: {  	[hbm4b:s29+s3] =	stream.linear.scatter [tilespmem:s28], [sflag:$0x3], $0x80, $0x38;
	[tilespmem:$0x17D00] =	vst v63  }
0x2b8: {  	s30 =	sadd.s32 $0xE598, s25;
	s31 =	sadd.s32 $0x30, s26  }
0x2b9: {  	[hbm4b:s31+s3] =	stream.linear.scatter [tilespmem:s30], [sflag:$0x3], $0x80, $0x38;
	[tilespmem:$0x17D00] =	vst v63  }
0x2ba: {  	s28 =	sadd.s32 $0xE620, s25;
	s29 =	sadd.s32 $0x40, s26  }
0x2bb: {  	[hbm4b:s29+s3] =	stream.linear.scatter [tilespmem:s28], [sflag:$0x3], $0x80, $0x38;
	[tilespmem:$0x17D00] =	vst v63  }
0x2bc: {  	s30 =	sadd.s32 $0xE6A8, s25;
	s31 =	sadd.s32 $0x50, s26  }
0x2bd: {  	[hbm4b:s31+s3] =	stream.linear.scatter [tilespmem:s30], [sflag:$0x3], $0x80, $0x38;
	[tilespmem:$0x17D00] =	vst v63  }
0x2be: {  	s28 =	sadd.s32 $0xE730, s25;
	s29 =	sadd.s32 $0x60, s26  }
0x2bf: {  	[hbm4b:s29+s3] =	stream.linear.scatter [tilespmem:s28], [sflag:$0x3], $0x80, $0x38;
	[tilespmem:$0x17D00] =	vst v63  }
0x2c0: {  	s30 =	sadd.s32 $0xE7B8, s25;
	s31 =	sadd.s32 $0x70, s26  }
0x2c1: {  	[hbm4b:s31+s3] =	stream.linear.scatter [tilespmem:s30], [sflag:$0x3], $0x80, $0x38;
	[tilespmem:$0x17D00] =	vst v63  }
0x2c2: {  	s28 =	sadd.s32 $0xE8C8, s25;
	s29 =	sadd.s32 $0x80, s26  }
0x2c3: {  	[hbm4b:s29+s3] =	stream.linear.scatter [tilespmem:s28], [sflag:$0x3], $0x80, $0x38;
	[tilespmem:$0x17D00] =	vst v63  }
0x2c4: {  	s30 =	sadd.s32 $0xE950, s25;
	s31 =	sadd.s32 $0x90, s26  }
0x2c5: {  	[hbm4b:s31+s3] =	stream.linear.scatter [tilespmem:s30], [sflag:$0x3], $0x80, $0x38;
	[tilespmem:$0x17D00] =	vst v63  }
0x2c6: {  	s28 =	sadd.s32 $0xE9D8, s25;
	s29 =	sadd.s32 $0xA0, s26  }
0x2c7: {  	[hbm4b:s29+s3] =	stream.linear.scatter [tilespmem:s28], [sflag:$0x3], $0x80, $0x38;
	[tilespmem:$0x17D00] =	vst v63  }
0x2c8: {  	s30 =	sadd.s32 $0xEA60, s25;
	s31 =	sadd.s32 $0xB0, s26  }
0x2c9: {  	[hbm4b:s31+s3] =	stream.linear.scatter [tilespmem:s30], [sflag:$0x3], $0x80, $0x38;
	[tilespmem:$0x17D00] =	vst v63  }
0x2ca: {  	s28 =	sadd.s32 $0xEAE8, s25;
	s29 =	sadd.s32 $0xC0, s26  }
0x2cb: {  	[hbm4b:s29+s3] =	stream.linear.scatter [tilespmem:s28], [sflag:$0x3], $0x80, $0x38;
	[tilespmem:$0x17D00] =	vst v63  }
0x2cc: {  	s30 =	sadd.s32 $0xEB70, s25;
	s31 =	sadd.s32 $0xD0, s26  }
0x2cd: {  	[hbm4b:s31+s3] =	stream.linear.scatter [tilespmem:s30], [sflag:$0x3], $0x80, $0x38;
	[tilespmem:$0x17D00] =	vst v63  }
0x2ce: {  	s1 =	sadd.s32 $0xEBF8, s25;
	s28 =	sadd.s32 $0xE0, s26  }
0x2cf: {  	[hbm4b:s28+s3] =	stream.linear.scatter [tilespmem:s1], [sflag:$0x3], $0x80, $0x38;
	[tilespmem:$0x17D00] =	vst v63  }
0x2d0: {  	s29 =	sadd.s32 $0xEC80, s25;
	s30 =	sadd.s32 $0xF0, s26  }
0x2d1: {  	[hbm4b:s30+s3] =	stream.linear.scatter [tilespmem:s29], [sflag:$0x3], $0x80, $0x38;
	[tilespmem:$0x17D00] =	vst v63  }
0x2d2: {  	_ =	swait.ge [sflag:s19], $0x4000  }
0x2d3: {  	[sflag:s19] =	ssyncset.done $0x0  }
0x2d4: {  	[sflag:s19] =	ssyncadd.s32 $0xFFFFC000  }
0x2d5: {  	s31 =	simm.s32 $0x0;
	_ =	swait.ge [sflag:s23], $0x4000  }
0x2d6: {  	v8 =	vmov s31;
	[sflag:s23] =	ssyncset.done $0x0  }
0x2d7: {  	s25 =	simm.s32 $0xA420;
	v8 =	vand.u32 $0x7F, v8;
	[sflag:s23] =	ssyncadd.s32 $0xFFFFC000  }
0x2d8: {  	v12 =	vadd.s32 v0, v8;
	v9 =	vld [tilespmem:s25+$0xFFFFFFE0]  }
0x2d9: {  	v13 =	vadd.s32 v1, v8;
	v10 =	vld [tilespmem:s25+$0xFFFFFFF0]  }
0x2da: {  	v15 =	vadd.s32 v2, v8;
	v11 =	vld [tilespmem:s25+$0x0]  }
0x2db: {  	s26 =	simm.s32 $0x1;
	v16 =	vadd.s32 v3, v8;
	v14 =	vld [tilespmem:s25+$0x10]  }
.LBB2_34:
0x2dc: {  	v17 =	vmov s26;
	p0 =	sne.s32 s26, $0x7F  }
.Ltmp16:
0x2dd: {  	s25 =	sadd.s32 $0x40, s25;
	v17 =	vand.u32 $0x7F, v17;
	[tilespmem:v12+s20+$0x0] =	vst.idx.msk $0xffff, v9;
	(pc) =	sbr.rel @p0 .LBB2_34-.Ltmp16, $4  }
0x2de: {  	v9 =	vld [tilespmem:s25+$0xFFFFFFE0];
	v12 =	vadd.s32 v0, v17;
	[tilespmem:v13+s20+$0x0] =	vst.idx.msk $0xffff, v10  }
0x2df: {  	s26 =	sadd.s32 $0x1, s26;
	v13 =	vadd.s32 v1, v17;
	v10 =	vld [tilespmem:s25+$0xFFFFFFF0];
	[tilespmem:v15+s20+$0x0] =	vst.idx.msk $0xffff, v11  }
0x2e0: {  	v15 =	vadd.s32 v2, v17;
	v11 =	vld [tilespmem:s25+$0x0];
	[tilespmem:v16+s20+$0x0] =	vst.idx.msk $0xffff, v14  }
0x2e1: {  	v16 =	vadd.s32 v3, v17;
	v14 =	vld [tilespmem:s25+$0x10]  }
0x2e2: {  	_ =	sdelay $0x3  }
0x2e3: {  	[tilespmem:v12+s20+$0x0] =	vst.idx.msk $0xffff, v9  }
0x2e4: {  	[tilespmem:v13+s20+$0x0] =	vst.idx.msk $0xffff, v10  }
0x2e5: {  	[tilespmem:v15+s20+$0x0] =	vst.idx.msk $0xffff, v11  }
0x2e6: {  	s25 =	simm.s32 $0xC430;
	[tilespmem:v16+s20+$0x0] =	vst.idx.msk $0xffff, v14  }
0x2e7: {  	v12 =	vadd.s32 v4, v8;
	v10 =	vld [tilespmem:s25+$0xFFFFFFD0]  }
0x2e8: {  	v13 =	vadd.s32 v5, v8;
	v9 =	vld [tilespmem:s25+$0xFFFFFFE0]  }
0x2e9: {  	v15 =	vadd.s32 v6, v8;
	v11 =	vld [tilespmem:s25+$0xFFFFFFF0]  }
0x2ea: {  	s26 =	simm.s32 $0x1;
	v8 =	vadd.s32 v7, v8;
	v14 =	vld [tilespmem:s25+$0x0]  }
.LBB2_36:
0x2eb: {  	v16 =	vmov s26;
	p0 =	sne.s32 s26, $0x7F  }
.Ltmp17:
0x2ec: {  	s25 =	sadd.s32 $0x40, s25;
	v16 =	vand.u32 $0x7F, v16;
	[tilespmem:v12+s20+$0x0] =	vst.idx.msk $0xffff, v10;
	(pc) =	sbr.rel @p0 .LBB2_36-.Ltmp17, $4  }
0x2ed: {  	v10 =	vld [tilespmem:s25+$0xFFFFFFD0];
	v12 =	vadd.s32 v4, v16;
	[tilespmem:v13+s20+$0x0] =	vst.idx.msk $0xffff, v9  }
0x2ee: {  	s26 =	sadd.s32 $0x1, s26;
	v13 =	vadd.s32 v5, v16;
	v9 =	vld [tilespmem:s25+$0xFFFFFFE0];
	[tilespmem:v15+s20+$0x0] =	vst.idx.msk $0xffff, v11  }
0x2ef: {  	v15 =	vadd.s32 v6, v16;
	v11 =	vld [tilespmem:s25+$0xFFFFFFF0];
	[tilespmem:v8+s20+$0x0] =	vst.idx.msk $0xffff, v14  }
0x2f0: {  	v8 =	vadd.s32 v7, v16;
	v14 =	vld [tilespmem:s25+$0x0]  }
0x2f1: {  	_ =	sdelay $0x3  }
0x2f2: {  	[tilespmem:v12+s20+$0x0] =	vst.idx.msk $0xffff, v10  }
0x2f3: {  	[tilespmem:v13+s20+$0x0] =	vst.idx.msk $0xffff, v9  }
0x2f4: {  	[tilespmem:v15+s20+$0x0] =	vst.idx.msk $0xffff, v11  }
0x2f5: {  	s0 =	simm.s32 $0x13080;
	[tilespmem:v8+s20+$0x0] =	vst.idx.msk $0xffff, v14  }
0x2f6: {  	[hbm4b:s10+s3] =	stream.linear.scatter [tilespmem:s0], [sflag:$0x4], $0x80, $0x38;
	[tilespmem:$0x17D00] =	vst v63  }
0x2f7: {  	s29 =	simm.s32 $0x13108;
	s1 =	sadd.s32 $0x10, s10  }
0x2f8: {  	[hbm4b:s1+s3] =	stream.linear.scatter [tilespmem:s29], [sflag:$0x4], $0x80, $0x38;
	[tilespmem:$0x17D00] =	vst v63  }
0x2f9: {  	s30 =	simm.s32 $0x13190;
	s31 =	sadd.s32 $0x20, s10  }
0x2fa: {  	[hbm4b:s31+s3] =	stream.linear.scatter [tilespmem:s30], [sflag:$0x4], $0x80, $0x38;
	[tilespmem:$0x17D00] =	vst v63  }
0x2fb: {  	s25 =	sadd.s32 $0x30, s10;
	s1 =	simm.s32 $0x13218  }
0x2fc: {  	[hbm4b:s25+s3] =	stream.linear.scatter [tilespmem:s1], [sflag:$0x4], $0x80, $0x38;
	[tilespmem:$0x17D00] =	vst v63  }
0x2fd: {  	s26 =	simm.s32 $0x132A0;
	s29 =	sadd.s32 $0x40, s10  }
0x2fe: {  	[hbm4b:s29+s3] =	stream.linear.scatter [tilespmem:s26], [sflag:$0x4], $0x80, $0x38;
	[tilespmem:$0x17D00] =	vst v63  }
0x2ff: {  	s30 =	simm.s32 $0x13328;
	s31 =	sadd.s32 $0x50, s10  }
0x300: {  	[hbm4b:s31+s3] =	stream.linear.scatter [tilespmem:s30], [sflag:$0x4], $0x80, $0x38;
	[tilespmem:$0x17D00] =	vst v63  }
0x301: {  	s1 =	simm.s32 $0x133B0;
	s25 =	sadd.s32 $0x60, s10  }
0x302: {  	[hbm4b:s25+s3] =	stream.linear.scatter [tilespmem:s1], [sflag:$0x4], $0x80, $0x38;
	[tilespmem:$0x17D00] =	vst v63  }
0x303: {  	s26 =	simm.s32 $0x13438;
	s29 =	sadd.s32 $0x70, s10  }
0x304: {  	[hbm4b:s29+s3] =	stream.linear.scatter [tilespmem:s26], [sflag:$0x4], $0x80, $0x38;
	[tilespmem:$0x17D00] =	vst v63  }
0x305: {  	s30 =	simm.s32 $0x13548;
	s31 =	sadd.s32 $0x80, s10  }
0x306: {  	[hbm4b:s31+s3] =	stream.linear.scatter [tilespmem:s30], [sflag:$0x4], $0x80, $0x38;
	[tilespmem:$0x17D00] =	vst v63  }
0x307: {  	s1 =	simm.s32 $0x135D0;
	s25 =	sadd.s32 $0x90, s10  }
0x308: {  	[hbm4b:s25+s3] =	stream.linear.scatter [tilespmem:s1], [sflag:$0x4], $0x80, $0x38;
	[tilespmem:$0x17D00] =	vst v63  }
0x309: {  	s28 =	simm.s32 $0x13900;
	s26 =	simm.s32 $0x13658;
	s29 =	sadd.s32 $0xA0, s10  }
0x30a: {  	[hbm4b:s29+s3] =	stream.linear.scatter [tilespmem:s26], [sflag:$0x4], $0x80, $0x38;
	[tilespmem:$0x17D00] =	vst v63  }
0x30b: {  	s0 =	sadd.s32 $0xF0, s10;
	s30 =	simm.s32 $0x136E0;
	s31 =	sadd.s32 $0xB0, s10  }
0x30c: {  	[hbm4b:s31+s3] =	stream.linear.scatter [tilespmem:s30], [sflag:$0x4], $0x80, $0x38;
	[tilespmem:$0x17D00] =	vst v63  }
0x30d: {  	s1 =	simm.s32 $0x13768;
	s25 =	sadd.s32 $0xC0, s10;
	s26 =	simm.s32 $0x137F0  }
0x30e: {  	[hbm4b:s25+s3] =	stream.linear.scatter [tilespmem:s1], [sflag:$0x4], $0x80, $0x38;
	[tilespmem:$0x17D00] =	vst v63  }
0x30f: {  	s29 =	sadd.s32 $0xD0, s10;
	s30 =	simm.s32 $0x13878;
	s31 =	sadd.s32 $0xE0, s10  }
0x310: {  	[hbm4b:s29+s3] =	stream.linear.scatter [tilespmem:s26], [sflag:$0x4], $0x80, $0x38;
	[tilespmem:$0x17D00] =	vst v63  }
0x311: {  	s25 =	simm.s32 $0x990;
	s1 =	simm.s32 $0x4C80;
	s26 =	sadd.s32 $0x1000, s10  }
0x312: {  	[hbm4b:s31+s3] =	stream.linear.scatter [tilespmem:s30], [sflag:$0x4], $0x80, $0x38;
	[tilespmem:$0x17D00] =	vst v63  }
.LBB2_38:
0x313: {  	[hbm4b:s0+s3] =	stream.linear.scatter [tilespmem:s28], [sflag:$0x4], $0x80, $0x38;
	[tilespmem:$0x17D00] =	vst v63  }
0x314: {  	s28 =	smov.u32 s25;
	s0 =	smov.u32 s1  }
0x315: {  	s29 =	sadd.s32 $0x2640, s1;
	s25 =	sshra.s32 s0, $0x2;
	s0 =	sadd.s32 $0x13080, s28  }
0x316: {  	[hbm4b:s26+s3] =	stream.linear.scatter [tilespmem:s0], [sflag:$0x4], $0x80, $0x38;
	[tilespmem:$0x17D00] =	vst v63  }
0x317: {  	p0 =	sne.s32 s1, $0x10BC0;
	s1 =	sadd.s32 $0x10, s26;
	s0 =	sadd.s32 $0x13108, s28  }
0x318: {  	[hbm4b:s1+s3] =	stream.linear.scatter [tilespmem:s0], [sflag:$0x4], $0x80, $0x38;
	[tilespmem:$0x17D00] =	vst v63  }
0x319: {  	s0 =	sadd.s32 $0x13190, s28;
	s1 =	sadd.s32 $0x20, s26  }
0x31a: {  	[hbm4b:s1+s3] =	stream.linear.scatter [tilespmem:s0], [sflag:$0x4], $0x80, $0x38;
	[tilespmem:$0x17D00] =	vst v63  }
0x31b: {  	s0 =	sadd.s32 $0x13218, s28;
	s1 =	sadd.s32 $0x30, s26  }
0x31c: {  	[hbm4b:s1+s3] =	stream.linear.scatter [tilespmem:s0], [sflag:$0x4], $0x80, $0x38;
	[tilespmem:$0x17D00] =	vst v63  }
0x31d: {  	s0 =	sadd.s32 $0x132A0, s28;
	s1 =	sadd.s32 $0x40, s26  }
0x31e: {  	[hbm4b:s1+s3] =	stream.linear.scatter [tilespmem:s0], [sflag:$0x4], $0x80, $0x38;
	[tilespmem:$0x17D00] =	vst v63  }
0x31f: {  	s0 =	sadd.s32 $0x13328, s28;
	s1 =	sadd.s32 $0x50, s26  }
0x320: {  	[hbm4b:s1+s3] =	stream.linear.scatter [tilespmem:s0], [sflag:$0x4], $0x80, $0x38;
	[tilespmem:$0x17D00] =	vst v63  }
0x321: {  	s0 =	sadd.s32 $0x133B0, s28;
	s1 =	sadd.s32 $0x60, s26  }
0x322: {  	[hbm4b:s1+s3] =	stream.linear.scatter [tilespmem:s0], [sflag:$0x4], $0x80, $0x38;
	[tilespmem:$0x17D00] =	vst v63  }
0x323: {  	s0 =	sadd.s32 $0x13438, s28;
	s1 =	sadd.s32 $0x70, s26  }
0x324: {  	[hbm4b:s1+s3] =	stream.linear.scatter [tilespmem:s0], [sflag:$0x4], $0x80, $0x38;
	[tilespmem:$0x17D00] =	vst v63  }
0x325: {  	s0 =	sadd.s32 $0x13548, s28;
	s1 =	sadd.s32 $0x80, s26  }
0x326: {  	[hbm4b:s1+s3] =	stream.linear.scatter [tilespmem:s0], [sflag:$0x4], $0x80, $0x38;
	[tilespmem:$0x17D00] =	vst v63  }
0x327: {  	s0 =	sadd.s32 $0x135D0, s28;
	s1 =	sadd.s32 $0x90, s26  }
0x328: {  	[hbm4b:s1+s3] =	stream.linear.scatter [tilespmem:s0], [sflag:$0x4], $0x80, $0x38;
	[tilespmem:$0x17D00] =	vst v63  }
0x329: {  	s0 =	sadd.s32 $0x13658, s28;
	s1 =	sadd.s32 $0xA0, s26  }
0x32a: {  	[hbm4b:s1+s3] =	stream.linear.scatter [tilespmem:s0], [sflag:$0x4], $0x80, $0x38;
	[tilespmem:$0x17D00] =	vst v63  }
0x32b: {  	s0 =	sadd.s32 $0x136E0, s28;
	s1 =	sadd.s32 $0xB0, s26  }
0x32c: {  	[hbm4b:s1+s3] =	stream.linear.scatter [tilespmem:s0], [sflag:$0x4], $0x80, $0x38;
	[tilespmem:$0x17D00] =	vst v63  }
0x32d: {  	s0 =	sadd.s32 $0x13768, s28;
	s1 =	sadd.s32 $0xC0, s26  }
0x32e: {  	[hbm4b:s1+s3] =	stream.linear.scatter [tilespmem:s0], [sflag:$0x4], $0x80, $0x38;
	[tilespmem:$0x17D00] =	vst v63  }
.Ltmp18:
0x32f: {  	s0 =	sadd.s32 $0x137F0, s28;
	s1 =	sadd.s32 $0xD0, s26;
	(pc) =	sbr.rel @p0 .LBB2_38-.Ltmp18, $4  }
0x330: {  	[hbm4b:s1+s3] =	stream.linear.scatter [tilespmem:s0], [sflag:$0x4], $0x80, $0x38;
	[tilespmem:$0x17D00] =	vst v63  }
0x331: {  	s0 =	sadd.s32 $0x13878, s28;
	s1 =	sadd.s32 $0xE0, s26;
	s28 =	sadd.s32 $0x13900, s28  }
0x332: {  	[hbm4b:s1+s3] =	stream.linear.scatter [tilespmem:s0], [sflag:$0x4], $0x80, $0x38;
	[tilespmem:$0x17D00] =	vst v63  }
0x333: {  	s0 =	sadd.s32 $0xF0, s26;
	s26 =	sadd.s32 $0x1000, s26;
	s1 =	smov.u32 s29  }
0x334: {  	[hbm4b:s0+s3] =	stream.linear.scatter [tilespmem:s28], [sflag:$0x4], $0x80, $0x38;
	[tilespmem:$0x17D00] =	vst v63  }
0x335: {  	s30 =	sadd.s32 $0x13080, s25  }
0x336: {  	[hbm4b:s26+s3] =	stream.linear.scatter [tilespmem:s30], [sflag:$0x4], $0x80, $0x38;
	[tilespmem:$0x17D00] =	vst v63  }
0x337: {  	s31 =	sadd.s32 $0x13108, s25;
	s1 =	sadd.s32 $0x10, s26  }
0x338: {  	[hbm4b:s1+s3] =	stream.linear.scatter [tilespmem:s31], [sflag:$0x4], $0x80, $0x38;
	[tilespmem:$0x17D00] =	vst v63  }
0x339: {  	s28 =	sadd.s32 $0x13190, s25;
	s29 =	sadd.s32 $0x20, s26  }
0x33a: {  	[hbm4b:s29+s3] =	stream.linear.scatter [tilespmem:s28], [sflag:$0x4], $0x80, $0x38;
	[tilespmem:$0x17D00] =	vst v63  }
0x33b: {  	s30 =	sadd.s32 $0x13218, s25;
	s31 =	sadd.s32 $0x30, s26  }
0x33c: {  	[hbm4b:s31+s3] =	stream.linear.scatter [tilespmem:s30], [sflag:$0x4], $0x80, $0x38;
	[tilespmem:$0x17D00] =	vst v63  }
0x33d: {  	s28 =	sadd.s32 $0x132A0, s25;
	s29 =	sadd.s32 $0x40, s26  }
0x33e: {  	[hbm4b:s29+s3] =	stream.linear.scatter [tilespmem:s28], [sflag:$0x4], $0x80, $0x38;
	[tilespmem:$0x17D00] =	vst v63  }
0x33f: {  	s30 =	sadd.s32 $0x13328, s25;
	s31 =	sadd.s32 $0x50, s26  }
0x340: {  	[hbm4b:s31+s3] =	stream.linear.scatter [tilespmem:s30], [sflag:$0x4], $0x80, $0x38;
	[tilespmem:$0x17D00] =	vst v63  }
0x341: {  	s28 =	sadd.s32 $0x133B0, s25;
	s29 =	sadd.s32 $0x60, s26  }
0x342: {  	[hbm4b:s29+s3] =	stream.linear.scatter [tilespmem:s28], [sflag:$0x4], $0x80, $0x38;
	[tilespmem:$0x17D00] =	vst v63  }
0x343: {  	s30 =	sadd.s32 $0x13438, s25;
	s31 =	sadd.s32 $0x70, s26  }
0x344: {  	[hbm4b:s31+s3] =	stream.linear.scatter [tilespmem:s30], [sflag:$0x4], $0x80, $0x38;
	[tilespmem:$0x17D00] =	vst v63  }
0x345: {  	s28 =	sadd.s32 $0x13548, s25;
	s29 =	sadd.s32 $0x80, s26  }
0x346: {  	[hbm4b:s29+s3] =	stream.linear.scatter [tilespmem:s28], [sflag:$0x4], $0x80, $0x38;
	[tilespmem:$0x17D00] =	vst v63  }
0x347: {  	s30 =	sadd.s32 $0x135D0, s25;
	s31 =	sadd.s32 $0x90, s26  }
0x348: {  	[hbm4b:s31+s3] =	stream.linear.scatter [tilespmem:s30], [sflag:$0x4], $0x80, $0x38;
	[tilespmem:$0x17D00] =	vst v63  }
0x349: {  	s28 =	sadd.s32 $0x13658, s25;
	s29 =	sadd.s32 $0xA0, s26  }
0x34a: {  	[hbm4b:s29+s3] =	stream.linear.scatter [tilespmem:s28], [sflag:$0x4], $0x80, $0x38;
	[tilespmem:$0x17D00] =	vst v63  }
0x34b: {  	s30 =	sadd.s32 $0x136E0, s25;
	s31 =	sadd.s32 $0xB0, s26  }
0x34c: {  	[hbm4b:s31+s3] =	stream.linear.scatter [tilespmem:s30], [sflag:$0x4], $0x80, $0x38;
	[tilespmem:$0x17D00] =	vst v63  }
0x34d: {  	s28 =	sadd.s32 $0x13768, s25;
	s29 =	sadd.s32 $0xC0, s26  }
0x34e: {  	[hbm4b:s29+s3] =	stream.linear.scatter [tilespmem:s28], [sflag:$0x4], $0x80, $0x38;
	[tilespmem:$0x17D00] =	vst v63  }
0x34f: {  	s30 =	sadd.s32 $0x137F0, s25;
	s31 =	sadd.s32 $0xD0, s26  }
0x350: {  	[hbm4b:s31+s3] =	stream.linear.scatter [tilespmem:s30], [sflag:$0x4], $0x80, $0x38;
	[tilespmem:$0x17D00] =	vst v63  }
0x351: {  	s28 =	sadd.s32 $0x13878, s25;
	s29 =	sadd.s32 $0xE0, s26  }
0x352: {  	[hbm4b:s29+s3] =	stream.linear.scatter [tilespmem:s28], [sflag:$0x4], $0x80, $0x38;
	[tilespmem:$0x17D00] =	vst v63  }
0x353: {  	s24 =	sadd.s32 $0x1, s24;
	s30 =	sadd.s32 $0x13900, s25;
	s31 =	sadd.s32 $0xF0, s26  }
0x354: {  	[hbm4b:s31+s3] =	stream.linear.scatter [tilespmem:s30], [sflag:$0x4], $0x80, $0x38;
	[tilespmem:$0x17D00] =	vst v63  }
0x355: {  	p0 =	sne.s32 s24, s11;
	_ =	swait.ge [sflag:s22], $0x4000  }
.Ltmp19:
0x356: {  	[sflag:s22] =	ssyncset.done $0x0;
	(pc) =	sbr.rel @p0 .LBB2_1-.Ltmp19, $4  }
0x357: {  	[sflag:s22] =	ssyncadd.s32 $0xFFFFC000  }
0x358: {  	_ =	swait.ge [sflag:s23], $0x4000  }
0x359: {  	[sflag:s23] =	ssyncset.done $0x0  }
0x35a: {  	[sflag:s23] =	ssyncadd.s32 $0xFFFFC000  }
0x35b: {  	_ =	sfence.sel $0x180000  }
0x35c: {  	[bflag:$0x0] =	sbarrier.arrive $0xFFFF  }
0x35d: {  	_ =	strace $0x90000047  }
0x35e: {  	s0 =	stileid.u32;
	[bflag:$0x2] =	sbarrier.arrive $0xFFFF  }
0x35f: {  	p0 =	sne.s32 s0, $0x0;
	s0 =	rddreg [dreg:$0x2]  }
0x360: {  	s0 =	sadd.s32 @!p0 $0x100000, s0  }
0x361: {  	[sflag:s0] =	ssyncadd.tile.s32 @!p0 $0x1;
	_ =	shalt  }
.Lfunc_end2:
_tile_overlayer_lowered:
.L_overlay_start_2:
0x362: {  	(tag) =	ssettag $0x2  }
0x363: {  	s0 =	rddreg [dreg:$0x0];
	s2 =	stileid.u32  }
0x364: {  	s1 =	rddreg [dreg:$0x1];
	p0 =	sne.s32 s2, $0x0  }
0x365: {  	s3 =	rddreg [dreg:$0x2];
	[bflag:$0x3] =	sbarrier.arrive $0xFFFF;
	s2 =	simm.s32 @!p0 $0x1C05  }
0x366: {  	[timem:s3], [sflag:s2] =	dma.local @!p0 [hbm:s0], s1  }
0x367: {  	s0 =	simm.s32 @!p0 $0x5  }
0x368: {  	_ =	swait.ge @!p0 [sflag:s0], s1  }
0x369: {  	s1 =	ssub.s32 @!p0 $0x0, s1;
	[sflag:s0] =	ssyncset.done @!p0 $0x0  }
0x36a: {  	[sflag:s0] =	ssyncadd.s32 @!p0 s1  }
0x36b: {  	[bflag:$0x3] =	sbarrier.arrive $0xFFFF  }
0x36c: {  	_ =	shalt  }

</sc_bundles>
